<compile_context>
chip_gen: v7x
topology: tpu7x:2x2x1
jax: 0.10.2.dev20260603
libtpu: 0.0.44.dev20260713+nightly
codegen_flags: <defaults>
</compile_context>

<pallas_src>
import jax
import jax.numpy as jnp
from jax import lax
from jax.experimental import pallas as pl
from jax.experimental.pallas import tpu as pltpu
from jax.experimental.pallas import tpu_sc as plsc

E = 160000
N = 10000
H = 256
R = 6
HALF = 128
NC = 2
NS = 16
L = 16
PER_TILE = E // NS
B = 40
NCHUNK = PER_TILE // B
ROWS_PER_TILE = 624
ROWS_TAIL = N - NS * ROWS_PER_TILE
ZROWS = 16


def _sc_edge_scatter_body(x_hbm, rbft_hbm, i_hbm, wrbft_hbm, out_hbm,
                          x_v0, x_v1, h_v0, h_v1, rbf_v0, rbf_v1,
                          idx_v0, idx_v1, idx_v2, idx_v3,
                          w_v, zbuf_v, acc_sh, sem0, sem1, ssc0, ssc1):
    c = lax.axis_index("c")
    s = lax.axis_index("s")
    coff = c * HALF

    pltpu.sync_copy(wrbft_hbm, w_v)

    def zbody(r, _):
        for v in range(HALF // L):
            zbuf_v[r, pl.ds(v * L, L)] = jnp.zeros((L,), jnp.float32)
        return 0
    lax.fori_loop(0, ZROWS, zbody, 0)

    def zcopy(j, _):
        pltpu.sync_copy(
            zbuf_v, acc_sh.at[pl.ds(s * ROWS_PER_TILE + j * ZROWS, ZROWS), :])
        return 0
    lax.fori_loop(0, ROWS_PER_TILE // ZROWS, zcopy, 0)

    @pl.when(s == NS - 1)
    def _zero_tail():
        pltpu.sync_copy(zbuf_v.at[pl.ds(0, ROWS_TAIL), :],
                        acc_sh.at[pl.ds(NS * ROWS_PER_TILE, ROWS_TAIL), :])
    plsc.subcore_barrier()

    w = [[w_v[r, pl.ds(coff + v * L, L)] for v in range(HALF // L)]
         for r in range(R)]

    def issue(kk, xv, rv, iv, sem):
        e0 = s * PER_TILE + kk * B
        pltpu.async_copy(x_hbm.at[pl.ds(e0, B), pl.ds(coff, HALF)], xv, sem)
        pltpu.async_copy(rbft_hbm.at[pl.ds(e0, B), :], rv, sem)
        pltpu.async_copy(i_hbm.at[pl.ds(e0, B)], iv, sem)

    def wait_in(xv, rv, iv, sem):
        pltpu.make_async_copy(x_hbm.at[pl.ds(0, B), pl.ds(0, HALF)], xv, sem).wait()
        pltpu.make_async_copy(rbft_hbm.at[pl.ds(0, B), :], rv, sem).wait()
        pltpu.make_async_copy(i_hbm.at[pl.ds(0, B)], iv, sem).wait()

    def work(kk, xv, hv, rv, iv, iv_next, sem, sem_sc):
        wait_in(xv, rv, iv, sem)

        @pl.when(kk >= 2)
        def _wait_sc():
            pltpu.make_async_copy(hv, acc_sh.at[iv], sem_sc).wait()

        def ebody(e, _):
            rvec = rv[e, :]
            r0 = rvec[0]
            r1 = rvec[1]
            r2 = rvec[2]
            r3 = rvec[3]
            r4 = rvec[4]
            r5 = rvec[5]
            for v in range(HALF // L):
                xvec = xv[e, pl.ds(v * L, L)]
                acc = (r0 * w[0][v] + r1 * w[1][v] + r2 * w[2][v]
                       + r3 * w[3][v] + r4 * w[4][v] + r5 * w[5][v])
                hv[e, pl.ds(v * L, L)] = acc * xvec
            return 0
        lax.fori_loop(0, B, ebody, 0)

        pltpu.async_copy(hv, acc_sh.at[iv], sem_sc, add=True)

        @pl.when(kk + 2 < NCHUNK)
        def _prefetch():
            issue(kk + 2, xv, rv, iv_next, sem)

    issue(0, x_v0, rbf_v0, idx_v0, sem0)
    issue(1, x_v1, rbf_v1, idx_v1, sem1)
    bufs = [
        (x_v0, h_v0, rbf_v0, idx_v0, idx_v2, sem0, ssc0),
        (x_v1, h_v1, rbf_v1, idx_v1, idx_v3, sem1, ssc1),
        (x_v0, h_v0, rbf_v0, idx_v2, idx_v0, sem0, ssc0),
        (x_v1, h_v1, rbf_v1, idx_v3, idx_v1, sem1, ssc1),
    ]

    def chunk_body(kk, _):
        for q in range(4):
            @pl.when(kk % 4 == q)
            def _q(q=q):
                work(kk, *bufs[q])
        return 0
    lax.fori_loop(0, NCHUNK, chunk_body, 0)

    pltpu.make_async_copy(h_v0, acc_sh.at[idx_v0], ssc0).wait()
    pltpu.make_async_copy(h_v1, acc_sh.at[idx_v1], ssc1).wait()

    plsc.subcore_barrier()
    pltpu.sync_copy(acc_sh.at[pl.ds(s * ROWS_PER_TILE, ROWS_PER_TILE), :],
                    out_hbm.at[pl.ds(s * ROWS_PER_TILE, ROWS_PER_TILE),
                               pl.ds(coff, HALF)])

    @pl.when(s == NS - 1)
    def _write_tail():
        pltpu.sync_copy(
            acc_sh.at[pl.ds(NS * ROWS_PER_TILE, ROWS_TAIL), :],
            out_hbm.at[pl.ds(NS * ROWS_PER_TILE, ROWS_TAIL), pl.ds(coff, HALF)])


def _sc_edge_scatter(x, rbf_t, idx, wrbf_t):
    return pl.kernel(
        _sc_edge_scatter_body,
        out_type=jax.ShapeDtypeStruct((N, H), jnp.float32),
        mesh=plsc.VectorSubcoreMesh(core_axis_name="c", subcore_axis_name="s"),
        scratch_types=[
            pltpu.VMEM((B, HALF), jnp.float32),
            pltpu.VMEM((B, HALF), jnp.float32),
            pltpu.VMEM((B, HALF), jnp.float32),
            pltpu.VMEM((B, HALF), jnp.float32),
            pltpu.VMEM((B, L), jnp.float32),
            pltpu.VMEM((B, L), jnp.float32),
            pltpu.VMEM((B,), jnp.int32),
            pltpu.VMEM((B,), jnp.int32),
            pltpu.VMEM((B,), jnp.int32),
            pltpu.VMEM((B,), jnp.int32),
            pltpu.VMEM((R, H), jnp.float32),
            pltpu.VMEM((ZROWS, HALF), jnp.float32),
            pltpu.VMEM_SHARED((N, HALF), jnp.float32),
            pltpu.SemaphoreType.DMA,
            pltpu.SemaphoreType.DMA,
            pltpu.SemaphoreType.DMA,
            pltpu.SemaphoreType.DMA,
        ],
    )(x, rbf_t, idx, wrbf_t)


BLK = 1000


def _dot(a, b):
    return jnp.dot(a.astype(jnp.bfloat16), b.astype(jnp.bfloat16),
                   preferred_element_type=jnp.float32)


def _mlp_body(cnt_ref, h_ref, ww_ref, bw_ref, wup_ref, bup_ref,
              w0_ref, b0_ref, w1_ref, b1_ref, w2_ref, b2_ref, wout_ref,
              out_ref):
    h = h_ref[:, :] + cnt_ref[0]
    alpha = _dot(h, ww_ref[:, :]) + bw_ref[0]
    t = _dot(h, wup_ref[:, :]) + bup_ref[:, :]
    for w_ref, b_ref in ((w0_ref, b0_ref), (w1_ref, b1_ref), (w2_ref, b2_ref)):
        t = _dot(t, w_ref[:, :]) + b_ref[:, :]
        t = t * jax.nn.sigmoid(t)
    o = _dot(t, wout_ref[:, :])
    out_ref[:, :] = o * alpha


def _node_mlp(nodes, cnt, W_w, b_w, W_up, b_up, W_lin0, b_lin0,
              W_lin1, b_lin1, W_lin2, b_lin2, W_out):
    full = lambda shape: pl.BlockSpec(shape, lambda n: (0, 0))
    return pl.pallas_call(
        _mlp_body,
        grid=(N // BLK,),
        in_specs=[
            pl.BlockSpec(memory_space=pltpu.SMEM),
            pl.BlockSpec((BLK, H), lambda n: (n, 0)),
            full((H, 1)), pl.BlockSpec(memory_space=pltpu.SMEM),
            full((H, H)), full((1, H)),
            full((H, H)), full((1, H)),
            full((H, H)), full((1, H)),
            full((H, H)), full((1, H)),
            full((H, 1)),
        ],
        out_specs=pl.BlockSpec((BLK, 1), lambda n: (n, 0)),
        out_shape=jax.ShapeDtypeStruct((N, 1), jnp.float32),
    )(cnt, nodes, W_w.T, b_w, W_up.T, b_up.reshape(1, H),
      W_lin0.T, b_lin0.reshape(1, H), W_lin1.T, b_lin1.reshape(1, H),
      W_lin2.T, b_lin2.reshape(1, H), W_out.T)


def _round_bf16(v):
    u = jax.lax.bitcast_convert_type(v, jnp.uint32)
    u = (u + jnp.uint32(0x7FFF) + ((u >> 16) & jnp.uint32(1))) & jnp.uint32(0xFFFF0000)
    return jax.lax.bitcast_convert_type(u, jnp.float32)


def kernel(x, rbf, i, edge_index, edge_weight, batch, num_nodes,
           W_rbf, W_up, b_up, W_lin0, b_lin0, W_lin1, b_lin1,
           W_lin2, b_lin2, W_out, W_w, b_w):
    del edge_index, edge_weight
    idx = i.astype(jnp.int32)
    rbf_b = _round_bf16(rbf)
    wrbf_b = _round_bf16(W_rbf.T)
    rbf_pad = jnp.pad(rbf_b, ((0, 0), (0, L - R)))
    nodes = _sc_edge_scatter(x, rbf_pad, idx, wrbf_b)
    cnt = (jnp.asarray(num_nodes, jnp.float32) - jnp.float32(N)).reshape(1)
    out = _node_mlp(nodes, cnt, W_w, b_w, W_up, b_up, W_lin0, b_lin0,
                    W_lin1, b_lin1, W_lin2, b_lin2, W_out)
    return (out, batch)

# --- scband reference (transcript-rebuilt; emitter-appended) ---
"""Pipeline reference for scband-ehoutput-ppblock-31507880083578 (READ-ONLY COPY).

The authoritative reference and input builder live on the scoring server;
editing this copy changes nothing except your own understanding.
"""

import jax, jax.numpy as jnp
import numpy as np


def swish(x):
    return x * jax.nn.sigmoid(x)


def setup_inputs(seed: int = 0) -> dict:
    key = jax.random.key(seed)
    ks = jax.random.split(key, 16)
    E = 160000
    N = 10000
    H = 256
    R = 6
    OE = 256
    OC = 1
    inp = {}
    inp["x"] = jax.random.normal(ks[0], (E, H), dtype=jnp.float32)
    inp["rbf"] = jax.random.normal(ks[1], (E, R), dtype=jnp.float32)
    inp["i"] = jax.random.randint(ks[2], (E,), 0, N, dtype=jnp.int64 if jax.config.jax_enable_x64 else jnp.int32)
    inp["edge_index"] = jax.random.randint(ks[3], (2, E), 0, N, dtype=jnp.int64 if jax.config.jax_enable_x64 else jnp.int32)
    inp["edge_weight"] = jax.random.uniform(ks[4], (E,), dtype=jnp.float32)
    inp["batch"] = jnp.sort(jax.random.randint(ks[5], (N,), 0, 8, dtype=jnp.int64 if jax.config.jax_enable_x64 else jnp.int32))
    inp["num_nodes"] = N
    # learned parameters (torch Linear convention: weight[out, in])
    inp["W_rbf"] = jax.random.normal(ks[6], (H, R), dtype=jnp.float32) * 0.2
    inp["W_up"] = jax.random.normal(ks[7], (OE, H), dtype=jnp.float32) * 0.06
    inp["b_up"] = jnp.zeros((OE,), dtype=jnp.float32)
    inp["W_lin0"] = jax.random.normal(ks[8], (OE, OE), dtype=jnp.float32) * 0.06
    inp["b_lin0"] = jnp.zeros((OE,), dtype=jnp.float32)
    inp["W_lin1"] = jax.random.normal(ks[9], (OE, OE), dtype=jnp.float32) * 0.06
    inp["b_lin1"] = jnp.zeros((OE,), dtype=jnp.float32)
    inp["W_lin2"] = jax.random.normal(ks[10], (OE, OE), dtype=jnp.float32) * 0.06
    inp["b_lin2"] = jnp.zeros((OE,), dtype=jnp.float32)
    inp["W_out"] = jax.random.normal(ks[11], (OC, OE), dtype=jnp.float32) * 0.06
    inp["W_w"] = jax.random.normal(ks[12], (1, H), dtype=jnp.float32) * 0.06
    inp["b_w"] = jnp.zeros((1,), dtype=jnp.float32)
    return inp


def reference(x, rbf, i, edge_index, edge_weight, batch, num_nodes,
              W_rbf, W_up, b_up, W_lin0, b_lin0, W_lin1, b_lin1,
              W_lin2, b_lin2, W_out, W_w, b_w):
    # x = self.lin_rbf(rbf) * x
    h = (rbf @ W_rbf.T) * x
    # x = scatter(x, i, dim=0, dim_size=num_nodes)  (sum reduce)
    dim_size = batch.shape[0]
    h = jnp.zeros((dim_size, h.shape[1]), dtype=h.dtype).at[i].add(h)
    h = h + jnp.asarray(num_nodes - dim_size).astype(h.dtype)
    # energy_head == 'weighted-av-final-embeds'
    alpha = h @ W_w.T + b_w
    # lin_up
    h = h @ W_up.T + b_up
    # MLP stack with swish activation
    for W, b in ((W_lin0, b_lin0), (W_lin1, b_lin1), (W_lin2, b_lin2)):
        h = swish(h @ W.T + b)
    # final lin (no bias)
    h = h @ W_out.T
    # weighted by alpha
    h = h * alpha
    # pooling_loss is None in this branch; return (x, batch)
    return (h, batch)

if __name__ == "__main__":
    import jax
    _d = setup_inputs()
    print(jax.jit(kernel)(*tuple(_d.values())))

</pallas_src>

<mosaic_0001>
#map = affine_map<(d0, d1) -> (0, 0)>
#map1 = affine_map<(d0, d1) -> (0)>
module attributes {stable_mosaic.version = 14 : i64} {
  func.func @_sc_edge_scatter_body(%arg0: i32, %arg1: i32, %arg2: memref<160000x256xf32, #tpu.memory_space<hbm>>, %arg3: memref<160000x16xf32, #tpu.memory_space<hbm>>, %arg4: memref<160000xi32, #tpu.memory_space<hbm>>, %arg5: memref<6x256xf32, #tpu.memory_space<hbm>>, %arg6: memref<10000x256xf32, #tpu.memory_space<hbm>>, %arg7: memref<40x128xf32, #tpu.memory_space<vmem>>, %arg8: memref<40x128xf32, #tpu.memory_space<vmem>>, %arg9: memref<40x128xf32, #tpu.memory_space<vmem>>, %arg10: memref<40x128xf32, #tpu.memory_space<vmem>>, %arg11: memref<40x16xf32, #tpu.memory_space<vmem>>, %arg12: memref<40x16xf32, #tpu.memory_space<vmem>>, %arg13: memref<40xi32, #tpu.memory_space<vmem>>, %arg14: memref<40xi32, #tpu.memory_space<vmem>>, %arg15: memref<40xi32, #tpu.memory_space<vmem>>, %arg16: memref<40xi32, #tpu.memory_space<vmem>>, %arg17: memref<6x256xf32, #tpu.memory_space<vmem>>, %arg18: memref<16x128xf32, #tpu.memory_space<vmem>>, %arg19: memref<10000x128xf32, #tpu.memory_space<vmem_shared>>, %arg20: memref<!tpu.dma_semaphore, #tpu.memory_space<semaphore_mem>>, %arg21: memref<!tpu.dma_semaphore, #tpu.memory_space<semaphore_mem>>, %arg22: memref<!tpu.dma_semaphore, #tpu.memory_space<semaphore_mem>>, %arg23: memref<!tpu.dma_semaphore, #tpu.memory_space<semaphore_mem>>) attributes {dimension_semantics = [#tpu.dimension_semantics<core_parallel>, #tpu.dimension_semantics<subcore_parallel>], iteration_bounds = array<i64: 2, 16>, scalar_prefetch = 0 : i64, scratch_operands = 17 : i64, tpu.core_type = #tpu.core_type<sc_vector_subcore>, window_params = [{transform_indices = #map}, {transform_indices = #map}, {transform_indices = #map1}, {transform_indices = #map}, {transform_indices = #map}]} {
    %mul3A = arith.constant 128 : i32
    %mul3A_0 = arith.muli %arg0, %mul3A : i32
    "tpu.region"() ({
      %run_scoped3A = tpu.sem_alloc : memref<!tpu.dma_semaphore, #tpu.memory_space<semaphore_mem>>
      tpu.enqueue_dma source(%arg5 : memref<6x256xf32, #tpu.memory_space<hbm>>) target(%arg17 : memref<6x256xf32, #tpu.memory_space<vmem>>) target_semaphore(%run_scoped3A : memref<!tpu.dma_semaphore, #tpu.memory_space<semaphore_mem>>)
      tpu.wait_dma2 semaphore(%run_scoped3A : memref<!tpu.dma_semaphore, #tpu.memory_space<semaphore_mem>>) src(%arg5 : memref<6x256xf32, #tpu.memory_space<hbm>>) dst(%arg17 : memref<6x256xf32, #tpu.memory_space<vmem>>)
      tpu.yield
    }) : () -> ()
    %scan3A = arith.constant 0 : i32
    %scan3A_1 = arith.constant 0 : i32
    %scan3A_2 = arith.constant 16 : i32
    %scan3A_3 = arith.addi %scan3A_1, %scan3A_2 : i32
    %scan3A_4 = arith.constant 1 : i32
    %scan3A_5 = scf.for %scan3A_395 = %scan3A_1 to %scan3A_3 step %scan3A_4 iter_args(%scan3A_396 = %scan3A) -> (i32)  : i32 {
      %broadcast_in_dim3A = arith.constant 0.000000e+00 : f32
      %broadcast_in_dim3A_397 = vector.broadcast %broadcast_in_dim3A : f32 to vector<16xf32>
      %swap3A = arith.index_cast %scan3A_395 : i32 to index
      %swap3A_398 = arith.constant 0 : index
      %swap3A_399 = tpu.vector_load %arg18[%swap3A, %swap3A_398] {strides = array<i32>} : memref<16x128xf32, #tpu.memory_space<vmem>>, vector<1x16xf32>,
      %swap3A_400 = vector.shape_cast %swap3A_399 : vector<1x16xf32> to vector<16xf32>
      %swap3A_401 = vector.shape_cast %broadcast_in_dim3A_397 : vector<16xf32> to vector<1x16xf32>
      tpu.vector_store %arg18[%swap3A, %swap3A_398], %swap3A_401 {strides = array<i32>} : memref<16x128xf32, #tpu.memory_space<vmem>>, vector<1x16xf32>,
      %broadcast_in_dim3A_402 = arith.constant 0.000000e+00 : f32
      %broadcast_in_dim3A_403 = vector.broadcast %broadcast_in_dim3A_402 : f32 to vector<16xf32>
      %swap3A_404 = arith.index_cast %scan3A_395 : i32 to index
      %swap3A_405 = arith.constant 16 : index
      %swap3A_406 = tpu.vector_load %arg18[%swap3A_404, %swap3A_405] {strides = array<i32>} : memref<16x128xf32, #tpu.memory_space<vmem>>, vector<1x16xf32>,
      %swap3A_407 = vector.shape_cast %swap3A_406 : vector<1x16xf32> to vector<16xf32>
      %swap3A_408 = vector.shape_cast %broadcast_in_dim3A_403 : vector<16xf32> to vector<1x16xf32>
      tpu.vector_store %arg18[%swap3A_404, %swap3A_405], %swap3A_408 {strides = array<i32>} : memref<16x128xf32, #tpu.memory_space<vmem>>, vector<1x16xf32>,
      %broadcast_in_dim3A_409 = arith.constant 0.000000e+00 : f32
      %broadcast_in_dim3A_410 = vector.broadcast %broadcast_in_dim3A_409 : f32 to vector<16xf32>
      %swap3A_411 = arith.index_cast %scan3A_395 : i32 to index
      %swap3A_412 = arith.constant 32 : index
      %swap3A_413 = tpu.vector_load %arg18[%swap3A_411, %swap3A_412] {strides = array<i32>} : memref<16x128xf32, #tpu.memory_space<vmem>>, vector<1x16xf32>,
      %swap3A_414 = vector.shape_cast %swap3A_413 : vector<1x16xf32> to vector<16xf32>
      %swap3A_415 = vector.shape_cast %broadcast_in_dim3A_410 : vector<16xf32> to vector<1x16xf32>
      tpu.vector_store %arg18[%swap3A_411, %swap3A_412], %swap3A_415 {strides = array<i32>} : memref<16x128xf32, #tpu.memory_space<vmem>>, vector<1x16xf32>,
      %broadcast_in_dim3A_416 = arith.constant 0.000000e+00 : f32
      %broadcast_in_dim3A_417 = vector.broadcast %broadcast_in_dim3A_416 : f32 to vector<16xf32>
      %swap3A_418 = arith.index_cast %scan3A_395 : i32 to index
      %swap3A_419 = arith.constant 48 : index
      %swap3A_420 = tpu.vector_load %arg18[%swap3A_418, %swap3A_419] {strides = array<i32>} : memref<16x128xf32, #tpu.memory_space<vmem>>, vector<1x16xf32>,
      %swap3A_421 = vector.shape_cast %swap3A_420 : vector<1x16xf32> to vector<16xf32>
      %swap3A_422 = vector.shape_cast %broadcast_in_dim3A_417 : vector<16xf32> to vector<1x16xf32>
      tpu.vector_store %arg18[%swap3A_418, %swap3A_419], %swap3A_422 {strides = array<i32>} : memref<16x128xf32, #tpu.memory_space<vmem>>, vector<1x16xf32>,
      %broadcast_in_dim3A_423 = arith.constant 0.000000e+00 : f32
      %broadcast_in_dim3A_424 = vector.broadcast %broadcast_in_dim3A_423 : f32 to vector<16xf32>
      %swap3A_425 = arith.index_cast %scan3A_395 : i32 to index
      %swap3A_426 = arith.constant 64 : index
      %swap3A_427 = tpu.vector_load %arg18[%swap3A_425, %swap3A_426] {strides = array<i32>} : memref<16x128xf32, #tpu.memory_space<vmem>>, vector<1x16xf32>,
      %swap3A_428 = vector.shape_cast %swap3A_427 : vector<1x16xf32> to vector<16xf32>
      %swap3A_429 = vector.shape_cast %broadcast_in_dim3A_424 : vector<16xf32> to vector<1x16xf32>
      tpu.vector_store %arg18[%swap3A_425, %swap3A_426], %swap3A_429 {strides = array<i32>} : memref<16x128xf32, #tpu.memory_space<vmem>>, vector<1x16xf32>,
      %broadcast_in_dim3A_430 = arith.constant 0.000000e+00 : f32
      %broadcast_in_dim3A_431 = vector.broadcast %broadcast_in_dim3A_430 : f32 to vector<16xf32>
      %swap3A_432 = arith.index_cast %scan3A_395 : i32 to index
      %swap3A_433 = arith.constant 80 : index
      %swap3A_434 = tpu.vector_load %arg18[%swap3A_432, %swap3A_433] {strides = array<i32>} : memref<16x128xf32, #tpu.memory_space<vmem>>, vector<1x16xf32>,
      %swap3A_435 = vector.shape_cast %swap3A_434 : vector<1x16xf32> to vector<16xf32>
      %swap3A_436 = vector.shape_cast %broadcast_in_dim3A_431 : vector<16xf32> to vector<1x16xf32>
      tpu.vector_store %arg18[%swap3A_432, %swap3A_433], %swap3A_436 {strides = array<i32>} : memref<16x128xf32, #tpu.memory_space<vmem>>, vector<1x16xf32>,
      %broadcast_in_dim3A_437 = arith.constant 0.000000e+00 : f32
      %broadcast_in_dim3A_438 = vector.broadcast %broadcast_in_dim3A_437 : f32 to vector<16xf32>
      %swap3A_439 = arith.index_cast %scan3A_395 : i32 to index
      %swap3A_440 = arith.constant 96 : index
      %swap3A_441 = tpu.vector_load %arg18[%swap3A_439, %swap3A_440] {strides = array<i32>} : memref<16x128xf32, #tpu.memory_space<vmem>>, vector<1x16xf32>,
      %swap3A_442 = vector.shape_cast %swap3A_441 : vector<1x16xf32> to vector<16xf32>
      %swap3A_443 = vector.shape_cast %broadcast_in_dim3A_438 : vector<16xf32> to vector<1x16xf32>
      tpu.vector_store %arg18[%swap3A_439, %swap3A_440], %swap3A_443 {strides = array<i32>} : memref<16x128xf32, #tpu.memory_space<vmem>>, vector<1x16xf32>,
      %broadcast_in_dim3A_444 = arith.constant 0.000000e+00 : f32
      %broadcast_in_dim3A_445 = vector.broadcast %broadcast_in_dim3A_444 : f32 to vector<16xf32>
      %swap3A_446 = arith.index_cast %scan3A_395 : i32 to index
      %swap3A_447 = arith.constant 112 : index
      %swap3A_448 = tpu.vector_load %arg18[%swap3A_446, %swap3A_447] {strides = array<i32>} : memref<16x128xf32, #tpu.memory_space<vmem>>, vector<1x16xf32>,
      %swap3A_449 = vector.shape_cast %swap3A_448 : vector<1x16xf32> to vector<16xf32>
      %swap3A_450 = vector.shape_cast %broadcast_in_dim3A_445 : vector<16xf32> to vector<1x16xf32>
      tpu.vector_store %arg18[%swap3A_446, %swap3A_447], %swap3A_450 {strides = array<i32>} : memref<16x128xf32, #tpu.memory_space<vmem>>, vector<1x16xf32>,
      %scan3A_451 = arith.constant 0 : i32
      scf.yield %scan3A_451 : i32
    }
    %scan3A_6 = arith.constant 16 : i32
    %scan3A_7 = arith.constant 0 : i32
    %scan3A_8 = arith.constant 0 : i32
    %scan3A_9 = arith.constant 39 : i32
    %scan3A_10 = arith.addi %scan3A_8, %scan3A_9 : i32
    %scan3A_11 = arith.constant 1 : i32
    %scan3A_12 = scf.for %scan3A_395 = %scan3A_8 to %scan3A_10 step %scan3A_11 iter_args(%scan3A_396 = %scan3A_7) -> (i32)  : i32 {
      %mul3A_397 = arith.constant 624 : i32
      %mul3A_398 = arith.muli %arg1, %mul3A_397 : i32
      %mul3A_399 = arith.constant 16 : i32
      %mul3A_400 = arith.muli %scan3A_395, %mul3A_399 : i32
      %add3A_401 = arith.addi %mul3A_398, %mul3A_400 : i32
      "tpu.region"() ({
        %run_scoped3A = tpu.sem_alloc : memref<!tpu.dma_semaphore, #tpu.memory_space<semaphore_mem>>
        %dma_start3A_403 = arith.constant 0 : i32
        %dma_start3A_404 = tpu.memref_slice %arg19[%add3A_401, %dma_start3A_403] : memref<10000x128xf32, #tpu.memory_space<vmem_shared>> -> memref<16x128xf32, #tpu.memory_space<vmem_shared>>
        %dma_start3A_405 = arith.constant 0 : i32
        %dma_start3A_406 = tpu.memref_slice %arg19[%add3A_401, %dma_start3A_405] : memref<10000x128xf32, #tpu.memory_space<vmem_shared>> -> memref<16x128xf32, #tpu.memory_space<vmem_shared>>
        tpu.enqueue_dma source(%arg18 : memref<16x128xf32, #tpu.memory_space<vmem>>) target(%dma_start3A_406 : memref<16x128xf32, #tpu.memory_space<vmem_shared>>) target_semaphore(%run_scoped3A : memref<!tpu.dma_semaphore, #tpu.memory_space<semaphore_mem>>)
        %dma_wait3A_407 = arith.constant 0 : i32
        %dma_wait3A_408 = tpu.memref_slice %arg19[%add3A_401, %dma_wait3A_407] : memref<10000x128xf32, #tpu.memory_space<vmem_shared>> -> memref<16x128xf32, #tpu.memory_space<vmem_shared>>
        %dma_wait3A_409 = arith.constant 0 : i32
        %dma_wait3A_410 = tpu.memref_slice %arg19[%add3A_401, %dma_wait3A_409] : memref<10000x128xf32, #tpu.memory_space<vmem_shared>> -> memref<16x128xf32, #tpu.memory_space<vmem_shared>>
        tpu.wait_dma2 semaphore(%run_scoped3A : memref<!tpu.dma_semaphore, #tpu.memory_space<semaphore_mem>>) src(%arg18 : memref<16x128xf32, #tpu.memory_space<vmem>>) dst(%dma_wait3A_410 : memref<16x128xf32, #tpu.memory_space<vmem_shared>>)
        tpu.yield
      }) : () -> ()
      %scan3A_402 = arith.constant 0 : i32
      scf.yield %scan3A_402 : i32
    }
    %scan3A_13 = arith.constant 39 : i32
    %eq3A = arith.constant 15 : i32
    %eq3A_14 = arith.cmpi eq, %arg1, %eq3A : i32
    %convert_element_type3A = arith.extui %eq3A_14 : i1 to i32
    %cond3A = arith.constant 0 : i32
    %cond3A_15 = arith.cmpi ne, %convert_element_type3A, %cond3A : i32
    scf.if %cond3A_15 {
      "tpu.region"() ({
        %run_scoped3A = tpu.sem_alloc : memref<!tpu.dma_semaphore, #tpu.memory_space<semaphore_mem>>
        %dma_start3A_395 = arith.constant 0 : i32
        %dma_start3A_396 = arith.constant 0 : i32
        %dma_start3A_397 = tpu.memref_slice %arg18[%dma_start3A_395, %dma_start3A_396] : memref<16x128xf32, #tpu.memory_space<vmem>> -> memref<16x128xf32, #tpu.memory_space<vmem>>
        %dma_start3A_398 = arith.constant 9984 : i32
        %dma_start3A_399 = arith.constant 0 : i32
        %dma_start3A_400 = tpu.memref_slice %arg19[%dma_start3A_398, %dma_start3A_399] : memref<10000x128xf32, #tpu.memory_space<vmem_shared>> -> memref<16x128xf32, #tpu.memory_space<vmem_shared>>
        %dma_start3A_401 = arith.constant 9984 : i32
        %dma_start3A_402 = arith.constant 0 : i32
        %dma_start3A_403 = tpu.memref_slice %arg19[%dma_start3A_401, %dma_start3A_402] : memref<10000x128xf32, #tpu.memory_space<vmem_shared>> -> memref<16x128xf32, #tpu.memory_space<vmem_shared>>
        %dma_start3A_404 = arith.constant 0 : i32
        %dma_start3A_405 = arith.constant 0 : i32
        %dma_start3A_406 = tpu.memref_slice %arg18[%dma_start3A_404, %dma_start3A_405] : memref<16x128xf32, #tpu.memory_space<vmem>> -> memref<16x128xf32, #tpu.memory_space<vmem>>
        tpu.enqueue_dma source(%dma_start3A_406 : memref<16x128xf32, #tpu.memory_space<vmem>>) target(%dma_start3A_403 : memref<16x128xf32, #tpu.memory_space<vmem_shared>>) target_semaphore(%run_scoped3A : memref<!tpu.dma_semaphore, #tpu.memory_space<semaphore_mem>>)
        %dma_wait3A_407 = arith.constant 0 : i32
        %dma_wait3A_408 = arith.constant 0 : i32
        %dma_wait3A_409 = tpu.memref_slice %arg18[%dma_wait3A_407, %dma_wait3A_408] : memref<16x128xf32, #tpu.memory_space<vmem>> -> memref<16x128xf32, #tpu.memory_space<vmem>>
        %dma_wait3A_410 = arith.constant 9984 : i32
        %dma_wait3A_411 = arith.constant 0 : i32
        %dma_wait3A_412 = tpu.memref_slice %arg19[%dma_wait3A_410, %dma_wait3A_411] : memref<10000x128xf32, #tpu.memory_space<vmem_shared>> -> memref<16x128xf32, #tpu.memory_space<vmem_shared>>
        %dma_wait3A_413 = arith.constant 9984 : i32
        %dma_wait3A_414 = arith.constant 0 : i32
        %dma_wait3A_415 = tpu.memref_slice %arg19[%dma_wait3A_413, %dma_wait3A_414] : memref<10000x128xf32, #tpu.memory_space<vmem_shared>> -> memref<16x128xf32, #tpu.memory_space<vmem_shared>>
        %dma_wait3A_416 = arith.constant 0 : i32
        %dma_wait3A_417 = arith.constant 0 : i32
        %dma_wait3A_418 = tpu.memref_slice %arg18[%dma_wait3A_416, %dma_wait3A_417] : memref<16x128xf32, #tpu.memory_space<vmem>> -> memref<16x128xf32, #tpu.memory_space<vmem>>
        tpu.wait_dma2 semaphore(%run_scoped3A : memref<!tpu.dma_semaphore, #tpu.memory_space<semaphore_mem>>) src(%dma_wait3A_418 : memref<16x128xf32, #tpu.memory_space<vmem>>) dst(%dma_wait3A_415 : memref<16x128xf32, #tpu.memory_space<vmem_shared>>)
        tpu.yield
      }) : () -> ()
    } else {
    }
    %barrier3A = arith.constant 0 : index
    tpu.barrier barrier_id(%barrier3A)
    %add3A = arith.constant 0 : i32
    %add3A_16 = arith.addi %mul3A_0, %add3A : i32
    %get3A = arith.constant 0 : i32
    %get3A_17 = arith.index_cast %get3A : i32 to index
    %get3A_18 = arith.index_cast %add3A_16 : i32 to index
    %get3A_19 = tpu.vector_load %arg17[%get3A_17, %get3A_18] {strides = array<i32>} : memref<6x256xf32, #tpu.memory_space<vmem>>, vector<1x16xf32>,
    %get3A_20 = vector.shape_cast %get3A_19 : vector<1x16xf32> to vector<16xf32>
    %add3A_21 = arith.constant 16 : i32
    %add3A_22 = arith.addi %mul3A_0, %add3A_21 : i32
    %get3A_23 = arith.constant 0 : i32
    %get3A_24 = arith.index_cast %get3A_23 : i32 to index
    %get3A_25 = arith.index_cast %add3A_22 : i32 to index
    %get3A_26 = tpu.vector_load %arg17[%get3A_24, %get3A_25] {strides = array<i32>} : memref<6x256xf32, #tpu.memory_space<vmem>>, vector<1x16xf32>,
    %get3A_27 = vector.shape_cast %get3A_26 : vector<1x16xf32> to vector<16xf32>
    %add3A_28 = arith.constant 32 : i32
    %add3A_29 = arith.addi %mul3A_0, %add3A_28 : i32
    %get3A_30 = arith.constant 0 : i32
    %get3A_31 = arith.index_cast %get3A_30 : i32 to index
    %get3A_32 = arith.index_cast %add3A_29 : i32 to index
    %get3A_33 = tpu.vector_load %arg17[%get3A_31, %get3A_32] {strides = array<i32>} : memref<6x256xf32, #tpu.memory_space<vmem>>, vector<1x16xf32>,
    %get3A_34 = vector.shape_cast %get3A_33 : vector<1x16xf32> to vector<16xf32>
    %add3A_35 = arith.constant 48 : i32
    %add3A_36 = arith.addi %mul3A_0, %add3A_35 : i32
    %get3A_37 = arith.constant 0 : i32
    %get3A_38 = arith.index_cast %get3A_37 : i32 to index
    %get3A_39 = arith.index_cast %add3A_36 : i32 to index
    %get3A_40 = tpu.vector_load %arg17[%get3A_38, %get3A_39] {strides = array<i32>} : memref<6x256xf32, #tpu.memory_space<vmem>>, vector<1x16xf32>,
    %get3A_41 = vector.shape_cast %get3A_40 : vector<1x16xf32> to vector<16xf32>
    %add3A_42 = arith.constant 64 : i32
    %add3A_43 = arith.addi %mul3A_0, %add3A_42 : i32
    %get3A_44 = arith.constant 0 : i32
    %get3A_45 = arith.index_cast %get3A_44 : i32 to index
    %get3A_46 = arith.index_cast %add3A_43 : i32 to index
    %get3A_47 = tpu.vector_load %arg17[%get3A_45, %get3A_46] {strides = array<i32>} : memref<6x256xf32, #tpu.memory_space<vmem>>, vector<1x16xf32>,
    %get3A_48 = vector.shape_cast %get3A_47 : vector<1x16xf32> to vector<16xf32>
    %add3A_49 = arith.constant 80 : i32
    %add3A_50 = arith.addi %mul3A_0, %add3A_49 : i32
    %get3A_51 = arith.constant 0 : i32
    %get3A_52 = arith.index_cast %get3A_51 : i32 to index
    %get3A_53 = arith.index_cast %add3A_50 : i32 to index
    %get3A_54 = tpu.vector_load %arg17[%get3A_52, %get3A_53] {strides = array<i32>} : memref<6x256xf32, #tpu.memory_space<vmem>>, vector<1x16xf32>,
    %get3A_55 = vector.shape_cast %get3A_54 : vector<1x16xf32> to vector<16xf32>
    %add3A_56 = arith.constant 96 : i32
    %add3A_57 = arith.addi %mul3A_0, %add3A_56 : i32
    %get3A_58 = arith.constant 0 : i32
    %get3A_59 = arith.index_cast %get3A_58 : i32 to index
    %get3A_60 = arith.index_cast %add3A_57 : i32 to index
    %get3A_61 = tpu.vector_load %arg17[%get3A_59, %get3A_60] {strides = array<i32>} : memref<6x256xf32, #tpu.memory_space<vmem>>, vector<1x16xf32>,
    %get3A_62 = vector.shape_cast %get3A_61 : vector<1x16xf32> to vector<16xf32>
    %add3A_63 = arith.constant 112 : i32
    %add3A_64 = arith.addi %mul3A_0, %add3A_63 : i32
    %get3A_65 = arith.constant 0 : i32
    %get3A_66 = arith.index_cast %get3A_65 : i32 to index
    %get3A_67 = arith.index_cast %add3A_64 : i32 to index
    %get3A_68 = tpu.vector_load %arg17[%get3A_66, %get3A_67] {strides = array<i32>} : memref<6x256xf32, #tpu.memory_space<vmem>>, vector<1x16xf32>,
    %get3A_69 = vector.shape_cast %get3A_68 : vector<1x16xf32> to vector<16xf32>
    %add3A_70 = arith.constant 0 : i32
    %add3A_71 = arith.addi %mul3A_0, %add3A_70 : i32
    %get3A_72 = arith.constant 1 : i32
    %get3A_73 = arith.index_cast %get3A_72 : i32 to index
    %get3A_74 = arith.index_cast %add3A_71 : i32 to index
    %get3A_75 = tpu.vector_load %arg17[%get3A_73, %get3A_74] {strides = array<i32>} : memref<6x256xf32, #tpu.memory_space<vmem>>, vector<1x16xf32>,
    %get3A_76 = vector.shape_cast %get3A_75 : vector<1x16xf32> to vector<16xf32>
    %add3A_77 = arith.constant 16 : i32
    %add3A_78 = arith.addi %mul3A_0, %add3A_77 : i32
    %get3A_79 = arith.constant 1 : i32
    %get3A_80 = arith.index_cast %get3A_79 : i32 to index
    %get3A_81 = arith.index_cast %add3A_78 : i32 to index
    %get3A_82 = tpu.vector_load %arg17[%get3A_80, %get3A_81] {strides = array<i32>} : memref<6x256xf32, #tpu.memory_space<vmem>>, vector<1x16xf32>,
    %get3A_83 = vector.shape_cast %get3A_82 : vector<1x16xf32> to vector<16xf32>
    %add3A_84 = arith.constant 32 : i32
    %add3A_85 = arith.addi %mul3A_0, %add3A_84 : i32
    %get3A_86 = arith.constant 1 : i32
    %get3A_87 = arith.index_cast %get3A_86 : i32 to index
    %get3A_88 = arith.index_cast %add3A_85 : i32 to index
    %get3A_89 = tpu.vector_load %arg17[%get3A_87, %get3A_88] {strides = array<i32>} : memref<6x256xf32, #tpu.memory_space<vmem>>, vector<1x16xf32>,
    %get3A_90 = vector.shape_cast %get3A_89 : vector<1x16xf32> to vector<16xf32>
    %add3A_91 = arith.constant 48 : i32
    %add3A_92 = arith.addi %mul3A_0, %add3A_91 : i32
    %get3A_93 = arith.constant 1 : i32
    %get3A_94 = arith.index_cast %get3A_93 : i32 to index
    %get3A_95 = arith.index_cast %add3A_92 : i32 to index
    %get3A_96 = tpu.vector_load %arg17[%get3A_94, %get3A_95] {strides = array<i32>} : memref<6x256xf32, #tpu.memory_space<vmem>>, vector<1x16xf32>,
    %get3A_97 = vector.shape_cast %get3A_96 : vector<1x16xf32> to vector<16xf32>
    %add3A_98 = arith.constant 64 : i32
    %add3A_99 = arith.addi %mul3A_0, %add3A_98 : i32
    %get3A_100 = arith.constant 1 : i32
    %get3A_101 = arith.index_cast %get3A_100 : i32 to index
    %get3A_102 = arith.index_cast %add3A_99 : i32 to index
    %get3A_103 = tpu.vector_load %arg17[%get3A_101, %get3A_102] {strides = array<i32>} : memref<6x256xf32, #tpu.memory_space<vmem>>, vector<1x16xf32>,
    %get3A_104 = vector.shape_cast %get3A_103 : vector<1x16xf32> to vector<16xf32>
    %add3A_105 = arith.constant 80 : i32
    %add3A_106 = arith.addi %mul3A_0, %add3A_105 : i32
    %get3A_107 = arith.constant 1 : i32
    %get3A_108 = arith.index_cast %get3A_107 : i32 to index
    %get3A_109 = arith.index_cast %add3A_106 : i32 to index
    %get3A_110 = tpu.vector_load %arg17[%get3A_108, %get3A_109] {strides = array<i32>} : memref<6x256xf32, #tpu.memory_space<vmem>>, vector<1x16xf32>,
    %get3A_111 = vector.shape_cast %get3A_110 : vector<1x16xf32> to vector<16xf32>
    %add3A_112 = arith.constant 96 : i32
    %add3A_113 = arith.addi %mul3A_0, %add3A_112 : i32
    %get3A_114 = arith.constant 1 : i32
    %get3A_115 = arith.index_cast %get3A_114 : i32 to index
    %get3A_116 = arith.index_cast %add3A_113 : i32 to index
    %get3A_117 = tpu.vector_load %arg17[%get3A_115, %get3A_116] {strides = array<i32>} : memref<6x256xf32, #tpu.memory_space<vmem>>, vector<1x16xf32>,
    %get3A_118 = vector.shape_cast %get3A_117 : vector<1x16xf32> to vector<16xf32>
    %add3A_119 = arith.constant 112 : i32
    %add3A_120 = arith.addi %mul3A_0, %add3A_119 : i32
    %get3A_121 = arith.constant 1 : i32
    %get3A_122 = arith.index_cast %get3A_121 : i32 to index
    %get3A_123 = arith.index_cast %add3A_120 : i32 to index
    %get3A_124 = tpu.vector_load %arg17[%get3A_122, %get3A_123] {strides = array<i32>} : memref<6x256xf32, #tpu.memory_space<vmem>>, vector<1x16xf32>,
    %get3A_125 = vector.shape_cast %get3A_124 : vector<1x16xf32> to vector<16xf32>
    %add3A_126 = arith.constant 0 : i32
    %add3A_127 = arith.addi %mul3A_0, %add3A_126 : i32
    %get3A_128 = arith.constant 2 : i32
    %get3A_129 = arith.index_cast %get3A_128 : i32 to index
    %get3A_130 = arith.index_cast %add3A_127 : i32 to index
    %get3A_131 = tpu.vector_load %arg17[%get3A_129, %get3A_130] {strides = array<i32>} : memref<6x256xf32, #tpu.memory_space<vmem>>, vector<1x16xf32>,
    %get3A_132 = vector.shape_cast %get3A_131 : vector<1x16xf32> to vector<16xf32>
    %add3A_133 = arith.constant 16 : i32
    %add3A_134 = arith.addi %mul3A_0, %add3A_133 : i32
    %get3A_135 = arith.constant 2 : i32
    %get3A_136 = arith.index_cast %get3A_135 : i32 to index
    %get3A_137 = arith.index_cast %add3A_134 : i32 to index
    %get3A_138 = tpu.vector_load %arg17[%get3A_136, %get3A_137] {strides = array<i32>} : memref<6x256xf32, #tpu.memory_space<vmem>>, vector<1x16xf32>,
    %get3A_139 = vector.shape_cast %get3A_138 : vector<1x16xf32> to vector<16xf32>
    %add3A_140 = arith.constant 32 : i32
    %add3A_141 = arith.addi %mul3A_0, %add3A_140 : i32
    %get3A_142 = arith.constant 2 : i32
    %get3A_143 = arith.index_cast %get3A_142 : i32 to index
    %get3A_144 = arith.index_cast %add3A_141 : i32 to index
    %get3A_145 = tpu.vector_load %arg17[%get3A_143, %get3A_144] {strides = array<i32>} : memref<6x256xf32, #tpu.memory_space<vmem>>, vector<1x16xf32>,
    %get3A_146 = vector.shape_cast %get3A_145 : vector<1x16xf32> to vector<16xf32>
    %add3A_147 = arith.constant 48 : i32
    %add3A_148 = arith.addi %mul3A_0, %add3A_147 : i32
    %get3A_149 = arith.constant 2 : i32
    %get3A_150 = arith.index_cast %get3A_149 : i32 to index
    %get3A_151 = arith.index_cast %add3A_148 : i32 to index
    %get3A_152 = tpu.vector_load %arg17[%get3A_150, %get3A_151] {strides = array<i32>} : memref<6x256xf32, #tpu.memory_space<vmem>>, vector<1x16xf32>,
    %get3A_153 = vector.shape_cast %get3A_152 : vector<1x16xf32> to vector<16xf32>
    %add3A_154 = arith.constant 64 : i32
    %add3A_155 = arith.addi %mul3A_0, %add3A_154 : i32
    %get3A_156 = arith.constant 2 : i32
    %get3A_157 = arith.index_cast %get3A_156 : i32 to index
    %get3A_158 = arith.index_cast %add3A_155 : i32 to index
    %get3A_159 = tpu.vector_load %arg17[%get3A_157, %get3A_158] {strides = array<i32>} : memref<6x256xf32, #tpu.memory_space<vmem>>, vector<1x16xf32>,
    %get3A_160 = vector.shape_cast %get3A_159 : vector<1x16xf32> to vector<16xf32>
    %add3A_161 = arith.constant 80 : i32
    %add3A_162 = arith.addi %mul3A_0, %add3A_161 : i32
    %get3A_163 = arith.constant 2 : i32
    %get3A_164 = arith.index_cast %get3A_163 : i32 to index
    %get3A_165 = arith.index_cast %add3A_162 : i32 to index
    %get3A_166 = tpu.vector_load %arg17[%get3A_164, %get3A_165] {strides = array<i32>} : memref<6x256xf32, #tpu.memory_space<vmem>>, vector<1x16xf32>,
    %get3A_167 = vector.shape_cast %get3A_166 : vector<1x16xf32> to vector<16xf32>
    %add3A_168 = arith.constant 96 : i32
    %add3A_169 = arith.addi %mul3A_0, %add3A_168 : i32
    %get3A_170 = arith.constant 2 : i32
    %get3A_171 = arith.index_cast %get3A_170 : i32 to index
    %get3A_172 = arith.index_cast %add3A_169 : i32 to index
    %get3A_173 = tpu.vector_load %arg17[%get3A_171, %get3A_172] {strides = array<i32>} : memref<6x256xf32, #tpu.memory_space<vmem>>, vector<1x16xf32>,
    %get3A_174 = vector.shape_cast %get3A_173 : vector<1x16xf32> to vector<16xf32>
    %add3A_175 = arith.constant 112 : i32
    %add3A_176 = arith.addi %mul3A_0, %add3A_175 : i32
    %get3A_177 = arith.constant 2 : i32
    %get3A_178 = arith.index_cast %get3A_177 : i32 to index
    %get3A_179 = arith.index_cast %add3A_176 : i32 to index
    %get3A_180 = tpu.vector_load %arg17[%get3A_178, %get3A_179] {strides = array<i32>} : memref<6x256xf32, #tpu.memory_space<vmem>>, vector<1x16xf32>,
    %get3A_181 = vector.shape_cast %get3A_180 : vector<1x16xf32> to vector<16xf32>
    %add3A_182 = arith.constant 0 : i32
    %add3A_183 = arith.addi %mul3A_0, %add3A_182 : i32
    %get3A_184 = arith.constant 3 : i32
    %get3A_185 = arith.index_cast %get3A_184 : i32 to index
    %get3A_186 = arith.index_cast %add3A_183 : i32 to index
    %get3A_187 = tpu.vector_load %arg17[%get3A_185, %get3A_186] {strides = array<i32>} : memref<6x256xf32, #tpu.memory_space<vmem>>, vector<1x16xf32>,
    %get3A_188 = vector.shape_cast %get3A_187 : vector<1x16xf32> to vector<16xf32>
    %add3A_189 = arith.constant 16 : i32
    %add3A_190 = arith.addi %mul3A_0, %add3A_189 : i32
    %get3A_191 = arith.constant 3 : i32
    %get3A_192 = arith.index_cast %get3A_191 : i32 to index
    %get3A_193 = arith.index_cast %add3A_190 : i32 to index
    %get3A_194 = tpu.vector_load %arg17[%get3A_192, %get3A_193] {strides = array<i32>} : memref<6x256xf32, #tpu.memory_space<vmem>>, vector<1x16xf32>,
    %get3A_195 = vector.shape_cast %get3A_194 : vector<1x16xf32> to vector<16xf32>
    %add3A_196 = arith.constant 32 : i32
    %add3A_197 = arith.addi %mul3A_0, %add3A_196 : i32
    %get3A_198 = arith.constant 3 : i32
    %get3A_199 = arith.index_cast %get3A_198 : i32 to index
    %get3A_200 = arith.index_cast %add3A_197 : i32 to index
    %get3A_201 = tpu.vector_load %arg17[%get3A_199, %get3A_200] {strides = array<i32>} : memref<6x256xf32, #tpu.memory_space<vmem>>, vector<1x16xf32>,
    %get3A_202 = vector.shape_cast %get3A_201 : vector<1x16xf32> to vector<16xf32>
    %add3A_203 = arith.constant 48 : i32
    %add3A_204 = arith.addi %mul3A_0, %add3A_203 : i32
    %get3A_205 = arith.constant 3 : i32
    %get3A_206 = arith.index_cast %get3A_205 : i32 to index
    %get3A_207 = arith.index_cast %add3A_204 : i32 to index
    %get3A_208 = tpu.vector_load %arg17[%get3A_206, %get3A_207] {strides = array<i32>} : memref<6x256xf32, #tpu.memory_space<vmem>>, vector<1x16xf32>,
    %get3A_209 = vector.shape_cast %get3A_208 : vector<1x16xf32> to vector<16xf32>
    %add3A_210 = arith.constant 64 : i32
    %add3A_211 = arith.addi %mul3A_0, %add3A_210 : i32
    %get3A_212 = arith.constant 3 : i32
    %get3A_213 = arith.index_cast %get3A_212 : i32 to index
    %get3A_214 = arith.index_cast %add3A_211 : i32 to index
    %get3A_215 = tpu.vector_load %arg17[%get3A_213, %get3A_214] {strides = array<i32>} : memref<6x256xf32, #tpu.memory_space<vmem>>, vector<1x16xf32>,
    %get3A_216 = vector.shape_cast %get3A_215 : vector<1x16xf32> to vector<16xf32>
    %add3A_217 = arith.constant 80 : i32
    %add3A_218 = arith.addi %mul3A_0, %add3A_217 : i32
    %get3A_219 = arith.constant 3 : i32
    %get3A_220 = arith.index_cast %get3A_219 : i32 to index
    %get3A_221 = arith.index_cast %add3A_218 : i32 to index
    %get3A_222 = tpu.vector_load %arg17[%get3A_220, %get3A_221] {strides = array<i32>} : memref<6x256xf32, #tpu.memory_space<vmem>>, vector<1x16xf32>,
    %get3A_223 = vector.shape_cast %get3A_222 : vector<1x16xf32> to vector<16xf32>
    %add3A_224 = arith.constant 96 : i32
    %add3A_225 = arith.addi %mul3A_0, %add3A_224 : i32
    %get3A_226 = arith.constant 3 : i32
    %get3A_227 = arith.index_cast %get3A_226 : i32 to index
    %get3A_228 = arith.index_cast %add3A_225 : i32 to index
    %get3A_229 = tpu.vector_load %arg17[%get3A_227, %get3A_228] {strides = array<i32>} : memref<6x256xf32, #tpu.memory_space<vmem>>, vector<1x16xf32>,
    %get3A_230 = vector.shape_cast %get3A_229 : vector<1x16xf32> to vector<16xf32>
    %add3A_231 = arith.constant 112 : i32
    %add3A_232 = arith.addi %mul3A_0, %add3A_231 : i32
    %get3A_233 = arith.constant 3 : i32
    %get3A_234 = arith.index_cast %get3A_233 : i32 to index
    %get3A_235 = arith.index_cast %add3A_232 : i32 to index
    %get3A_236 = tpu.vector_load %arg17[%get3A_234, %get3A_235] {strides = array<i32>} : memref<6x256xf32, #tpu.memory_space<vmem>>, vector<1x16xf32>,
    %get3A_237 = vector.shape_cast %get3A_236 : vector<1x16xf32> to vector<16xf32>
    %add3A_238 = arith.constant 0 : i32
    %add3A_239 = arith.addi %mul3A_0, %add3A_238 : i32
    %get3A_240 = arith.constant 4 : i32
    %get3A_241 = arith.index_cast %get3A_240 : i32 to index
    %get3A_242 = arith.index_cast %add3A_239 : i32 to index
    %get3A_243 = tpu.vector_load %arg17[%get3A_241, %get3A_242] {strides = array<i32>} : memref<6x256xf32, #tpu.memory_space<vmem>>, vector<1x16xf32>,
    %get3A_244 = vector.shape_cast %get3A_243 : vector<1x16xf32> to vector<16xf32>
    %add3A_245 = arith.constant 16 : i32
    %add3A_246 = arith.addi %mul3A_0, %add3A_245 : i32
    %get3A_247 = arith.constant 4 : i32
    %get3A_248 = arith.index_cast %get3A_247 : i32 to index
    %get3A_249 = arith.index_cast %add3A_246 : i32 to index
    %get3A_250 = tpu.vector_load %arg17[%get3A_248, %get3A_249] {strides = array<i32>} : memref<6x256xf32, #tpu.memory_space<vmem>>, vector<1x16xf32>,
    %get3A_251 = vector.shape_cast %get3A_250 : vector<1x16xf32> to vector<16xf32>
    %add3A_252 = arith.constant 32 : i32
    %add3A_253 = arith.addi %mul3A_0, %add3A_252 : i32
    %get3A_254 = arith.constant 4 : i32
    %get3A_255 = arith.index_cast %get3A_254 : i32 to index
    %get3A_256 = arith.index_cast %add3A_253 : i32 to index
    %get3A_257 = tpu.vector_load %arg17[%get3A_255, %get3A_256] {strides = array<i32>} : memref<6x256xf32, #tpu.memory_space<vmem>>, vector<1x16xf32>,
    %get3A_258 = vector.shape_cast %get3A_257 : vector<1x16xf32> to vector<16xf32>
    %add3A_259 = arith.constant 48 : i32
    %add3A_260 = arith.addi %mul3A_0, %add3A_259 : i32
    %get3A_261 = arith.constant 4 : i32
    %get3A_262 = arith.index_cast %get3A_261 : i32 to index
    %get3A_263 = arith.index_cast %add3A_260 : i32 to index
    %get3A_264 = tpu.vector_load %arg17[%get3A_262, %get3A_263] {strides = array<i32>} : memref<6x256xf32, #tpu.memory_space<vmem>>, vector<1x16xf32>,
    %get3A_265 = vector.shape_cast %get3A_264 : vector<1x16xf32> to vector<16xf32>
    %add3A_266 = arith.constant 64 : i32
    %add3A_267 = arith.addi %mul3A_0, %add3A_266 : i32
    %get3A_268 = arith.constant 4 : i32
    %get3A_269 = arith.index_cast %get3A_268 : i32 to index
    %get3A_270 = arith.index_cast %add3A_267 : i32 to index
    %get3A_271 = tpu.vector_load %arg17[%get3A_269, %get3A_270] {strides = array<i32>} : memref<6x256xf32, #tpu.memory_space<vmem>>, vector<1x16xf32>,
    %get3A_272 = vector.shape_cast %get3A_271 : vector<1x16xf32> to vector<16xf32>
    %add3A_273 = arith.constant 80 : i32
    %add3A_274 = arith.addi %mul3A_0, %add3A_273 : i32
    %get3A_275 = arith.constant 4 : i32
    %get3A_276 = arith.index_cast %get3A_275 : i32 to index
    %get3A_277 = arith.index_cast %add3A_274 : i32 to index
    %get3A_278 = tpu.vector_load %arg17[%get3A_276, %get3A_277] {strides = array<i32>} : memref<6x256xf32, #tpu.memory_space<vmem>>, vector<1x16xf32>,
    %get3A_279 = vector.shape_cast %get3A_278 : vector<1x16xf32> to vector<16xf32>
    %add3A_280 = arith.constant 96 : i32
    %add3A_281 = arith.addi %mul3A_0, %add3A_280 : i32
    %get3A_282 = arith.constant 4 : i32
    %get3A_283 = arith.index_cast %get3A_282 : i32 to index
    %get3A_284 = arith.index_cast %add3A_281 : i32 to index
    %get3A_285 = tpu.vector_load %arg17[%get3A_283, %get3A_284] {strides = array<i32>} : memref<6x256xf32, #tpu.memory_space<vmem>>, vector<1x16xf32>,
    %get3A_286 = vector.shape_cast %get3A_285 : vector<1x16xf32> to vector<16xf32>
    %add3A_287 = arith.constant 112 : i32
    %add3A_288 = arith.addi %mul3A_0, %add3A_287 : i32
    %get3A_289 = arith.constant 4 : i32
    %get3A_290 = arith.index_cast %get3A_289 : i32 to index
    %get3A_291 = arith.index_cast %add3A_288 : i32 to index
    %get3A_292 = tpu.vector_load %arg17[%get3A_290, %get3A_291] {strides = array<i32>} : memref<6x256xf32, #tpu.memory_space<vmem>>, vector<1x16xf32>,
    %get3A_293 = vector.shape_cast %get3A_292 : vector<1x16xf32> to vector<16xf32>
    %add3A_294 = arith.constant 0 : i32
    %add3A_295 = arith.addi %mul3A_0, %add3A_294 : i32
    %get3A_296 = arith.constant 5 : i32
    %get3A_297 = arith.index_cast %get3A_296 : i32 to index
    %get3A_298 = arith.index_cast %add3A_295 : i32 to index
    %get3A_299 = tpu.vector_load %arg17[%get3A_297, %get3A_298] {strides = array<i32>} : memref<6x256xf32, #tpu.memory_space<vmem>>, vector<1x16xf32>,
    %get3A_300 = vector.shape_cast %get3A_299 : vector<1x16xf32> to vector<16xf32>
    %add3A_301 = arith.constant 16 : i32
    %add3A_302 = arith.addi %mul3A_0, %add3A_301 : i32
    %get3A_303 = arith.constant 5 : i32
    %get3A_304 = arith.index_cast %get3A_303 : i32 to index
    %get3A_305 = arith.index_cast %add3A_302 : i32 to index
    %get3A_306 = tpu.vector_load %arg17[%get3A_304, %get3A_305] {strides = array<i32>} : memref<6x256xf32, #tpu.memory_space<vmem>>, vector<1x16xf32>,
    %get3A_307 = vector.shape_cast %get3A_306 : vector<1x16xf32> to vector<16xf32>
    %add3A_308 = arith.constant 32 : i32
    %add3A_309 = arith.addi %mul3A_0, %add3A_308 : i32
    %get3A_310 = arith.constant 5 : i32
    %get3A_311 = arith.index_cast %get3A_310 : i32 to index
    %get3A_312 = arith.index_cast %add3A_309 : i32 to index
    %get3A_313 = tpu.vector_load %arg17[%get3A_311, %get3A_312] {strides = array<i32>} : memref<6x256xf32, #tpu.memory_space<vmem>>, vector<1x16xf32>,
    %get3A_314 = vector.shape_cast %get3A_313 : vector<1x16xf32> to vector<16xf32>
    %add3A_315 = arith.constant 48 : i32
    %add3A_316 = arith.addi %mul3A_0, %add3A_315 : i32
    %get3A_317 = arith.constant 5 : i32
    %get3A_318 = arith.index_cast %get3A_317 : i32 to index
    %get3A_319 = arith.index_cast %add3A_316 : i32 to index
    %get3A_320 = tpu.vector_load %arg17[%get3A_318, %get3A_319] {strides = array<i32>} : memref<6x256xf32, #tpu.memory_space<vmem>>, vector<1x16xf32>,
    %get3A_321 = vector.shape_cast %get3A_320 : vector<1x16xf32> to vector<16xf32>
    %add3A_322 = arith.constant 64 : i32
    %add3A_323 = arith.addi %mul3A_0, %add3A_322 : i32
    %get3A_324 = arith.constant 5 : i32
    %get3A_325 = arith.index_cast %get3A_324 : i32 to index
    %get3A_326 = arith.index_cast %add3A_323 : i32 to index
    %get3A_327 = tpu.vector_load %arg17[%get3A_325, %get3A_326] {strides = array<i32>} : memref<6x256xf32, #tpu.memory_space<vmem>>, vector<1x16xf32>,
    %get3A_328 = vector.shape_cast %get3A_327 : vector<1x16xf32> to vector<16xf32>
    %add3A_329 = arith.constant 80 : i32
    %add3A_330 = arith.addi %mul3A_0, %add3A_329 : i32
    %get3A_331 = arith.constant 5 : i32
    %get3A_332 = arith.index_cast %get3A_331 : i32 to index
    %get3A_333 = arith.index_cast %add3A_330 : i32 to index
    %get3A_334 = tpu.vector_load %arg17[%get3A_332, %get3A_333] {strides = array<i32>} : memref<6x256xf32, #tpu.memory_space<vmem>>, vector<1x16xf32>,
    %get3A_335 = vector.shape_cast %get3A_334 : vector<1x16xf32> to vector<16xf32>
    %add3A_336 = arith.constant 96 : i32
    %add3A_337 = arith.addi %mul3A_0, %add3A_336 : i32
    %get3A_338 = arith.constant 5 : i32
    %get3A_339 = arith.index_cast %get3A_338 : i32 to index
    %get3A_340 = arith.index_cast %add3A_337 : i32 to index
    %get3A_341 = tpu.vector_load %arg17[%get3A_339, %get3A_340] {strides = array<i32>} : memref<6x256xf32, #tpu.memory_space<vmem>>, vector<1x16xf32>,
    %get3A_342 = vector.shape_cast %get3A_341 : vector<1x16xf32> to vector<16xf32>
    %add3A_343 = arith.constant 112 : i32
    %add3A_344 = arith.addi %mul3A_0, %add3A_343 : i32
    %get3A_345 = arith.constant 5 : i32
    %get3A_346 = arith.index_cast %get3A_345 : i32 to index
    %get3A_347 = arith.index_cast %add3A_344 : i32 to index
    %get3A_348 = tpu.vector_load %arg17[%get3A_346, %get3A_347] {strides = array<i32>} : memref<6x256xf32, #tpu.memory_space<vmem>>, vector<1x16xf32>,
    %get3A_349 = vector.shape_cast %get3A_348 : vector<1x16xf32> to vector<16xf32>
    %mul3A_350 = arith.constant 10000 : i32
    %mul3A_351 = arith.muli %arg1, %mul3A_350 : i32
    %add3A_352 = arith.constant 0 : i32
    %add3A_353 = arith.addi %mul3A_351, %add3A_352 : i32
    %dma_start3A = tpu.memref_slice %arg2[%add3A_353, %mul3A_0] : memref<160000x256xf32, #tpu.memory_space<hbm>> -> memref<40x128xf32, #tpu.memory_space<hbm>>
    %dma_start3A_354 = tpu.memref_slice %arg2[%add3A_353, %mul3A_0] : memref<160000x256xf32, #tpu.memory_space<hbm>> -> memref<40x128xf32, #tpu.memory_space<hbm>>
    tpu.enqueue_dma source(%dma_start3A_354 : memref<40x128xf32, #tpu.memory_space<hbm>>) target(%arg7 : memref<40x128xf32, #tpu.memory_space<vmem>>) target_semaphore(%arg20 : memref<!tpu.dma_semaphore, #tpu.memory_space<semaphore_mem>>)
    %dma_start3A_355 = arith.constant 0 : i32
    %dma_start3A_356 = tpu.memref_slice %arg3[%add3A_353, %dma_start3A_355] : memref<160000x16xf32, #tpu.memory_space<hbm>> -> memref<40x16xf32, #tpu.memory_space<hbm>>
    %dma_start3A_357 = arith.constant 0 : i32
    %dma_start3A_358 = tpu.memref_slice %arg3[%add3A_353, %dma_start3A_357] : memref<160000x16xf32, #tpu.memory_space<hbm>> -> memref<40x16xf32, #tpu.memory_space<hbm>>
    tpu.enqueue_dma source(%dma_start3A_358 : memref<40x16xf32, #tpu.memory_space<hbm>>) target(%arg11 : memref<40x16xf32, #tpu.memory_space<vmem>>) target_semaphore(%arg20 : memref<!tpu.dma_semaphore, #tpu.memory_space<semaphore_mem>>)
    %dma_start3A_359 = tpu.memref_slice %arg4[%add3A_353] : memref<160000xi32, #tpu.memory_space<hbm>> -> memref<40xi32, #tpu.memory_space<hbm>>
    %dma_start3A_360 = tpu.memref_slice %arg4[%add3A_353] : memref<160000xi32, #tpu.memory_space<hbm>> -> memref<40xi32, #tpu.memory_space<hbm>>
    tpu.enqueue_dma source(%dma_start3A_360 : memref<40xi32, #tpu.memory_space<hbm>>) target(%arg13 : memref<40xi32, #tpu.memory_space<vmem>>) target_semaphore(%arg20 : memref<!tpu.dma_semaphore, #tpu.memory_space<semaphore_mem>>)
    %mul3A_361 = arith.constant 10000 : i32
    %mul3A_362 = arith.muli %arg1, %mul3A_361 : i32
    %add3A_363 = arith.constant 40 : i32
    %add3A_364 = arith.addi %mul3A_362, %add3A_363 : i32
    %dma_start3A_365 = tpu.memref_slice %arg2[%add3A_364, %mul3A_0] : memref<160000x256xf32, #tpu.memory_space<hbm>> -> memref<40x128xf32, #tpu.memory_space<hbm>>
    %dma_start3A_366 = tpu.memref_slice %arg2[%add3A_364, %mul3A_0] : memref<160000x256xf32, #tpu.memory_space<hbm>> -> memref<40x128xf32, #tpu.memory_space<hbm>>
    tpu.enqueue_dma source(%dma_start3A_366 : memref<40x128xf32, #tpu.memory_space<hbm>>) target(%arg8 : memref<40x128xf32, #tpu.memory_space<vmem>>) target_semaphore(%arg21 : memref<!tpu.dma_semaphore, #tpu.memory_space<semaphore_mem>>)
    %dma_start3A_367 = arith.constant 0 : i32
    %dma_start3A_368 = tpu.memref_slice %arg3[%add3A_364, %dma_start3A_367] : memref<160000x16xf32, #tpu.memory_space<hbm>> -> memref<40x16xf32, #tpu.memory_space<hbm>>
    %dma_start3A_369 = arith.constant 0 : i32
    %dma_start3A_370 = tpu.memref_slice %arg3[%add3A_364, %dma_start3A_369] : memref<160000x16xf32, #tpu.memory_space<hbm>> -> memref<40x16xf32, #tpu.memory_space<hbm>>
    tpu.enqueue_dma source(%dma_start3A_370 : memref<40x16xf32, #tpu.memory_space<hbm>>) target(%arg12 : memref<40x16xf32, #tpu.memory_space<vmem>>) target_semaphore(%arg21 : memref<!tpu.dma_semaphore, #tpu.memory_space<semaphore_mem>>)
    %dma_start3A_371 = tpu.memref_slice %arg4[%add3A_364] : memref<160000xi32, #tpu.memory_space<hbm>> -> memref<40xi32, #tpu.memory_space<hbm>>
    %dma_start3A_372 = tpu.memref_slice %arg4[%add3A_364] : memref<160000xi32, #tpu.memory_space<hbm>> -> memref<40xi32, #tpu.memory_space<hbm>>
    tpu.enqueue_dma source(%dma_start3A_372 : memref<40xi32, #tpu.memory_space<hbm>>) target(%arg14 : memref<40xi32, #tpu.memory_space<vmem>>) target_semaphore(%arg21 : memref<!tpu.dma_semaphore, #tpu.memory_space<semaphore_mem>>)
    %scan3A_373 = arith.constant 0 : i32
    %scan3A_374 = arith.constant 0 : i32
    %scan3A_375 = arith.constant 250 : i32
    %scan3A_376 = arith.addi %scan3A_374, %scan3A_375 : i32
    %scan3A_377 = arith.constant 1 : i32
    %scan3A_378 = scf.for %scan3A_395 = %scan3A_374 to %scan3A_376 step %scan3A_377 iter_args(%scan3A_396 = %scan3A_373) -> (i32)  : i32 {
      %jit3A = arith.constant 4 : i32
      %eq3A_397 = arith.constant 0 : i32
      %eq3A_398 = arith.cmpi eq, %jit3A, %eq3A_397 : i32
      %jit3A_399 = arith.constant 1 : i32
      %select_n3A = arith.select %eq3A_398, %jit3A_399, %jit3A : i32
      %rem3A = arith.remsi %scan3A_395, %select_n3A : i32
      %ne3A = arith.constant 0 : i32
      %ne3A_400 = arith.cmpi ne, %rem3A, %ne3A : i32
      %lt3A = arith.constant 0 : i32
      %lt3A_401 = arith.cmpi slt, %rem3A, %lt3A : i32
      %lt3A_402 = arith.constant 0 : i32
      %lt3A_403 = arith.cmpi slt, %select_n3A, %lt3A_402 : i32
      %ne3A_404 = arith.xori %lt3A_401, %lt3A_403 : i1
      %and3A = arith.andi %ne3A_404, %ne3A_400 : i1
      %add3A_405 = arith.addi %rem3A, %select_n3A : i32
      %select_n3A_406 = arith.select %and3A, %add3A_405, %rem3A : i32
      %eq3A_407 = arith.constant 0 : i32
      %eq3A_408 = arith.cmpi eq, %select_n3A_406, %eq3A_407 : i32
      %convert_element_type3A_409 = arith.extui %eq3A_408 : i1 to i32
      %cond3A_410 = arith.constant 0 : i32
      %cond3A_411 = arith.cmpi ne, %convert_element_type3A_409, %cond3A_410 : i32
      scf.if %cond3A_411 {
        %dma_wait3A_476 = arith.constant 0 : i32
        %dma_wait3A_477 = arith.constant 0 : i32
        %dma_wait3A_478 = tpu.memref_slice %arg2[%dma_wait3A_476, %dma_wait3A_477] : memref<160000x256xf32, #tpu.memory_space<hbm>> -> memref<40x128xf32, #tpu.memory_space<hbm>>
        %dma_wait3A_479 = arith.constant 0 : i32
        %dma_wait3A_480 = arith.constant 0 : i32
        %dma_wait3A_481 = tpu.memref_slice %arg2[%dma_wait3A_479, %dma_wait3A_480] : memref<160000x256xf32, #tpu.memory_space<hbm>> -> memref<40x128xf32, #tpu.memory_space<hbm>>
        tpu.wait_dma2 semaphore(%arg20 : memref<!tpu.dma_semaphore, #tpu.memory_space<semaphore_mem>>) src(%dma_wait3A_481 : memref<40x128xf32, #tpu.memory_space<hbm>>) dst(%arg7 : memref<40x128xf32, #tpu.memory_space<vmem>>)
        %dma_wait3A_482 = arith.constant 0 : i32
        %dma_wait3A_483 = arith.constant 0 : i32
        %dma_wait3A_484 = tpu.memref_slice %arg3[%dma_wait3A_482, %dma_wait3A_483] : memref<160000x16xf32, #tpu.memory_space<hbm>> -> memref<40x16xf32, #tpu.memory_space<hbm>>
        %dma_wait3A_485 = arith.constant 0 : i32
        %dma_wait3A_486 = arith.constant 0 : i32
        %dma_wait3A_487 = tpu.memref_slice %arg3[%dma_wait3A_485, %dma_wait3A_486] : memref<160000x16xf32, #tpu.memory_space<hbm>> -> memref<40x16xf32, #tpu.memory_space<hbm>>
        tpu.wait_dma2 semaphore(%arg20 : memref<!tpu.dma_semaphore, #tpu.memory_space<semaphore_mem>>) src(%dma_wait3A_487 : memref<40x16xf32, #tpu.memory_space<hbm>>) dst(%arg11 : memref<40x16xf32, #tpu.memory_space<vmem>>)
        %dma_wait3A_488 = arith.constant 0 : i32
        %dma_wait3A_489 = tpu.memref_slice %arg4[%dma_wait3A_488] : memref<160000xi32, #tpu.memory_space<hbm>> -> memref<40xi32, #tpu.memory_space<hbm>>
        %dma_wait3A_490 = arith.constant 0 : i32
        %dma_wait3A_491 = tpu.memref_slice %arg4[%dma_wait3A_490] : memref<160000xi32, #tpu.memory_space<hbm>> -> memref<40xi32, #tpu.memory_space<hbm>>
        tpu.wait_dma2 semaphore(%arg20 : memref<!tpu.dma_semaphore, #tpu.memory_space<semaphore_mem>>) src(%dma_wait3A_491 : memref<40xi32, #tpu.memory_space<hbm>>) dst(%arg13 : memref<40xi32, #tpu.memory_space<vmem>>)
        %ge3A = arith.constant 2 : i32
        %ge3A_492 = arith.cmpi sge, %scan3A_395, %ge3A : i32
        %convert_element_type3A_493 = arith.extui %ge3A_492 : i1 to i32
        %cond3A_494 = arith.constant 0 : i32
        %cond3A_495 = arith.cmpi ne, %convert_element_type3A_493, %cond3A_494 : i32
        scf.if %cond3A_495 {
          %dma_wait3A_513 = arith.constant 0 : i32
          %dma_wait3A_514 = arith.constant 0 : i32
          %dma_wait3A_515 = tpu.memref_slice %arg19[%dma_wait3A_513, %dma_wait3A_514] : memref<10000x128xf32, #tpu.memory_space<vmem_shared>> -> memref<10000x128xf32, #tpu.memory_space<vmem_shared>>
          tpu.wait_indirect_dma semaphore(%arg22 : memref<!tpu.dma_semaphore, #tpu.memory_space<semaphore_mem>>) src(%arg9 : memref<40x128xf32, #tpu.memory_space<vmem>>) dst(%dma_wait3A_515 : memref<10000x128xf32, #tpu.memory_space<vmem_shared>>)
        } else {
        }
        %scan3A_496 = arith.constant 0 : i32
        %scan3A_497 = arith.constant 0 : i32
        %scan3A_498 = arith.constant 40 : i32
        %scan3A_499 = arith.addi %scan3A_497, %scan3A_498 : i32
        %scan3A_500 = arith.constant 1 : i32
        %scan3A_501 = scf.for %scan3A_513 = %scan3A_497 to %scan3A_499 step %scan3A_500 iter_args(%scan3A_514 = %scan3A_496) -> (i32)  : i32 {
          %get3A_515 = arith.index_cast %scan3A_513 : i32 to index
          %get3A_516 = arith.constant 0 : index
          %get3A_517 = tpu.vector_load %arg11[%get3A_515, %get3A_516] {strides = array<i32>} : memref<40x16xf32, #tpu.memory_space<vmem>>, vector<1x16xf32>,
          %get3A_518 = vector.shape_cast %get3A_517 : vector<1x16xf32> to vector<16xf32>
          %slice3A = vector.extract_strided_slice %get3A_518 {offsets = [0], sizes = [1], strides = [1]} : vector<16xf32> to vector<1xf32>
          %squeeze3A = vector.extract %slice3A[0] : f32 from vector<1xf32>
          %slice3A_519 = vector.extract_strided_slice %get3A_518 {offsets = [1], sizes = [1], strides = [1]} : vector<16xf32> to vector<1xf32>
          %squeeze3A_520 = vector.extract %slice3A_519[0] : f32 from vector<1xf32>
          %slice3A_521 = vector.extract_strided_slice %get3A_518 {offsets = [2], sizes = [1], strides = [1]} : vector<16xf32> to vector<1xf32>
          %squeeze3A_522 = vector.extract %slice3A_521[0] : f32 from vector<1xf32>
          %slice3A_523 = vector.extract_strided_slice %get3A_518 {offsets = [3], sizes = [1], strides = [1]} : vector<16xf32> to vector<1xf32>
          %squeeze3A_524 = vector.extract %slice3A_523[0] : f32 from vector<1xf32>
          %slice3A_525 = vector.extract_strided_slice %get3A_518 {offsets = [4], sizes = [1], strides = [1]} : vector<16xf32> to vector<1xf32>
          %squeeze3A_526 = vector.extract %slice3A_525[0] : f32 from vector<1xf32>
          %slice3A_527 = vector.extract_strided_slice %get3A_518 {offsets = [5], sizes = [1], strides = [1]} : vector<16xf32> to vector<1xf32>
          %squeeze3A_528 = vector.extract %slice3A_527[0] : f32 from vector<1xf32>
          %get3A_529 = arith.index_cast %scan3A_513 : i32 to index
          %get3A_530 = arith.constant 0 : index
          %get3A_531 = tpu.vector_load %arg7[%get3A_529, %get3A_530] {strides = array<i32>} : memref<40x128xf32, #tpu.memory_space<vmem>>, vector<1x16xf32>,
          %get3A_532 = vector.shape_cast %get3A_531 : vector<1x16xf32> to vector<16xf32>
          %mul3A_533 = vector.broadcast %squeeze3A : f32 to vector<16xf32>
          %mul3A_534 = arith.mulf %mul3A_533, %get3A_20 : vector<16xf32>
          %mul3A_535 = vector.broadcast %squeeze3A_520 : f32 to vector<16xf32>
          %mul3A_536 = arith.mulf %mul3A_535, %get3A_76 : vector<16xf32>
          %add3A_537 = arith.addf %mul3A_534, %mul3A_536 : vector<16xf32>
          %mul3A_538 = vector.broadcast %squeeze3A_522 : f32 to vector<16xf32>
          %mul3A_539 = arith.mulf %mul3A_538, %get3A_132 : vector<16xf32>
          %add3A_540 = arith.addf %add3A_537, %mul3A_539 : vector<16xf32>
          %mul3A_541 = vector.broadcast %squeeze3A_524 : f32 to vector<16xf32>
          %mul3A_542 = arith.mulf %mul3A_541, %get3A_188 : vector<16xf32>
          %add3A_543 = arith.addf %add3A_540, %mul3A_542 : vector<16xf32>
          %mul3A_544 = vector.broadcast %squeeze3A_526 : f32 to vector<16xf32>
          %mul3A_545 = arith.mulf %mul3A_544, %get3A_244 : vector<16xf32>
          %add3A_546 = arith.addf %add3A_543, %mul3A_545 : vector<16xf32>
          %mul3A_547 = vector.broadcast %squeeze3A_528 : f32 to vector<16xf32>
          %mul3A_548 = arith.mulf %mul3A_547, %get3A_300 : vector<16xf32>
          %add3A_549 = arith.addf %add3A_546, %mul3A_548 : vector<16xf32>
          %mul3A_550 = arith.mulf %add3A_549, %get3A_532 : vector<16xf32>
          %swap3A = arith.index_cast %scan3A_513 : i32 to index
          %swap3A_551 = arith.constant 0 : index
          %swap3A_552 = tpu.vector_load %arg9[%swap3A, %swap3A_551] {strides = array<i32>} : memref<40x128xf32, #tpu.memory_space<vmem>>, vector<1x16xf32>,
          %swap3A_553 = vector.shape_cast %swap3A_552 : vector<1x16xf32> to vector<16xf32>
          %swap3A_554 = vector.shape_cast %mul3A_550 : vector<16xf32> to vector<1x16xf32>
          tpu.vector_store %arg9[%swap3A, %swap3A_551], %swap3A_554 {strides = array<i32>} : memref<40x128xf32, #tpu.memory_space<vmem>>, vector<1x16xf32>,
          %get3A_555 = arith.index_cast %scan3A_513 : i32 to index
          %get3A_556 = arith.constant 16 : index
          %get3A_557 = tpu.vector_load %arg7[%get3A_555, %get3A_556] {strides = array<i32>} : memref<40x128xf32, #tpu.memory_space<vmem>>, vector<1x16xf32>,
          %get3A_558 = vector.shape_cast %get3A_557 : vector<1x16xf32> to vector<16xf32>
          %mul3A_559 = vector.broadcast %squeeze3A : f32 to vector<16xf32>
          %mul3A_560 = arith.mulf %mul3A_559, %get3A_27 : vector<16xf32>
          %mul3A_561 = vector.broadcast %squeeze3A_520 : f32 to vector<16xf32>
          %mul3A_562 = arith.mulf %mul3A_561, %get3A_83 : vector<16xf32>
          %add3A_563 = arith.addf %mul3A_560, %mul3A_562 : vector<16xf32>
          %mul3A_564 = vector.broadcast %squeeze3A_522 : f32 to vector<16xf32>
          %mul3A_565 = arith.mulf %mul3A_564, %get3A_139 : vector<16xf32>
          %add3A_566 = arith.addf %add3A_563, %mul3A_565 : vector<16xf32>
          %mul3A_567 = vector.broadcast %squeeze3A_524 : f32 to vector<16xf32>
          %mul3A_568 = arith.mulf %mul3A_567, %get3A_195 : vector<16xf32>
          %add3A_569 = arith.addf %add3A_566, %mul3A_568 : vector<16xf32>
          %mul3A_570 = vector.broadcast %squeeze3A_526 : f32 to vector<16xf32>
          %mul3A_571 = arith.mulf %mul3A_570, %get3A_251 : vector<16xf32>
          %add3A_572 = arith.addf %add3A_569, %mul3A_571 : vector<16xf32>
          %mul3A_573 = vector.broadcast %squeeze3A_528 : f32 to vector<16xf32>
          %mul3A_574 = arith.mulf %mul3A_573, %get3A_307 : vector<16xf32>
          %add3A_575 = arith.addf %add3A_572, %mul3A_574 : vector<16xf32>
          %mul3A_576 = arith.mulf %add3A_575, %get3A_558 : vector<16xf32>
          %swap3A_577 = arith.index_cast %scan3A_513 : i32 to index
          %swap3A_578 = arith.constant 16 : index
          %swap3A_579 = tpu.vector_load %arg9[%swap3A_577, %swap3A_578] {strides = array<i32>} : memref<40x128xf32, #tpu.memory_space<vmem>>, vector<1x16xf32>,
          %swap3A_580 = vector.shape_cast %swap3A_579 : vector<1x16xf32> to vector<16xf32>
          %swap3A_581 = vector.shape_cast %mul3A_576 : vector<16xf32> to vector<1x16xf32>
          tpu.vector_store %arg9[%swap3A_577, %swap3A_578], %swap3A_581 {strides = array<i32>} : memref<40x128xf32, #tpu.memory_space<vmem>>, vector<1x16xf32>,
          %get3A_582 = arith.index_cast %scan3A_513 : i32 to index
          %get3A_583 = arith.constant 32 : index
          %get3A_584 = tpu.vector_load %arg7[%get3A_582, %get3A_583] {strides = array<i32>} : memref<40x128xf32, #tpu.memory_space<vmem>>, vector<1x16xf32>,
          %get3A_585 = vector.shape_cast %get3A_584 : vector<1x16xf32> to vector<16xf32>
          %mul3A_586 = vector.broadcast %squeeze3A : f32 to vector<16xf32>
          %mul3A_587 = arith.mulf %mul3A_586, %get3A_34 : vector<16xf32>
          %mul3A_588 = vector.broadcast %squeeze3A_520 : f32 to vector<16xf32>
          %mul3A_589 = arith.mulf %mul3A_588, %get3A_90 : vector<16xf32>
          %add3A_590 = arith.addf %mul3A_587, %mul3A_589 : vector<16xf32>
          %mul3A_591 = vector.broadcast %squeeze3A_522 : f32 to vector<16xf32>
          %mul3A_592 = arith.mulf %mul3A_591, %get3A_146 : vector<16xf32>
          %add3A_593 = arith.addf %add3A_590, %mul3A_592 : vector<16xf32>
          %mul3A_594 = vector.broadcast %squeeze3A_524 : f32 to vector<16xf32>
          %mul3A_595 = arith.mulf %mul3A_594, %get3A_202 : vector<16xf32>
          %add3A_596 = arith.addf %add3A_593, %mul3A_595 : vector<16xf32>
          %mul3A_597 = vector.broadcast %squeeze3A_526 : f32 to vector<16xf32>
          %mul3A_598 = arith.mulf %mul3A_597, %get3A_258 : vector<16xf32>
          %add3A_599 = arith.addf %add3A_596, %mul3A_598 : vector<16xf32>
          %mul3A_600 = vector.broadcast %squeeze3A_528 : f32 to vector<16xf32>
          %mul3A_601 = arith.mulf %mul3A_600, %get3A_314 : vector<16xf32>
          %add3A_602 = arith.addf %add3A_599, %mul3A_601 : vector<16xf32>
          %mul3A_603 = arith.mulf %add3A_602, %get3A_585 : vector<16xf32>
          %swap3A_604 = arith.index_cast %scan3A_513 : i32 to index
          %swap3A_605 = arith.constant 32 : index
          %swap3A_606 = tpu.vector_load %arg9[%swap3A_604, %swap3A_605] {strides = array<i32>} : memref<40x128xf32, #tpu.memory_space<vmem>>, vector<1x16xf32>,
          %swap3A_607 = vector.shape_cast %swap3A_606 : vector<1x16xf32> to vector<16xf32>
          %swap3A_608 = vector.shape_cast %mul3A_603 : vector<16xf32> to vector<1x16xf32>
          tpu.vector_store %arg9[%swap3A_604, %swap3A_605], %swap3A_608 {strides = array<i32>} : memref<40x128xf32, #tpu.memory_space<vmem>>, vector<1x16xf32>,
          %get3A_609 = arith.index_cast %scan3A_513 : i32 to index
          %get3A_610 = arith.constant 48 : index
          %get3A_611 = tpu.vector_load %arg7[%get3A_609, %get3A_610] {strides = array<i32>} : memref<40x128xf32, #tpu.memory_space<vmem>>, vector<1x16xf32>,
          %get3A_612 = vector.shape_cast %get3A_611 : vector<1x16xf32> to vector<16xf32>
          %mul3A_613 = vector.broadcast %squeeze3A : f32 to vector<16xf32>
          %mul3A_614 = arith.mulf %mul3A_613, %get3A_41 : vector<16xf32>
          %mul3A_615 = vector.broadcast %squeeze3A_520 : f32 to vector<16xf32>
          %mul3A_616 = arith.mulf %mul3A_615, %get3A_97 : vector<16xf32>
          %add3A_617 = arith.addf %mul3A_614, %mul3A_616 : vector<16xf32>
          %mul3A_618 = vector.broadcast %squeeze3A_522 : f32 to vector<16xf32>
          %mul3A_619 = arith.mulf %mul3A_618, %get3A_153 : vector<16xf32>
          %add3A_620 = arith.addf %add3A_617, %mul3A_619 : vector<16xf32>
          %mul3A_621 = vector.broadcast %squeeze3A_524 : f32 to vector<16xf32>
          %mul3A_622 = arith.mulf %mul3A_621, %get3A_209 : vector<16xf32>
          %add3A_623 = arith.addf %add3A_620, %mul3A_622 : vector<16xf32>
          %mul3A_624 = vector.broadcast %squeeze3A_526 : f32 to vector<16xf32>
          %mul3A_625 = arith.mulf %mul3A_624, %get3A_265 : vector<16xf32>
          %add3A_626 = arith.addf %add3A_623, %mul3A_625 : vector<16xf32>
          %mul3A_627 = vector.broadcast %squeeze3A_528 : f32 to vector<16xf32>
          %mul3A_628 = arith.mulf %mul3A_627, %get3A_321 : vector<16xf32>
          %add3A_629 = arith.addf %add3A_626, %mul3A_628 : vector<16xf32>
          %mul3A_630 = arith.mulf %add3A_629, %get3A_612 : vector<16xf32>
          %swap3A_631 = arith.index_cast %scan3A_513 : i32 to index
          %swap3A_632 = arith.constant 48 : index
          %swap3A_633 = tpu.vector_load %arg9[%swap3A_631, %swap3A_632] {strides = array<i32>} : memref<40x128xf32, #tpu.memory_space<vmem>>, vector<1x16xf32>,
          %swap3A_634 = vector.shape_cast %swap3A_633 : vector<1x16xf32> to vector<16xf32>
          %swap3A_635 = vector.shape_cast %mul3A_630 : vector<16xf32> to vector<1x16xf32>
          tpu.vector_store %arg9[%swap3A_631, %swap3A_632], %swap3A_635 {strides = array<i32>} : memref<40x128xf32, #tpu.memory_space<vmem>>, vector<1x16xf32>,
          %get3A_636 = arith.index_cast %scan3A_513 : i32 to index
          %get3A_637 = arith.constant 64 : index
          %get3A_638 = tpu.vector_load %arg7[%get3A_636, %get3A_637] {strides = array<i32>} : memref<40x128xf32, #tpu.memory_space<vmem>>, vector<1x16xf32>,
          %get3A_639 = vector.shape_cast %get3A_638 : vector<1x16xf32> to vector<16xf32>
          %mul3A_640 = vector.broadcast %squeeze3A : f32 to vector<16xf32>
          %mul3A_641 = arith.mulf %mul3A_640, %get3A_48 : vector<16xf32>
          %mul3A_642 = vector.broadcast %squeeze3A_520 : f32 to vector<16xf32>
          %mul3A_643 = arith.mulf %mul3A_642, %get3A_104 : vector<16xf32>
          %add3A_644 = arith.addf %mul3A_641, %mul3A_643 : vector<16xf32>
          %mul3A_645 = vector.broadcast %squeeze3A_522 : f32 to vector<16xf32>
          %mul3A_646 = arith.mulf %mul3A_645, %get3A_160 : vector<16xf32>
          %add3A_647 = arith.addf %add3A_644, %mul3A_646 : vector<16xf32>
          %mul3A_648 = vector.broadcast %squeeze3A_524 : f32 to vector<16xf32>
          %mul3A_649 = arith.mulf %mul3A_648, %get3A_216 : vector<16xf32>
          %add3A_650 = arith.addf %add3A_647, %mul3A_649 : vector<16xf32>
          %mul3A_651 = vector.broadcast %squeeze3A_526 : f32 to vector<16xf32>
          %mul3A_652 = arith.mulf %mul3A_651, %get3A_272 : vector<16xf32>
          %add3A_653 = arith.addf %add3A_650, %mul3A_652 : vector<16xf32>
          %mul3A_654 = vector.broadcast %squeeze3A_528 : f32 to vector<16xf32>
          %mul3A_655 = arith.mulf %mul3A_654, %get3A_328 : vector<16xf32>
          %add3A_656 = arith.addf %add3A_653, %mul3A_655 : vector<16xf32>
          %mul3A_657 = arith.mulf %add3A_656, %get3A_639 : vector<16xf32>
          %swap3A_658 = arith.index_cast %scan3A_513 : i32 to index
          %swap3A_659 = arith.constant 64 : index
          %swap3A_660 = tpu.vector_load %arg9[%swap3A_658, %swap3A_659] {strides = array<i32>} : memref<40x128xf32, #tpu.memory_space<vmem>>, vector<1x16xf32>,
          %swap3A_661 = vector.shape_cast %swap3A_660 : vector<1x16xf32> to vector<16xf32>
          %swap3A_662 = vector.shape_cast %mul3A_657 : vector<16xf32> to vector<1x16xf32>
          tpu.vector_store %arg9[%swap3A_658, %swap3A_659], %swap3A_662 {strides = array<i32>} : memref<40x128xf32, #tpu.memory_space<vmem>>, vector<1x16xf32>,
          %get3A_663 = arith.index_cast %scan3A_513 : i32 to index
          %get3A_664 = arith.constant 80 : index
          %get3A_665 = tpu.vector_load %arg7[%get3A_663, %get3A_664] {strides = array<i32>} : memref<40x128xf32, #tpu.memory_space<vmem>>, vector<1x16xf32>,
          %get3A_666 = vector.shape_cast %get3A_665 : vector<1x16xf32> to vector<16xf32>
          %mul3A_667 = vector.broadcast %squeeze3A : f32 to vector<16xf32>
          %mul3A_668 = arith.mulf %mul3A_667, %get3A_55 : vector<16xf32>
          %mul3A_669 = vector.broadcast %squeeze3A_520 : f32 to vector<16xf32>
          %mul3A_670 = arith.mulf %mul3A_669, %get3A_111 : vector<16xf32>
          %add3A_671 = arith.addf %mul3A_668, %mul3A_670 : vector<16xf32>
          %mul3A_672 = vector.broadcast %squeeze3A_522 : f32 to vector<16xf32>
          %mul3A_673 = arith.mulf %mul3A_672, %get3A_167 : vector<16xf32>
          %add3A_674 = arith.addf %add3A_671, %mul3A_673 : vector<16xf32>
          %mul3A_675 = vector.broadcast %squeeze3A_524 : f32 to vector<16xf32>
          %mul3A_676 = arith.mulf %mul3A_675, %get3A_223 : vector<16xf32>
          %add3A_677 = arith.addf %add3A_674, %mul3A_676 : vector<16xf32>
          %mul3A_678 = vector.broadcast %squeeze3A_526 : f32 to vector<16xf32>
          %mul3A_679 = arith.mulf %mul3A_678, %get3A_279 : vector<16xf32>
          %add3A_680 = arith.addf %add3A_677, %mul3A_679 : vector<16xf32>
          %mul3A_681 = vector.broadcast %squeeze3A_528 : f32 to vector<16xf32>
          %mul3A_682 = arith.mulf %mul3A_681, %get3A_335 : vector<16xf32>
          %add3A_683 = arith.addf %add3A_680, %mul3A_682 : vector<16xf32>
          %mul3A_684 = arith.mulf %add3A_683, %get3A_666 : vector<16xf32>
          %swap3A_685 = arith.index_cast %scan3A_513 : i32 to index
          %swap3A_686 = arith.constant 80 : index
          %swap3A_687 = tpu.vector_load %arg9[%swap3A_685, %swap3A_686] {strides = array<i32>} : memref<40x128xf32, #tpu.memory_space<vmem>>, vector<1x16xf32>,
          %swap3A_688 = vector.shape_cast %swap3A_687 : vector<1x16xf32> to vector<16xf32>
          %swap3A_689 = vector.shape_cast %mul3A_684 : vector<16xf32> to vector<1x16xf32>
          tpu.vector_store %arg9[%swap3A_685, %swap3A_686], %swap3A_689 {strides = array<i32>} : memref<40x128xf32, #tpu.memory_space<vmem>>, vector<1x16xf32>,
          %get3A_690 = arith.index_cast %scan3A_513 : i32 to index
          %get3A_691 = arith.constant 96 : index
          %get3A_692 = tpu.vector_load %arg7[%get3A_690, %get3A_691] {strides = array<i32>} : memref<40x128xf32, #tpu.memory_space<vmem>>, vector<1x16xf32>,
          %get3A_693 = vector.shape_cast %get3A_692 : vector<1x16xf32> to vector<16xf32>
          %mul3A_694 = vector.broadcast %squeeze3A : f32 to vector<16xf32>
          %mul3A_695 = arith.mulf %mul3A_694, %get3A_62 : vector<16xf32>
          %mul3A_696 = vector.broadcast %squeeze3A_520 : f32 to vector<16xf32>
          %mul3A_697 = arith.mulf %mul3A_696, %get3A_118 : vector<16xf32>
          %add3A_698 = arith.addf %mul3A_695, %mul3A_697 : vector<16xf32>
          %mul3A_699 = vector.broadcast %squeeze3A_522 : f32 to vector<16xf32>
          %mul3A_700 = arith.mulf %mul3A_699, %get3A_174 : vector<16xf32>
          %add3A_701 = arith.addf %add3A_698, %mul3A_700 : vector<16xf32>
          %mul3A_702 = vector.broadcast %squeeze3A_524 : f32 to vector<16xf32>
          %mul3A_703 = arith.mulf %mul3A_702, %get3A_230 : vector<16xf32>
          %add3A_704 = arith.addf %add3A_701, %mul3A_703 : vector<16xf32>
          %mul3A_705 = vector.broadcast %squeeze3A_526 : f32 to vector<16xf32>
          %mul3A_706 = arith.mulf %mul3A_705, %get3A_286 : vector<16xf32>
          %add3A_707 = arith.addf %add3A_704, %mul3A_706 : vector<16xf32>
          %mul3A_708 = vector.broadcast %squeeze3A_528 : f32 to vector<16xf32>
          %mul3A_709 = arith.mulf %mul3A_708, %get3A_342 : vector<16xf32>
          %add3A_710 = arith.addf %add3A_707, %mul3A_709 : vector<16xf32>
          %mul3A_711 = arith.mulf %add3A_710, %get3A_693 : vector<16xf32>
          %swap3A_712 = arith.index_cast %scan3A_513 : i32 to index
          %swap3A_713 = arith.constant 96 : index
          %swap3A_714 = tpu.vector_load %arg9[%swap3A_712, %swap3A_713] {strides = array<i32>} : memref<40x128xf32, #tpu.memory_space<vmem>>, vector<1x16xf32>,
          %swap3A_715 = vector.shape_cast %swap3A_714 : vector<1x16xf32> to vector<16xf32>
          %swap3A_716 = vector.shape_cast %mul3A_711 : vector<16xf32> to vector<1x16xf32>
          tpu.vector_store %arg9[%swap3A_712, %swap3A_713], %swap3A_716 {strides = array<i32>} : memref<40x128xf32, #tpu.memory_space<vmem>>, vector<1x16xf32>,
          %get3A_717 = arith.index_cast %scan3A_513 : i32 to index
          %get3A_718 = arith.constant 112 : index
          %get3A_719 = tpu.vector_load %arg7[%get3A_717, %get3A_718] {strides = array<i32>} : memref<40x128xf32, #tpu.memory_space<vmem>>, vector<1x16xf32>,
          %get3A_720 = vector.shape_cast %get3A_719 : vector<1x16xf32> to vector<16xf32>
          %mul3A_721 = vector.broadcast %squeeze3A : f32 to vector<16xf32>
          %mul3A_722 = arith.mulf %mul3A_721, %get3A_69 : vector<16xf32>
          %mul3A_723 = vector.broadcast %squeeze3A_520 : f32 to vector<16xf32>
          %mul3A_724 = arith.mulf %mul3A_723, %get3A_125 : vector<16xf32>
          %add3A_725 = arith.addf %mul3A_722, %mul3A_724 : vector<16xf32>
          %mul3A_726 = vector.broadcast %squeeze3A_522 : f32 to vector<16xf32>
          %mul3A_727 = arith.mulf %mul3A_726, %get3A_181 : vector<16xf32>
          %add3A_728 = arith.addf %add3A_725, %mul3A_727 : vector<16xf32>
          %mul3A_729 = vector.broadcast %squeeze3A_524 : f32 to vector<16xf32>
          %mul3A_730 = arith.mulf %mul3A_729, %get3A_237 : vector<16xf32>
          %add3A_731 = arith.addf %add3A_728, %mul3A_730 : vector<16xf32>
          %mul3A_732 = vector.broadcast %squeeze3A_526 : f32 to vector<16xf32>
          %mul3A_733 = arith.mulf %mul3A_732, %get3A_293 : vector<16xf32>
          %add3A_734 = arith.addf %add3A_731, %mul3A_733 : vector<16xf32>
          %mul3A_735 = vector.broadcast %squeeze3A_528 : f32 to vector<16xf32>
          %mul3A_736 = arith.mulf %mul3A_735, %get3A_349 : vector<16xf32>
          %add3A_737 = arith.addf %add3A_734, %mul3A_736 : vector<16xf32>
          %mul3A_738 = arith.mulf %add3A_737, %get3A_720 : vector<16xf32>
          %swap3A_739 = arith.index_cast %scan3A_513 : i32 to index
          %swap3A_740 = arith.constant 112 : index
          %swap3A_741 = tpu.vector_load %arg9[%swap3A_739, %swap3A_740] {strides = array<i32>} : memref<40x128xf32, #tpu.memory_space<vmem>>, vector<1x16xf32>,
          %swap3A_742 = vector.shape_cast %swap3A_741 : vector<1x16xf32> to vector<16xf32>
          %swap3A_743 = vector.shape_cast %mul3A_738 : vector<16xf32> to vector<1x16xf32>
          tpu.vector_store %arg9[%swap3A_739, %swap3A_740], %swap3A_743 {strides = array<i32>} : memref<40x128xf32, #tpu.memory_space<vmem>>, vector<1x16xf32>,
          %scan3A_744 = arith.constant 0 : i32
          scf.yield %scan3A_744 : i32
        }
        %scan3A_502 = arith.constant 40 : i32
        %dma_start3A_503 = arith.constant 0 : i32
        %dma_start3A_504 = arith.constant 0 : i32
        %dma_start3A_505 = tpu.memref_slice %arg19[%dma_start3A_503, %dma_start3A_504] : memref<10000x128xf32, #tpu.memory_space<vmem_shared>> -> memref<10000x128xf32, #tpu.memory_space<vmem_shared>>
        tpu.enqueue_indirect_dma source(%arg9 : memref<40x128xf32, #tpu.memory_space<vmem>>) target(%dma_start3A_505 : memref<10000x128xf32, #tpu.memory_space<vmem_shared>>) offsets(%arg13 : memref<40xi32, #tpu.memory_space<vmem>>) semaphore(%arg22 : memref<!tpu.dma_semaphore, #tpu.memory_space<semaphore_mem>>) {add = true}
        %add3A_506 = arith.constant 2 : i32
        %add3A_507 = arith.addi %scan3A_395, %add3A_506 : i32
        %lt3A_508 = arith.constant 250 : i32
        %lt3A_509 = arith.cmpi slt, %add3A_507, %lt3A_508 : i32
        %convert_element_type3A_510 = arith.extui %lt3A_509 : i1 to i32
        %cond3A_511 = arith.constant 0 : i32
        %cond3A_512 = arith.cmpi ne, %convert_element_type3A_510, %cond3A_511 : i32
        scf.if %cond3A_512 {
          %add3A_513 = arith.constant 2 : i32
          %add3A_514 = arith.addi %scan3A_395, %add3A_513 : i32
          %mul3A_515 = arith.constant 10000 : i32
          %mul3A_516 = arith.muli %arg1, %mul3A_515 : i32
          %mul3A_517 = arith.constant 40 : i32
          %mul3A_518 = arith.muli %add3A_514, %mul3A_517 : i32
          %add3A_519 = arith.addi %mul3A_516, %mul3A_518 : i32
          %dma_start3A_520 = tpu.memref_slice %arg2[%add3A_519, %mul3A_0] : memref<160000x256xf32, #tpu.memory_space<hbm>> -> memref<40x128xf32, #tpu.memory_space<hbm>>
          %dma_start3A_521 = tpu.memref_slice %arg2[%add3A_519, %mul3A_0] : memref<160000x256xf32, #tpu.memory_space<hbm>> -> memref<40x128xf32, #tpu.memory_space<hbm>>
          tpu.enqueue_dma source(%dma_start3A_521 : memref<40x128xf32, #tpu.memory_space<hbm>>) target(%arg7 : memref<40x128xf32, #tpu.memory_space<vmem>>) target_semaphore(%arg20 : memref<!tpu.dma_semaphore, #tpu.memory_space<semaphore_mem>>)
          %dma_start3A_522 = arith.constant 0 : i32
          %dma_start3A_523 = tpu.memref_slice %arg3[%add3A_519, %dma_start3A_522] : memref<160000x16xf32, #tpu.memory_space<hbm>> -> memref<40x16xf32, #tpu.memory_space<hbm>>
          %dma_start3A_524 = arith.constant 0 : i32
          %dma_start3A_525 = tpu.memref_slice %arg3[%add3A_519, %dma_start3A_524] : memref<160000x16xf32, #tpu.memory_space<hbm>> -> memref<40x16xf32, #tpu.memory_space<hbm>>
          tpu.enqueue_dma source(%dma_start3A_525 : memref<40x16xf32, #tpu.memory_space<hbm>>) target(%arg11 : memref<40x16xf32, #tpu.memory_space<vmem>>) target_semaphore(%arg20 : memref<!tpu.dma_semaphore, #tpu.memory_space<semaphore_mem>>)
          %dma_start3A_526 = tpu.memref_slice %arg4[%add3A_519] : memref<160000xi32, #tpu.memory_space<hbm>> -> memref<40xi32, #tpu.memory_space<hbm>>
          %dma_start3A_527 = tpu.memref_slice %arg4[%add3A_519] : memref<160000xi32, #tpu.memory_space<hbm>> -> memref<40xi32, #tpu.memory_space<hbm>>
          tpu.enqueue_dma source(%dma_start3A_527 : memref<40xi32, #tpu.memory_space<hbm>>) target(%arg15 : memref<40xi32, #tpu.memory_space<vmem>>) target_semaphore(%arg20 : memref<!tpu.dma_semaphore, #tpu.memory_space<semaphore_mem>>)
        } else {
        }
      } else {
      }
      %jit3A_412 = arith.constant 4 : i32
      %eq3A_413 = arith.constant 0 : i32
      %eq3A_414 = arith.cmpi eq, %jit3A_412, %eq3A_413 : i32
      %jit3A_415 = arith.constant 1 : i32
      %select_n3A_416 = arith.select %eq3A_414, %jit3A_415, %jit3A_412 : i32
      %rem3A_417 = arith.remsi %scan3A_395, %select_n3A_416 : i32
      %ne3A_418 = arith.constant 0 : i32
      %ne3A_419 = arith.cmpi ne, %rem3A_417, %ne3A_418 : i32
      %lt3A_420 = arith.constant 0 : i32
      %lt3A_421 = arith.cmpi slt, %rem3A_417, %lt3A_420 : i32
      %lt3A_422 = arith.constant 0 : i32
      %lt3A_423 = arith.cmpi slt, %select_n3A_416, %lt3A_422 : i32
      %ne3A_424 = arith.xori %lt3A_421, %lt3A_423 : i1
      %and3A_425 = arith.andi %ne3A_424, %ne3A_419 : i1
      %add3A_426 = arith.addi %rem3A_417, %select_n3A_416 : i32
      %select_n3A_427 = arith.select %and3A_425, %add3A_426, %rem3A_417 : i32
      %eq3A_428 = arith.constant 1 : i32
      %eq3A_429 = arith.cmpi eq, %select_n3A_427, %eq3A_428 : i32
      %convert_element_type3A_430 = arith.extui %eq3A_429 : i1 to i32
      %cond3A_431 = arith.constant 0 : i32
      %cond3A_432 = arith.cmpi ne, %convert_element_type3A_430, %cond3A_431 : i32
      scf.if %cond3A_432 {
        %dma_wait3A_476 = arith.constant 0 : i32
        %dma_wait3A_477 = arith.constant 0 : i32
        %dma_wait3A_478 = tpu.memref_slice %arg2[%dma_wait3A_476, %dma_wait3A_477] : memref<160000x256xf32, #tpu.memory_space<hbm>> -> memref<40x128xf32, #tpu.memory_space<hbm>>
        %dma_wait3A_479 = arith.constant 0 : i32
        %dma_wait3A_480 = arith.constant 0 : i32
        %dma_wait3A_481 = tpu.memref_slice %arg2[%dma_wait3A_479, %dma_wait3A_480] : memref<160000x256xf32, #tpu.memory_space<hbm>> -> memref<40x128xf32, #tpu.memory_space<hbm>>
        tpu.wait_dma2 semaphore(%arg21 : memref<!tpu.dma_semaphore, #tpu.memory_space<semaphore_mem>>) src(%dma_wait3A_481 : memref<40x128xf32, #tpu.memory_space<hbm>>) dst(%arg8 : memref<40x128xf32, #tpu.memory_space<vmem>>)
        %dma_wait3A_482 = arith.constant 0 : i32
        %dma_wait3A_483 = arith.constant 0 : i32
        %dma_wait3A_484 = tpu.memref_slice %arg3[%dma_wait3A_482, %dma_wait3A_483] : memref<160000x16xf32, #tpu.memory_space<hbm>> -> memref<40x16xf32, #tpu.memory_space<hbm>>
        %dma_wait3A_485 = arith.constant 0 : i32
        %dma_wait3A_486 = arith.constant 0 : i32
        %dma_wait3A_487 = tpu.memref_slice %arg3[%dma_wait3A_485, %dma_wait3A_486] : memref<160000x16xf32, #tpu.memory_space<hbm>> -> memref<40x16xf32, #tpu.memory_space<hbm>>
        tpu.wait_dma2 semaphore(%arg21 : memref<!tpu.dma_semaphore, #tpu.memory_space<semaphore_mem>>) src(%dma_wait3A_487 : memref<40x16xf32, #tpu.memory_space<hbm>>) dst(%arg12 : memref<40x16xf32, #tpu.memory_space<vmem>>)
        %dma_wait3A_488 = arith.constant 0 : i32
        %dma_wait3A_489 = tpu.memref_slice %arg4[%dma_wait3A_488] : memref<160000xi32, #tpu.memory_space<hbm>> -> memref<40xi32, #tpu.memory_space<hbm>>
        %dma_wait3A_490 = arith.constant 0 : i32
        %dma_wait3A_491 = tpu.memref_slice %arg4[%dma_wait3A_490] : memref<160000xi32, #tpu.memory_space<hbm>> -> memref<40xi32, #tpu.memory_space<hbm>>
        tpu.wait_dma2 semaphore(%arg21 : memref<!tpu.dma_semaphore, #tpu.memory_space<semaphore_mem>>) src(%dma_wait3A_491 : memref<40xi32, #tpu.memory_space<hbm>>) dst(%arg14 : memref<40xi32, #tpu.memory_space<vmem>>)
        %ge3A = arith.constant 2 : i32
        %ge3A_492 = arith.cmpi sge, %scan3A_395, %ge3A : i32
        %convert_element_type3A_493 = arith.extui %ge3A_492 : i1 to i32
        %cond3A_494 = arith.constant 0 : i32
        %cond3A_495 = arith.cmpi ne, %convert_element_type3A_493, %cond3A_494 : i32
        scf.if %cond3A_495 {
          %dma_wait3A_513 = arith.constant 0 : i32
          %dma_wait3A_514 = arith.constant 0 : i32
          %dma_wait3A_515 = tpu.memref_slice %arg19[%dma_wait3A_513, %dma_wait3A_514] : memref<10000x128xf32, #tpu.memory_space<vmem_shared>> -> memref<10000x128xf32, #tpu.memory_space<vmem_shared>>
          tpu.wait_indirect_dma semaphore(%arg23 : memref<!tpu.dma_semaphore, #tpu.memory_space<semaphore_mem>>) src(%arg10 : memref<40x128xf32, #tpu.memory_space<vmem>>) dst(%dma_wait3A_515 : memref<10000x128xf32, #tpu.memory_space<vmem_shared>>)
        } else {
        }
        %scan3A_496 = arith.constant 0 : i32
        %scan3A_497 = arith.constant 0 : i32
        %scan3A_498 = arith.constant 40 : i32
        %scan3A_499 = arith.addi %scan3A_497, %scan3A_498 : i32
        %scan3A_500 = arith.constant 1 : i32
        %scan3A_501 = scf.for %scan3A_513 = %scan3A_497 to %scan3A_499 step %scan3A_500 iter_args(%scan3A_514 = %scan3A_496) -> (i32)  : i32 {
          %get3A_515 = arith.index_cast %scan3A_513 : i32 to index
          %get3A_516 = arith.constant 0 : index
          %get3A_517 = tpu.vector_load %arg12[%get3A_515, %get3A_516] {strides = array<i32>} : memref<40x16xf32, #tpu.memory_space<vmem>>, vector<1x16xf32>,
          %get3A_518 = vector.shape_cast %get3A_517 : vector<1x16xf32> to vector<16xf32>
          %slice3A = vector.extract_strided_slice %get3A_518 {offsets = [0], sizes = [1], strides = [1]} : vector<16xf32> to vector<1xf32>
          %squeeze3A = vector.extract %slice3A[0] : f32 from vector<1xf32>
          %slice3A_519 = vector.extract_strided_slice %get3A_518 {offsets = [1], sizes = [1], strides = [1]} : vector<16xf32> to vector<1xf32>
          %squeeze3A_520 = vector.extract %slice3A_519[0] : f32 from vector<1xf32>
          %slice3A_521 = vector.extract_strided_slice %get3A_518 {offsets = [2], sizes = [1], strides = [1]} : vector<16xf32> to vector<1xf32>
          %squeeze3A_522 = vector.extract %slice3A_521[0] : f32 from vector<1xf32>
          %slice3A_523 = vector.extract_strided_slice %get3A_518 {offsets = [3], sizes = [1], strides = [1]} : vector<16xf32> to vector<1xf32>
          %squeeze3A_524 = vector.extract %slice3A_523[0] : f32 from vector<1xf32>
          %slice3A_525 = vector.extract_strided_slice %get3A_518 {offsets = [4], sizes = [1], strides = [1]} : vector<16xf32> to vector<1xf32>
          %squeeze3A_526 = vector.extract %slice3A_525[0] : f32 from vector<1xf32>
          %slice3A_527 = vector.extract_strided_slice %get3A_518 {offsets = [5], sizes = [1], strides = [1]} : vector<16xf32> to vector<1xf32>
          %squeeze3A_528 = vector.extract %slice3A_527[0] : f32 from vector<1xf32>
          %get3A_529 = arith.index_cast %scan3A_513 : i32 to index
          %get3A_530 = arith.constant 0 : index
          %get3A_531 = tpu.vector_load %arg8[%get3A_529, %get3A_530] {strides = array<i32>} : memref<40x128xf32, #tpu.memory_space<vmem>>, vector<1x16xf32>,
          %get3A_532 = vector.shape_cast %get3A_531 : vector<1x16xf32> to vector<16xf32>
          %mul3A_533 = vector.broadcast %squeeze3A : f32 to vector<16xf32>
          %mul3A_534 = arith.mulf %mul3A_533, %get3A_20 : vector<16xf32>
          %mul3A_535 = vector.broadcast %squeeze3A_520 : f32 to vector<16xf32>
          %mul3A_536 = arith.mulf %mul3A_535, %get3A_76 : vector<16xf32>
          %add3A_537 = arith.addf %mul3A_534, %mul3A_536 : vector<16xf32>
          %mul3A_538 = vector.broadcast %squeeze3A_522 : f32 to vector<16xf32>
          %mul3A_539 = arith.mulf %mul3A_538, %get3A_132 : vector<16xf32>
          %add3A_540 = arith.addf %add3A_537, %mul3A_539 : vector<16xf32>
          %mul3A_541 = vector.broadcast %squeeze3A_524 : f32 to vector<16xf32>
          %mul3A_542 = arith.mulf %mul3A_541, %get3A_188 : vector<16xf32>
          %add3A_543 = arith.addf %add3A_540, %mul3A_542 : vector<16xf32>
          %mul3A_544 = vector.broadcast %squeeze3A_526 : f32 to vector<16xf32>
          %mul3A_545 = arith.mulf %mul3A_544, %get3A_244 : vector<16xf32>
          %add3A_546 = arith.addf %add3A_543, %mul3A_545 : vector<16xf32>
          %mul3A_547 = vector.broadcast %squeeze3A_528 : f32 to vector<16xf32>
          %mul3A_548 = arith.mulf %mul3A_547, %get3A_300 : vector<16xf32>
          %add3A_549 = arith.addf %add3A_546, %mul3A_548 : vector<16xf32>
          %mul3A_550 = arith.mulf %add3A_549, %get3A_532 : vector<16xf32>
          %swap3A = arith.index_cast %scan3A_513 : i32 to index
          %swap3A_551 = arith.constant 0 : index
          %swap3A_552 = tpu.vector_load %arg10[%swap3A, %swap3A_551] {strides = array<i32>} : memref<40x128xf32, #tpu.memory_space<vmem>>, vector<1x16xf32>,
          %swap3A_553 = vector.shape_cast %swap3A_552 : vector<1x16xf32> to vector<16xf32>
          %swap3A_554 = vector.shape_cast %mul3A_550 : vector<16xf32> to vector<1x16xf32>
          tpu.vector_store %arg10[%swap3A, %swap3A_551], %swap3A_554 {strides = array<i32>} : memref<40x128xf32, #tpu.memory_space<vmem>>, vector<1x16xf32>,
          %get3A_555 = arith.index_cast %scan3A_513 : i32 to index
          %get3A_556 = arith.constant 16 : index
          %get3A_557 = tpu.vector_load %arg8[%get3A_555, %get3A_556] {strides = array<i32>} : memref<40x128xf32, #tpu.memory_space<vmem>>, vector<1x16xf32>,
          %get3A_558 = vector.shape_cast %get3A_557 : vector<1x16xf32> to vector<16xf32>
          %mul3A_559 = vector.broadcast %squeeze3A : f32 to vector<16xf32>
          %mul3A_560 = arith.mulf %mul3A_559, %get3A_27 : vector<16xf32>
          %mul3A_561 = vector.broadcast %squeeze3A_520 : f32 to vector<16xf32>
          %mul3A_562 = arith.mulf %mul3A_561, %get3A_83 : vector<16xf32>
          %add3A_563 = arith.addf %mul3A_560, %mul3A_562 : vector<16xf32>
          %mul3A_564 = vector.broadcast %squeeze3A_522 : f32 to vector<16xf32>
          %mul3A_565 = arith.mulf %mul3A_564, %get3A_139 : vector<16xf32>
          %add3A_566 = arith.addf %add3A_563, %mul3A_565 : vector<16xf32>
          %mul3A_567 = vector.broadcast %squeeze3A_524 : f32 to vector<16xf32>
          %mul3A_568 = arith.mulf %mul3A_567, %get3A_195 : vector<16xf32>
          %add3A_569 = arith.addf %add3A_566, %mul3A_568 : vector<16xf32>
          %mul3A_570 = vector.broadcast %squeeze3A_526 : f32 to vector<16xf32>
          %mul3A_571 = arith.mulf %mul3A_570, %get3A_251 : vector<16xf32>
          %add3A_572 = arith.addf %add3A_569, %mul3A_571 : vector<16xf32>
          %mul3A_573 = vector.broadcast %squeeze3A_528 : f32 to vector<16xf32>
          %mul3A_574 = arith.mulf %mul3A_573, %get3A_307 : vector<16xf32>
          %add3A_575 = arith.addf %add3A_572, %mul3A_574 : vector<16xf32>
          %mul3A_576 = arith.mulf %add3A_575, %get3A_558 : vector<16xf32>
          %swap3A_577 = arith.index_cast %scan3A_513 : i32 to index
          %swap3A_578 = arith.constant 16 : index
          %swap3A_579 = tpu.vector_load %arg10[%swap3A_577, %swap3A_578] {strides = array<i32>} : memref<40x128xf32, #tpu.memory_space<vmem>>, vector<1x16xf32>,
          %swap3A_580 = vector.shape_cast %swap3A_579 : vector<1x16xf32> to vector<16xf32>
          %swap3A_581 = vector.shape_cast %mul3A_576 : vector<16xf32> to vector<1x16xf32>
          tpu.vector_store %arg10[%swap3A_577, %swap3A_578], %swap3A_581 {strides = array<i32>} : memref<40x128xf32, #tpu.memory_space<vmem>>, vector<1x16xf32>,
          %get3A_582 = arith.index_cast %scan3A_513 : i32 to index
          %get3A_583 = arith.constant 32 : index
          %get3A_584 = tpu.vector_load %arg8[%get3A_582, %get3A_583] {strides = array<i32>} : memref<40x128xf32, #tpu.memory_space<vmem>>, vector<1x16xf32>,
          %get3A_585 = vector.shape_cast %get3A_584 : vector<1x16xf32> to vector<16xf32>
          %mul3A_586 = vector.broadcast %squeeze3A : f32 to vector<16xf32>
          %mul3A_587 = arith.mulf %mul3A_586, %get3A_34 : vector<16xf32>
          %mul3A_588 = vector.broadcast %squeeze3A_520 : f32 to vector<16xf32>
          %mul3A_589 = arith.mulf %mul3A_588, %get3A_90 : vector<16xf32>
          %add3A_590 = arith.addf %mul3A_587, %mul3A_589 : vector<16xf32>
          %mul3A_591 = vector.broadcast %squeeze3A_522 : f32 to vector<16xf32>
          %mul3A_592 = arith.mulf %mul3A_591, %get3A_146 : vector<16xf32>
          %add3A_593 = arith.addf %add3A_590, %mul3A_592 : vector<16xf32>
          %mul3A_594 = vector.broadcast %squeeze3A_524 : f32 to vector<16xf32>
          %mul3A_595 = arith.mulf %mul3A_594, %get3A_202 : vector<16xf32>
          %add3A_596 = arith.addf %add3A_593, %mul3A_595 : vector<16xf32>
          %mul3A_597 = vector.broadcast %squeeze3A_526 : f32 to vector<16xf32>
          %mul3A_598 = arith.mulf %mul3A_597, %get3A_258 : vector<16xf32>
          %add3A_599 = arith.addf %add3A_596, %mul3A_598 : vector<16xf32>
          %mul3A_600 = vector.broadcast %squeeze3A_528 : f32 to vector<16xf32>
          %mul3A_601 = arith.mulf %mul3A_600, %get3A_314 : vector<16xf32>
          %add3A_602 = arith.addf %add3A_599, %mul3A_601 : vector<16xf32>
          %mul3A_603 = arith.mulf %add3A_602, %get3A_585 : vector<16xf32>
          %swap3A_604 = arith.index_cast %scan3A_513 : i32 to index
          %swap3A_605 = arith.constant 32 : index
          %swap3A_606 = tpu.vector_load %arg10[%swap3A_604, %swap3A_605] {strides = array<i32>} : memref<40x128xf32, #tpu.memory_space<vmem>>, vector<1x16xf32>,
          %swap3A_607 = vector.shape_cast %swap3A_606 : vector<1x16xf32> to vector<16xf32>
          %swap3A_608 = vector.shape_cast %mul3A_603 : vector<16xf32> to vector<1x16xf32>
          tpu.vector_store %arg10[%swap3A_604, %swap3A_605], %swap3A_608 {strides = array<i32>} : memref<40x128xf32, #tpu.memory_space<vmem>>, vector<1x16xf32>,
          %get3A_609 = arith.index_cast %scan3A_513 : i32 to index
          %get3A_610 = arith.constant 48 : index
          %get3A_611 = tpu.vector_load %arg8[%get3A_609, %get3A_610] {strides = array<i32>} : memref<40x128xf32, #tpu.memory_space<vmem>>, vector<1x16xf32>,
          %get3A_612 = vector.shape_cast %get3A_611 : vector<1x16xf32> to vector<16xf32>
          %mul3A_613 = vector.broadcast %squeeze3A : f32 to vector<16xf32>
          %mul3A_614 = arith.mulf %mul3A_613, %get3A_41 : vector<16xf32>
          %mul3A_615 = vector.broadcast %squeeze3A_520 : f32 to vector<16xf32>
          %mul3A_616 = arith.mulf %mul3A_615, %get3A_97 : vector<16xf32>
          %add3A_617 = arith.addf %mul3A_614, %mul3A_616 : vector<16xf32>
          %mul3A_618 = vector.broadcast %squeeze3A_522 : f32 to vector<16xf32>
          %mul3A_619 = arith.mulf %mul3A_618, %get3A_153 : vector<16xf32>
          %add3A_620 = arith.addf %add3A_617, %mul3A_619 : vector<16xf32>
          %mul3A_621 = vector.broadcast %squeeze3A_524 : f32 to vector<16xf32>
          %mul3A_622 = arith.mulf %mul3A_621, %get3A_209 : vector<16xf32>
          %add3A_623 = arith.addf %add3A_620, %mul3A_622 : vector<16xf32>
          %mul3A_624 = vector.broadcast %squeeze3A_526 : f32 to vector<16xf32>
          %mul3A_625 = arith.mulf %mul3A_624, %get3A_265 : vector<16xf32>
          %add3A_626 = arith.addf %add3A_623, %mul3A_625 : vector<16xf32>
          %mul3A_627 = vector.broadcast %squeeze3A_528 : f32 to vector<16xf32>
          %mul3A_628 = arith.mulf %mul3A_627, %get3A_321 : vector<16xf32>
          %add3A_629 = arith.addf %add3A_626, %mul3A_628 : vector<16xf32>
          %mul3A_630 = arith.mulf %add3A_629, %get3A_612 : vector<16xf32>
          %swap3A_631 = arith.index_cast %scan3A_513 : i32 to index
          %swap3A_632 = arith.constant 48 : index
          %swap3A_633 = tpu.vector_load %arg10[%swap3A_631, %swap3A_632] {strides = array<i32>} : memref<40x128xf32, #tpu.memory_space<vmem>>, vector<1x16xf32>,
          %swap3A_634 = vector.shape_cast %swap3A_633 : vector<1x16xf32> to vector<16xf32>
          %swap3A_635 = vector.shape_cast %mul3A_630 : vector<16xf32> to vector<1x16xf32>
          tpu.vector_store %arg10[%swap3A_631, %swap3A_632], %swap3A_635 {strides = array<i32>} : memref<40x128xf32, #tpu.memory_space<vmem>>, vector<1x16xf32>,
          %get3A_636 = arith.index_cast %scan3A_513 : i32 to index
          %get3A_637 = arith.constant 64 : index
          %get3A_638 = tpu.vector_load %arg8[%get3A_636, %get3A_637] {strides = array<i32>} : memref<40x128xf32, #tpu.memory_space<vmem>>, vector<1x16xf32>,
          %get3A_639 = vector.shape_cast %get3A_638 : vector<1x16xf32> to vector<16xf32>
          %mul3A_640 = vector.broadcast %squeeze3A : f32 to vector<16xf32>
          %mul3A_641 = arith.mulf %mul3A_640, %get3A_48 : vector<16xf32>
          %mul3A_642 = vector.broadcast %squeeze3A_520 : f32 to vector<16xf32>
          %mul3A_643 = arith.mulf %mul3A_642, %get3A_104 : vector<16xf32>
          %add3A_644 = arith.addf %mul3A_641, %mul3A_643 : vector<16xf32>
          %mul3A_645 = vector.broadcast %squeeze3A_522 : f32 to vector<16xf32>
          %mul3A_646 = arith.mulf %mul3A_645, %get3A_160 : vector<16xf32>
          %add3A_647 = arith.addf %add3A_644, %mul3A_646 : vector<16xf32>
          %mul3A_648 = vector.broadcast %squeeze3A_524 : f32 to vector<16xf32>
          %mul3A_649 = arith.mulf %mul3A_648, %get3A_216 : vector<16xf32>
          %add3A_650 = arith.addf %add3A_647, %mul3A_649 : vector<16xf32>
          %mul3A_651 = vector.broadcast %squeeze3A_526 : f32 to vector<16xf32>
          %mul3A_652 = arith.mulf %mul3A_651, %get3A_272 : vector<16xf32>
          %add3A_653 = arith.addf %add3A_650, %mul3A_652 : vector<16xf32>
          %mul3A_654 = vector.broadcast %squeeze3A_528 : f32 to vector<16xf32>
          %mul3A_655 = arith.mulf %mul3A_654, %get3A_328 : vector<16xf32>
          %add3A_656 = arith.addf %add3A_653, %mul3A_655 : vector<16xf32>
          %mul3A_657 = arith.mulf %add3A_656, %get3A_639 : vector<16xf32>
          %swap3A_658 = arith.index_cast %scan3A_513 : i32 to index
          %swap3A_659 = arith.constant 64 : index
          %swap3A_660 = tpu.vector_load %arg10[%swap3A_658, %swap3A_659] {strides = array<i32>} : memref<40x128xf32, #tpu.memory_space<vmem>>, vector<1x16xf32>,
          %swap3A_661 = vector.shape_cast %swap3A_660 : vector<1x16xf32> to vector<16xf32>
          %swap3A_662 = vector.shape_cast %mul3A_657 : vector<16xf32> to vector<1x16xf32>
          tpu.vector_store %arg10[%swap3A_658, %swap3A_659], %swap3A_662 {strides = array<i32>} : memref<40x128xf32, #tpu.memory_space<vmem>>, vector<1x16xf32>,
          %get3A_663 = arith.index_cast %scan3A_513 : i32 to index
          %get3A_664 = arith.constant 80 : index
          %get3A_665 = tpu.vector_load %arg8[%get3A_663, %get3A_664] {strides = array<i32>} : memref<40x128xf32, #tpu.memory_space<vmem>>, vector<1x16xf32>,
          %get3A_666 = vector.shape_cast %get3A_665 : vector<1x16xf32> to vector<16xf32>
          %mul3A_667 = vector.broadcast %squeeze3A : f32 to vector<16xf32>
          %mul3A_668 = arith.mulf %mul3A_667, %get3A_55 : vector<16xf32>
          %mul3A_669 = vector.broadcast %squeeze3A_520 : f32 to vector<16xf32>
          %mul3A_670 = arith.mulf %mul3A_669, %get3A_111 : vector<16xf32>
          %add3A_671 = arith.addf %mul3A_668, %mul3A_670 : vector<16xf32>
          %mul3A_672 = vector.broadcast %squeeze3A_522 : f32 to vector<16xf32>
          %mul3A_673 = arith.mulf %mul3A_672, %get3A_167 : vector<16xf32>
          %add3A_674 = arith.addf %add3A_671, %mul3A_673 : vector<16xf32>
          %mul3A_675 = vector.broadcast %squeeze3A_524 : f32 to vector<16xf32>
          %mul3A_676 = arith.mulf %mul3A_675, %get3A_223 : vector<16xf32>
          %add3A_677 = arith.addf %add3A_674, %mul3A_676 : vector<16xf32>
          %mul3A_678 = vector.broadcast %squeeze3A_526 : f32 to vector<16xf32>
          %mul3A_679 = arith.mulf %mul3A_678, %get3A_279 : vector<16xf32>
          %add3A_680 = arith.addf %add3A_677, %mul3A_679 : vector<16xf32>
          %mul3A_681 = vector.broadcast %squeeze3A_528 : f32 to vector<16xf32>
          %mul3A_682 = arith.mulf %mul3A_681, %get3A_335 : vector<16xf32>
          %add3A_683 = arith.addf %add3A_680, %mul3A_682 : vector<16xf32>
          %mul3A_684 = arith.mulf %add3A_683, %get3A_666 : vector<16xf32>
          %swap3A_685 = arith.index_cast %scan3A_513 : i32 to index
          %swap3A_686 = arith.constant 80 : index
          %swap3A_687 = tpu.vector_load %arg10[%swap3A_685, %swap3A_686] {strides = array<i32>} : memref<40x128xf32, #tpu.memory_space<vmem>>, vector<1x16xf32>,
          %swap3A_688 = vector.shape_cast %swap3A_687 : vector<1x16xf32> to vector<16xf32>
          %swap3A_689 = vector.shape_cast %mul3A_684 : vector<16xf32> to vector<1x16xf32>
          tpu.vector_store %arg10[%swap3A_685, %swap3A_686], %swap3A_689 {strides = array<i32>} : memref<40x128xf32, #tpu.memory_space<vmem>>, vector<1x16xf32>,
          %get3A_690 = arith.index_cast %scan3A_513 : i32 to index
          %get3A_691 = arith.constant 96 : index
          %get3A_692 = tpu.vector_load %arg8[%get3A_690, %get3A_691] {strides = array<i32>} : memref<40x128xf32, #tpu.memory_space<vmem>>, vector<1x16xf32>,
          %get3A_693 = vector.shape_cast %get3A_692 : vector<1x16xf32> to vector<16xf32>
          %mul3A_694 = vector.broadcast %squeeze3A : f32 to vector<16xf32>
          %mul3A_695 = arith.mulf %mul3A_694, %get3A_62 : vector<16xf32>
          %mul3A_696 = vector.broadcast %squeeze3A_520 : f32 to vector<16xf32>
          %mul3A_697 = arith.mulf %mul3A_696, %get3A_118 : vector<16xf32>
          %add3A_698 = arith.addf %mul3A_695, %mul3A_697 : vector<16xf32>
          %mul3A_699 = vector.broadcast %squeeze3A_522 : f32 to vector<16xf32>
          %mul3A_700 = arith.mulf %mul3A_699, %get3A_174 : vector<16xf32>
          %add3A_701 = arith.addf %add3A_698, %mul3A_700 : vector<16xf32>
          %mul3A_702 = vector.broadcast %squeeze3A_524 : f32 to vector<16xf32>
          %mul3A_703 = arith.mulf %mul3A_702, %get3A_230 : vector<16xf32>
          %add3A_704 = arith.addf %add3A_701, %mul3A_703 : vector<16xf32>
          %mul3A_705 = vector.broadcast %squeeze3A_526 : f32 to vector<16xf32>
          %mul3A_706 = arith.mulf %mul3A_705, %get3A_286 : vector<16xf32>
          %add3A_707 = arith.addf %add3A_704, %mul3A_706 : vector<16xf32>
          %mul3A_708 = vector.broadcast %squeeze3A_528 : f32 to vector<16xf32>
          %mul3A_709 = arith.mulf %mul3A_708, %get3A_342 : vector<16xf32>
          %add3A_710 = arith.addf %add3A_707, %mul3A_709 : vector<16xf32>
          %mul3A_711 = arith.mulf %add3A_710, %get3A_693 : vector<16xf32>
          %swap3A_712 = arith.index_cast %scan3A_513 : i32 to index
          %swap3A_713 = arith.constant 96 : index
          %swap3A_714 = tpu.vector_load %arg10[%swap3A_712, %swap3A_713] {strides = array<i32>} : memref<40x128xf32, #tpu.memory_space<vmem>>, vector<1x16xf32>,
          %swap3A_715 = vector.shape_cast %swap3A_714 : vector<1x16xf32> to vector<16xf32>
          %swap3A_716 = vector.shape_cast %mul3A_711 : vector<16xf32> to vector<1x16xf32>
          tpu.vector_store %arg10[%swap3A_712, %swap3A_713], %swap3A_716 {strides = array<i32>} : memref<40x128xf32, #tpu.memory_space<vmem>>, vector<1x16xf32>,
          %get3A_717 = arith.index_cast %scan3A_513 : i32 to index
          %get3A_718 = arith.constant 112 : index
          %get3A_719 = tpu.vector_load %arg8[%get3A_717, %get3A_718] {strides = array<i32>} : memref<40x128xf32, #tpu.memory_space<vmem>>, vector<1x16xf32>,
          %get3A_720 = vector.shape_cast %get3A_719 : vector<1x16xf32> to vector<16xf32>
          %mul3A_721 = vector.broadcast %squeeze3A : f32 to vector<16xf32>
          %mul3A_722 = arith.mulf %mul3A_721, %get3A_69 : vector<16xf32>
          %mul3A_723 = vector.broadcast %squeeze3A_520 : f32 to vector<16xf32>
          %mul3A_724 = arith.mulf %mul3A_723, %get3A_125 : vector<16xf32>
          %add3A_725 = arith.addf %mul3A_722, %mul3A_724 : vector<16xf32>
          %mul3A_726 = vector.broadcast %squeeze3A_522 : f32 to vector<16xf32>
          %mul3A_727 = arith.mulf %mul3A_726, %get3A_181 : vector<16xf32>
          %add3A_728 = arith.addf %add3A_725, %mul3A_727 : vector<16xf32>
          %mul3A_729 = vector.broadcast %squeeze3A_524 : f32 to vector<16xf32>
          %mul3A_730 = arith.mulf %mul3A_729, %get3A_237 : vector<16xf32>
          %add3A_731 = arith.addf %add3A_728, %mul3A_730 : vector<16xf32>
          %mul3A_732 = vector.broadcast %squeeze3A_526 : f32 to vector<16xf32>
          %mul3A_733 = arith.mulf %mul3A_732, %get3A_293 : vector<16xf32>
          %add3A_734 = arith.addf %add3A_731, %mul3A_733 : vector<16xf32>
          %mul3A_735 = vector.broadcast %squeeze3A_528 : f32 to vector<16xf32>
          %mul3A_736 = arith.mulf %mul3A_735, %get3A_349 : vector<16xf32>
          %add3A_737 = arith.addf %add3A_734, %mul3A_736 : vector<16xf32>
          %mul3A_738 = arith.mulf %add3A_737, %get3A_720 : vector<16xf32>
          %swap3A_739 = arith.index_cast %scan3A_513 : i32 to index
          %swap3A_740 = arith.constant 112 : index
          %swap3A_741 = tpu.vector_load %arg10[%swap3A_739, %swap3A_740] {strides = array<i32>} : memref<40x128xf32, #tpu.memory_space<vmem>>, vector<1x16xf32>,
          %swap3A_742 = vector.shape_cast %swap3A_741 : vector<1x16xf32> to vector<16xf32>
          %swap3A_743 = vector.shape_cast %mul3A_738 : vector<16xf32> to vector<1x16xf32>
          tpu.vector_store %arg10[%swap3A_739, %swap3A_740], %swap3A_743 {strides = array<i32>} : memref<40x128xf32, #tpu.memory_space<vmem>>, vector<1x16xf32>,
          %scan3A_744 = arith.constant 0 : i32
          scf.yield %scan3A_744 : i32
        }
        %scan3A_502 = arith.constant 40 : i32
        %dma_start3A_503 = arith.constant 0 : i32
        %dma_start3A_504 = arith.constant 0 : i32
        %dma_start3A_505 = tpu.memref_slice %arg19[%dma_start3A_503, %dma_start3A_504] : memref<10000x128xf32, #tpu.memory_space<vmem_shared>> -> memref<10000x128xf32, #tpu.memory_space<vmem_shared>>
        tpu.enqueue_indirect_dma source(%arg10 : memref<40x128xf32, #tpu.memory_space<vmem>>) target(%dma_start3A_505 : memref<10000x128xf32, #tpu.memory_space<vmem_shared>>) offsets(%arg14 : memref<40xi32, #tpu.memory_space<vmem>>) semaphore(%arg23 : memref<!tpu.dma_semaphore, #tpu.memory_space<semaphore_mem>>) {add = true}
        %add3A_506 = arith.constant 2 : i32
        %add3A_507 = arith.addi %scan3A_395, %add3A_506 : i32
        %lt3A_508 = arith.constant 250 : i32
        %lt3A_509 = arith.cmpi slt, %add3A_507, %lt3A_508 : i32
        %convert_element_type3A_510 = arith.extui %lt3A_509 : i1 to i32
        %cond3A_511 = arith.constant 0 : i32
        %cond3A_512 = arith.cmpi ne, %convert_element_type3A_510, %cond3A_511 : i32
        scf.if %cond3A_512 {
          %add3A_513 = arith.constant 2 : i32
          %add3A_514 = arith.addi %scan3A_395, %add3A_513 : i32
          %mul3A_515 = arith.constant 10000 : i32
          %mul3A_516 = arith.muli %arg1, %mul3A_515 : i32
          %mul3A_517 = arith.constant 40 : i32
          %mul3A_518 = arith.muli %add3A_514, %mul3A_517 : i32
          %add3A_519 = arith.addi %mul3A_516, %mul3A_518 : i32
          %dma_start3A_520 = tpu.memref_slice %arg2[%add3A_519, %mul3A_0] : memref<160000x256xf32, #tpu.memory_space<hbm>> -> memref<40x128xf32, #tpu.memory_space<hbm>>
          %dma_start3A_521 = tpu.memref_slice %arg2[%add3A_519, %mul3A_0] : memref<160000x256xf32, #tpu.memory_space<hbm>> -> memref<40x128xf32, #tpu.memory_space<hbm>>
          tpu.enqueue_dma source(%dma_start3A_521 : memref<40x128xf32, #tpu.memory_space<hbm>>) target(%arg8 : memref<40x128xf32, #tpu.memory_space<vmem>>) target_semaphore(%arg21 : memref<!tpu.dma_semaphore, #tpu.memory_space<semaphore_mem>>)
          %dma_start3A_522 = arith.constant 0 : i32
          %dma_start3A_523 = tpu.memref_slice %arg3[%add3A_519, %dma_start3A_522] : memref<160000x16xf32, #tpu.memory_space<hbm>> -> memref<40x16xf32, #tpu.memory_space<hbm>>
          %dma_start3A_524 = arith.constant 0 : i32
          %dma_start3A_525 = tpu.memref_slice %arg3[%add3A_519, %dma_start3A_524] : memref<160000x16xf32, #tpu.memory_space<hbm>> -> memref<40x16xf32, #tpu.memory_space<hbm>>
          tpu.enqueue_dma source(%dma_start3A_525 : memref<40x16xf32, #tpu.memory_space<hbm>>) target(%arg12 : memref<40x16xf32, #tpu.memory_space<vmem>>) target_semaphore(%arg21 : memref<!tpu.dma_semaphore, #tpu.memory_space<semaphore_mem>>)
          %dma_start3A_526 = tpu.memref_slice %arg4[%add3A_519] : memref<160000xi32, #tpu.memory_space<hbm>> -> memref<40xi32, #tpu.memory_space<hbm>>
          %dma_start3A_527 = tpu.memref_slice %arg4[%add3A_519] : memref<160000xi32, #tpu.memory_space<hbm>> -> memref<40xi32, #tpu.memory_space<hbm>>
          tpu.enqueue_dma source(%dma_start3A_527 : memref<40xi32, #tpu.memory_space<hbm>>) target(%arg16 : memref<40xi32, #tpu.memory_space<vmem>>) target_semaphore(%arg21 : memref<!tpu.dma_semaphore, #tpu.memory_space<semaphore_mem>>)
        } else {
        }
      } else {
      }
      %jit3A_433 = arith.constant 4 : i32
      %eq3A_434 = arith.constant 0 : i32
      %eq3A_435 = arith.cmpi eq, %jit3A_433, %eq3A_434 : i32
      %jit3A_436 = arith.constant 1 : i32
      %select_n3A_437 = arith.select %eq3A_435, %jit3A_436, %jit3A_433 : i32
      %rem3A_438 = arith.remsi %scan3A_395, %select_n3A_437 : i32
      %ne3A_439 = arith.constant 0 : i32
      %ne3A_440 = arith.cmpi ne, %rem3A_438, %ne3A_439 : i32
      %lt3A_441 = arith.constant 0 : i32
      %lt3A_442 = arith.cmpi slt, %rem3A_438, %lt3A_441 : i32
      %lt3A_443 = arith.constant 0 : i32
      %lt3A_444 = arith.cmpi slt, %select_n3A_437, %lt3A_443 : i32
      %ne3A_445 = arith.xori %lt3A_442, %lt3A_444 : i1
      %and3A_446 = arith.andi %ne3A_445, %ne3A_440 : i1
      %add3A_447 = arith.addi %rem3A_438, %select_n3A_437 : i32
      %select_n3A_448 = arith.select %and3A_446, %add3A_447, %rem3A_438 : i32
      %eq3A_449 = arith.constant 2 : i32
      %eq3A_450 = arith.cmpi eq, %select_n3A_448, %eq3A_449 : i32
      %convert_element_type3A_451 = arith.extui %eq3A_450 : i1 to i32
      %cond3A_452 = arith.constant 0 : i32
      %cond3A_453 = arith.cmpi ne, %convert_element_type3A_451, %cond3A_452 : i32
      scf.if %cond3A_453 {
        %dma_wait3A_476 = arith.constant 0 : i32
        %dma_wait3A_477 = arith.constant 0 : i32
        %dma_wait3A_478 = tpu.memref_slice %arg2[%dma_wait3A_476, %dma_wait3A_477] : memref<160000x256xf32, #tpu.memory_space<hbm>> -> memref<40x128xf32, #tpu.memory_space<hbm>>
        %dma_wait3A_479 = arith.constant 0 : i32
        %dma_wait3A_480 = arith.constant 0 : i32
        %dma_wait3A_481 = tpu.memref_slice %arg2[%dma_wait3A_479, %dma_wait3A_480] : memref<160000x256xf32, #tpu.memory_space<hbm>> -> memref<40x128xf32, #tpu.memory_space<hbm>>
        tpu.wait_dma2 semaphore(%arg20 : memref<!tpu.dma_semaphore, #tpu.memory_space<semaphore_mem>>) src(%dma_wait3A_481 : memref<40x128xf32, #tpu.memory_space<hbm>>) dst(%arg7 : memref<40x128xf32, #tpu.memory_space<vmem>>)
        %dma_wait3A_482 = arith.constant 0 : i32
        %dma_wait3A_483 = arith.constant 0 : i32
        %dma_wait3A_484 = tpu.memref_slice %arg3[%dma_wait3A_482, %dma_wait3A_483] : memref<160000x16xf32, #tpu.memory_space<hbm>> -> memref<40x16xf32, #tpu.memory_space<hbm>>
        %dma_wait3A_485 = arith.constant 0 : i32
        %dma_wait3A_486 = arith.constant 0 : i32
        %dma_wait3A_487 = tpu.memref_slice %arg3[%dma_wait3A_485, %dma_wait3A_486] : memref<160000x16xf32, #tpu.memory_space<hbm>> -> memref<40x16xf32, #tpu.memory_space<hbm>>
        tpu.wait_dma2 semaphore(%arg20 : memref<!tpu.dma_semaphore, #tpu.memory_space<semaphore_mem>>) src(%dma_wait3A_487 : memref<40x16xf32, #tpu.memory_space<hbm>>) dst(%arg11 : memref<40x16xf32, #tpu.memory_space<vmem>>)
        %dma_wait3A_488 = arith.constant 0 : i32
        %dma_wait3A_489 = tpu.memref_slice %arg4[%dma_wait3A_488] : memref<160000xi32, #tpu.memory_space<hbm>> -> memref<40xi32, #tpu.memory_space<hbm>>
        %dma_wait3A_490 = arith.constant 0 : i32
        %dma_wait3A_491 = tpu.memref_slice %arg4[%dma_wait3A_490] : memref<160000xi32, #tpu.memory_space<hbm>> -> memref<40xi32, #tpu.memory_space<hbm>>
        tpu.wait_dma2 semaphore(%arg20 : memref<!tpu.dma_semaphore, #tpu.memory_space<semaphore_mem>>) src(%dma_wait3A_491 : memref<40xi32, #tpu.memory_space<hbm>>) dst(%arg15 : memref<40xi32, #tpu.memory_space<vmem>>)
        %ge3A = arith.constant 2 : i32
        %ge3A_492 = arith.cmpi sge, %scan3A_395, %ge3A : i32
        %convert_element_type3A_493 = arith.extui %ge3A_492 : i1 to i32
        %cond3A_494 = arith.constant 0 : i32
        %cond3A_495 = arith.cmpi ne, %convert_element_type3A_493, %cond3A_494 : i32
        scf.if %cond3A_495 {
          %dma_wait3A_513 = arith.constant 0 : i32
          %dma_wait3A_514 = arith.constant 0 : i32
          %dma_wait3A_515 = tpu.memref_slice %arg19[%dma_wait3A_513, %dma_wait3A_514] : memref<10000x128xf32, #tpu.memory_space<vmem_shared>> -> memref<10000x128xf32, #tpu.memory_space<vmem_shared>>
          tpu.wait_indirect_dma semaphore(%arg22 : memref<!tpu.dma_semaphore, #tpu.memory_space<semaphore_mem>>) src(%arg9 : memref<40x128xf32, #tpu.memory_space<vmem>>) dst(%dma_wait3A_515 : memref<10000x128xf32, #tpu.memory_space<vmem_shared>>)
        } else {
        }
        %scan3A_496 = arith.constant 0 : i32
        %scan3A_497 = arith.constant 0 : i32
        %scan3A_498 = arith.constant 40 : i32
        %scan3A_499 = arith.addi %scan3A_497, %scan3A_498 : i32
        %scan3A_500 = arith.constant 1 : i32
        %scan3A_501 = scf.for %scan3A_513 = %scan3A_497 to %scan3A_499 step %scan3A_500 iter_args(%scan3A_514 = %scan3A_496) -> (i32)  : i32 {
          %get3A_515 = arith.index_cast %scan3A_513 : i32 to index
          %get3A_516 = arith.constant 0 : index
          %get3A_517 = tpu.vector_load %arg11[%get3A_515, %get3A_516] {strides = array<i32>} : memref<40x16xf32, #tpu.memory_space<vmem>>, vector<1x16xf32>,
          %get3A_518 = vector.shape_cast %get3A_517 : vector<1x16xf32> to vector<16xf32>
          %slice3A = vector.extract_strided_slice %get3A_518 {offsets = [0], sizes = [1], strides = [1]} : vector<16xf32> to vector<1xf32>
          %squeeze3A = vector.extract %slice3A[0] : f32 from vector<1xf32>
          %slice3A_519 = vector.extract_strided_slice %get3A_518 {offsets = [1], sizes = [1], strides = [1]} : vector<16xf32> to vector<1xf32>
          %squeeze3A_520 = vector.extract %slice3A_519[0] : f32 from vector<1xf32>
          %slice3A_521 = vector.extract_strided_slice %get3A_518 {offsets = [2], sizes = [1], strides = [1]} : vector<16xf32> to vector<1xf32>
          %squeeze3A_522 = vector.extract %slice3A_521[0] : f32 from vector<1xf32>
          %slice3A_523 = vector.extract_strided_slice %get3A_518 {offsets = [3], sizes = [1], strides = [1]} : vector<16xf32> to vector<1xf32>
          %squeeze3A_524 = vector.extract %slice3A_523[0] : f32 from vector<1xf32>
          %slice3A_525 = vector.extract_strided_slice %get3A_518 {offsets = [4], sizes = [1], strides = [1]} : vector<16xf32> to vector<1xf32>
          %squeeze3A_526 = vector.extract %slice3A_525[0] : f32 from vector<1xf32>
          %slice3A_527 = vector.extract_strided_slice %get3A_518 {offsets = [5], sizes = [1], strides = [1]} : vector<16xf32> to vector<1xf32>
          %squeeze3A_528 = vector.extract %slice3A_527[0] : f32 from vector<1xf32>
          %get3A_529 = arith.index_cast %scan3A_513 : i32 to index
          %get3A_530 = arith.constant 0 : index
          %get3A_531 = tpu.vector_load %arg7[%get3A_529, %get3A_530] {strides = array<i32>} : memref<40x128xf32, #tpu.memory_space<vmem>>, vector<1x16xf32>,
          %get3A_532 = vector.shape_cast %get3A_531 : vector<1x16xf32> to vector<16xf32>
          %mul3A_533 = vector.broadcast %squeeze3A : f32 to vector<16xf32>
          %mul3A_534 = arith.mulf %mul3A_533, %get3A_20 : vector<16xf32>
          %mul3A_535 = vector.broadcast %squeeze3A_520 : f32 to vector<16xf32>
          %mul3A_536 = arith.mulf %mul3A_535, %get3A_76 : vector<16xf32>
          %add3A_537 = arith.addf %mul3A_534, %mul3A_536 : vector<16xf32>
          %mul3A_538 = vector.broadcast %squeeze3A_522 : f32 to vector<16xf32>
          %mul3A_539 = arith.mulf %mul3A_538, %get3A_132 : vector<16xf32>
          %add3A_540 = arith.addf %add3A_537, %mul3A_539 : vector<16xf32>
          %mul3A_541 = vector.broadcast %squeeze3A_524 : f32 to vector<16xf32>
          %mul3A_542 = arith.mulf %mul3A_541, %get3A_188 : vector<16xf32>
          %add3A_543 = arith.addf %add3A_540, %mul3A_542 : vector<16xf32>
          %mul3A_544 = vector.broadcast %squeeze3A_526 : f32 to vector<16xf32>
          %mul3A_545 = arith.mulf %mul3A_544, %get3A_244 : vector<16xf32>
          %add3A_546 = arith.addf %add3A_543, %mul3A_545 : vector<16xf32>
          %mul3A_547 = vector.broadcast %squeeze3A_528 : f32 to vector<16xf32>
          %mul3A_548 = arith.mulf %mul3A_547, %get3A_300 : vector<16xf32>
          %add3A_549 = arith.addf %add3A_546, %mul3A_548 : vector<16xf32>
          %mul3A_550 = arith.mulf %add3A_549, %get3A_532 : vector<16xf32>
          %swap3A = arith.index_cast %scan3A_513 : i32 to index
          %swap3A_551 = arith.constant 0 : index
          %swap3A_552 = tpu.vector_load %arg9[%swap3A, %swap3A_551] {strides = array<i32>} : memref<40x128xf32, #tpu.memory_space<vmem>>, vector<1x16xf32>,
          %swap3A_553 = vector.shape_cast %swap3A_552 : vector<1x16xf32> to vector<16xf32>
          %swap3A_554 = vector.shape_cast %mul3A_550 : vector<16xf32> to vector<1x16xf32>
          tpu.vector_store %arg9[%swap3A, %swap3A_551], %swap3A_554 {strides = array<i32>} : memref<40x128xf32, #tpu.memory_space<vmem>>, vector<1x16xf32>,
          %get3A_555 = arith.index_cast %scan3A_513 : i32 to index
          %get3A_556 = arith.constant 16 : index
          %get3A_557 = tpu.vector_load %arg7[%get3A_555, %get3A_556] {strides = array<i32>} : memref<40x128xf32, #tpu.memory_space<vmem>>, vector<1x16xf32>,
          %get3A_558 = vector.shape_cast %get3A_557 : vector<1x16xf32> to vector<16xf32>
          %mul3A_559 = vector.broadcast %squeeze3A : f32 to vector<16xf32>
          %mul3A_560 = arith.mulf %mul3A_559, %get3A_27 : vector<16xf32>
          %mul3A_561 = vector.broadcast %squeeze3A_520 : f32 to vector<16xf32>
          %mul3A_562 = arith.mulf %mul3A_561, %get3A_83 : vector<16xf32>
          %add3A_563 = arith.addf %mul3A_560, %mul3A_562 : vector<16xf32>
          %mul3A_564 = vector.broadcast %squeeze3A_522 : f32 to vector<16xf32>
          %mul3A_565 = arith.mulf %mul3A_564, %get3A_139 : vector<16xf32>
          %add3A_566 = arith.addf %add3A_563, %mul3A_565 : vector<16xf32>
          %mul3A_567 = vector.broadcast %squeeze3A_524 : f32 to vector<16xf32>
          %mul3A_568 = arith.mulf %mul3A_567, %get3A_195 : vector<16xf32>
          %add3A_569 = arith.addf %add3A_566, %mul3A_568 : vector<16xf32>
          %mul3A_570 = vector.broadcast %squeeze3A_526 : f32 to vector<16xf32>
          %mul3A_571 = arith.mulf %mul3A_570, %get3A_251 : vector<16xf32>
          %add3A_572 = arith.addf %add3A_569, %mul3A_571 : vector<16xf32>
          %mul3A_573 = vector.broadcast %squeeze3A_528 : f32 to vector<16xf32>
          %mul3A_574 = arith.mulf %mul3A_573, %get3A_307 : vector<16xf32>
          %add3A_575 = arith.addf %add3A_572, %mul3A_574 : vector<16xf32>
          %mul3A_576 = arith.mulf %add3A_575, %get3A_558 : vector<16xf32>
          %swap3A_577 = arith.index_cast %scan3A_513 : i32 to index
          %swap3A_578 = arith.constant 16 : index
          %swap3A_579 = tpu.vector_load %arg9[%swap3A_577, %swap3A_578] {strides = array<i32>} : memref<40x128xf32, #tpu.memory_space<vmem>>, vector<1x16xf32>,
          %swap3A_580 = vector.shape_cast %swap3A_579 : vector<1x16xf32> to vector<16xf32>
          %swap3A_581 = vector.shape_cast %mul3A_576 : vector<16xf32> to vector<1x16xf32>
          tpu.vector_store %arg9[%swap3A_577, %swap3A_578], %swap3A_581 {strides = array<i32>} : memref<40x128xf32, #tpu.memory_space<vmem>>, vector<1x16xf32>,
          %get3A_582 = arith.index_cast %scan3A_513 : i32 to index
          %get3A_583 = arith.constant 32 : index
          %get3A_584 = tpu.vector_load %arg7[%get3A_582, %get3A_583] {strides = array<i32>} : memref<40x128xf32, #tpu.memory_space<vmem>>, vector<1x16xf32>,
          %get3A_585 = vector.shape_cast %get3A_584 : vector<1x16xf32> to vector<16xf32>
          %mul3A_586 = vector.broadcast %squeeze3A : f32 to vector<16xf32>
          %mul3A_587 = arith.mulf %mul3A_586, %get3A_34 : vector<16xf32>
          %mul3A_588 = vector.broadcast %squeeze3A_520 : f32 to vector<16xf32>
          %mul3A_589 = arith.mulf %mul3A_588, %get3A_90 : vector<16xf32>
          %add3A_590 = arith.addf %mul3A_587, %mul3A_589 : vector<16xf32>
          %mul3A_591 = vector.broadcast %squeeze3A_522 : f32 to vector<16xf32>
          %mul3A_592 = arith.mulf %mul3A_591, %get3A_146 : vector<16xf32>
          %add3A_593 = arith.addf %add3A_590, %mul3A_592 : vector<16xf32>
          %mul3A_594 = vector.broadcast %squeeze3A_524 : f32 to vector<16xf32>
          %mul3A_595 = arith.mulf %mul3A_594, %get3A_202 : vector<16xf32>
          %add3A_596 = arith.addf %add3A_593, %mul3A_595 : vector<16xf32>
          %mul3A_597 = vector.broadcast %squeeze3A_526 : f32 to vector<16xf32>
          %mul3A_598 = arith.mulf %mul3A_597, %get3A_258 : vector<16xf32>
          %add3A_599 = arith.addf %add3A_596, %mul3A_598 : vector<16xf32>
          %mul3A_600 = vector.broadcast %squeeze3A_528 : f32 to vector<16xf32>
          %mul3A_601 = arith.mulf %mul3A_600, %get3A_314 : vector<16xf32>
          %add3A_602 = arith.addf %add3A_599, %mul3A_601 : vector<16xf32>
          %mul3A_603 = arith.mulf %add3A_602, %get3A_585 : vector<16xf32>
          %swap3A_604 = arith.index_cast %scan3A_513 : i32 to index
          %swap3A_605 = arith.constant 32 : index
          %swap3A_606 = tpu.vector_load %arg9[%swap3A_604, %swap3A_605] {strides = array<i32>} : memref<40x128xf32, #tpu.memory_space<vmem>>, vector<1x16xf32>,
          %swap3A_607 = vector.shape_cast %swap3A_606 : vector<1x16xf32> to vector<16xf32>
          %swap3A_608 = vector.shape_cast %mul3A_603 : vector<16xf32> to vector<1x16xf32>
          tpu.vector_store %arg9[%swap3A_604, %swap3A_605], %swap3A_608 {strides = array<i32>} : memref<40x128xf32, #tpu.memory_space<vmem>>, vector<1x16xf32>,
          %get3A_609 = arith.index_cast %scan3A_513 : i32 to index
          %get3A_610 = arith.constant 48 : index
          %get3A_611 = tpu.vector_load %arg7[%get3A_609, %get3A_610] {strides = array<i32>} : memref<40x128xf32, #tpu.memory_space<vmem>>, vector<1x16xf32>,
          %get3A_612 = vector.shape_cast %get3A_611 : vector<1x16xf32> to vector<16xf32>
          %mul3A_613 = vector.broadcast %squeeze3A : f32 to vector<16xf32>
          %mul3A_614 = arith.mulf %mul3A_613, %get3A_41 : vector<16xf32>
          %mul3A_615 = vector.broadcast %squeeze3A_520 : f32 to vector<16xf32>
          %mul3A_616 = arith.mulf %mul3A_615, %get3A_97 : vector<16xf32>
          %add3A_617 = arith.addf %mul3A_614, %mul3A_616 : vector<16xf32>
          %mul3A_618 = vector.broadcast %squeeze3A_522 : f32 to vector<16xf32>
          %mul3A_619 = arith.mulf %mul3A_618, %get3A_153 : vector<16xf32>
          %add3A_620 = arith.addf %add3A_617, %mul3A_619 : vector<16xf32>
          %mul3A_621 = vector.broadcast %squeeze3A_524 : f32 to vector<16xf32>
          %mul3A_622 = arith.mulf %mul3A_621, %get3A_209 : vector<16xf32>
          %add3A_623 = arith.addf %add3A_620, %mul3A_622 : vector<16xf32>
          %mul3A_624 = vector.broadcast %squeeze3A_526 : f32 to vector<16xf32>
          %mul3A_625 = arith.mulf %mul3A_624, %get3A_265 : vector<16xf32>
          %add3A_626 = arith.addf %add3A_623, %mul3A_625 : vector<16xf32>
          %mul3A_627 = vector.broadcast %squeeze3A_528 : f32 to vector<16xf32>
          %mul3A_628 = arith.mulf %mul3A_627, %get3A_321 : vector<16xf32>
          %add3A_629 = arith.addf %add3A_626, %mul3A_628 : vector<16xf32>
          %mul3A_630 = arith.mulf %add3A_629, %get3A_612 : vector<16xf32>
          %swap3A_631 = arith.index_cast %scan3A_513 : i32 to index
          %swap3A_632 = arith.constant 48 : index
          %swap3A_633 = tpu.vector_load %arg9[%swap3A_631, %swap3A_632] {strides = array<i32>} : memref<40x128xf32, #tpu.memory_space<vmem>>, vector<1x16xf32>,
          %swap3A_634 = vector.shape_cast %swap3A_633 : vector<1x16xf32> to vector<16xf32>
          %swap3A_635 = vector.shape_cast %mul3A_630 : vector<16xf32> to vector<1x16xf32>
          tpu.vector_store %arg9[%swap3A_631, %swap3A_632], %swap3A_635 {strides = array<i32>} : memref<40x128xf32, #tpu.memory_space<vmem>>, vector<1x16xf32>,
          %get3A_636 = arith.index_cast %scan3A_513 : i32 to index
          %get3A_637 = arith.constant 64 : index
          %get3A_638 = tpu.vector_load %arg7[%get3A_636, %get3A_637] {strides = array<i32>} : memref<40x128xf32, #tpu.memory_space<vmem>>, vector<1x16xf32>,
          %get3A_639 = vector.shape_cast %get3A_638 : vector<1x16xf32> to vector<16xf32>
          %mul3A_640 = vector.broadcast %squeeze3A : f32 to vector<16xf32>
          %mul3A_641 = arith.mulf %mul3A_640, %get3A_48 : vector<16xf32>
          %mul3A_642 = vector.broadcast %squeeze3A_520 : f32 to vector<16xf32>
          %mul3A_643 = arith.mulf %mul3A_642, %get3A_104 : vector<16xf32>
          %add3A_644 = arith.addf %mul3A_641, %mul3A_643 : vector<16xf32>
          %mul3A_645 = vector.broadcast %squeeze3A_522 : f32 to vector<16xf32>
          %mul3A_646 = arith.mulf %mul3A_645, %get3A_160 : vector<16xf32>
          %add3A_647 = arith.addf %add3A_644, %mul3A_646 : vector<16xf32>
          %mul3A_648 = vector.broadcast %squeeze3A_524 : f32 to vector<16xf32>
          %mul3A_649 = arith.mulf %mul3A_648, %get3A_216 : vector<16xf32>
          %add3A_650 = arith.addf %add3A_647, %mul3A_649 : vector<16xf32>
          %mul3A_651 = vector.broadcast %squeeze3A_526 : f32 to vector<16xf32>
          %mul3A_652 = arith.mulf %mul3A_651, %get3A_272 : vector<16xf32>
          %add3A_653 = arith.addf %add3A_650, %mul3A_652 : vector<16xf32>
          %mul3A_654 = vector.broadcast %squeeze3A_528 : f32 to vector<16xf32>
          %mul3A_655 = arith.mulf %mul3A_654, %get3A_328 : vector<16xf32>
          %add3A_656 = arith.addf %add3A_653, %mul3A_655 : vector<16xf32>
          %mul3A_657 = arith.mulf %add3A_656, %get3A_639 : vector<16xf32>
          %swap3A_658 = arith.index_cast %scan3A_513 : i32 to index
          %swap3A_659 = arith.constant 64 : index
          %swap3A_660 = tpu.vector_load %arg9[%swap3A_658, %swap3A_659] {strides = array<i32>} : memref<40x128xf32, #tpu.memory_space<vmem>>, vector<1x16xf32>,
          %swap3A_661 = vector.shape_cast %swap3A_660 : vector<1x16xf32> to vector<16xf32>
          %swap3A_662 = vector.shape_cast %mul3A_657 : vector<16xf32> to vector<1x16xf32>
          tpu.vector_store %arg9[%swap3A_658, %swap3A_659], %swap3A_662 {strides = array<i32>} : memref<40x128xf32, #tpu.memory_space<vmem>>, vector<1x16xf32>,
          %get3A_663 = arith.index_cast %scan3A_513 : i32 to index
          %get3A_664 = arith.constant 80 : index
          %get3A_665 = tpu.vector_load %arg7[%get3A_663, %get3A_664] {strides = array<i32>} : memref<40x128xf32, #tpu.memory_space<vmem>>, vector<1x16xf32>,
          %get3A_666 = vector.shape_cast %get3A_665 : vector<1x16xf32> to vector<16xf32>
          %mul3A_667 = vector.broadcast %squeeze3A : f32 to vector<16xf32>
          %mul3A_668 = arith.mulf %mul3A_667, %get3A_55 : vector<16xf32>
          %mul3A_669 = vector.broadcast %squeeze3A_520 : f32 to vector<16xf32>
          %mul3A_670 = arith.mulf %mul3A_669, %get3A_111 : vector<16xf32>
          %add3A_671 = arith.addf %mul3A_668, %mul3A_670 : vector<16xf32>
          %mul3A_672 = vector.broadcast %squeeze3A_522 : f32 to vector<16xf32>
          %mul3A_673 = arith.mulf %mul3A_672, %get3A_167 : vector<16xf32>
          %add3A_674 = arith.addf %add3A_671, %mul3A_673 : vector<16xf32>
          %mul3A_675 = vector.broadcast %squeeze3A_524 : f32 to vector<16xf32>
          %mul3A_676 = arith.mulf %mul3A_675, %get3A_223 : vector<16xf32>
          %add3A_677 = arith.addf %add3A_674, %mul3A_676 : vector<16xf32>
          %mul3A_678 = vector.broadcast %squeeze3A_526 : f32 to vector<16xf32>
          %mul3A_679 = arith.mulf %mul3A_678, %get3A_279 : vector<16xf32>
          %add3A_680 = arith.addf %add3A_677, %mul3A_679 : vector<16xf32>
          %mul3A_681 = vector.broadcast %squeeze3A_528 : f32 to vector<16xf32>
          %mul3A_682 = arith.mulf %mul3A_681, %get3A_335 : vector<16xf32>
          %add3A_683 = arith.addf %add3A_680, %mul3A_682 : vector<16xf32>
          %mul3A_684 = arith.mulf %add3A_683, %get3A_666 : vector<16xf32>
          %swap3A_685 = arith.index_cast %scan3A_513 : i32 to index
          %swap3A_686 = arith.constant 80 : index
          %swap3A_687 = tpu.vector_load %arg9[%swap3A_685, %swap3A_686] {strides = array<i32>} : memref<40x128xf32, #tpu.memory_space<vmem>>, vector<1x16xf32>,
          %swap3A_688 = vector.shape_cast %swap3A_687 : vector<1x16xf32> to vector<16xf32>
          %swap3A_689 = vector.shape_cast %mul3A_684 : vector<16xf32> to vector<1x16xf32>
          tpu.vector_store %arg9[%swap3A_685, %swap3A_686], %swap3A_689 {strides = array<i32>} : memref<40x128xf32, #tpu.memory_space<vmem>>, vector<1x16xf32>,
          %get3A_690 = arith.index_cast %scan3A_513 : i32 to index
          %get3A_691 = arith.constant 96 : index
          %get3A_692 = tpu.vector_load %arg7[%get3A_690, %get3A_691] {strides = array<i32>} : memref<40x128xf32, #tpu.memory_space<vmem>>, vector<1x16xf32>,
          %get3A_693 = vector.shape_cast %get3A_692 : vector<1x16xf32> to vector<16xf32>
          %mul3A_694 = vector.broadcast %squeeze3A : f32 to vector<16xf32>
          %mul3A_695 = arith.mulf %mul3A_694, %get3A_62 : vector<16xf32>
          %mul3A_696 = vector.broadcast %squeeze3A_520 : f32 to vector<16xf32>
          %mul3A_697 = arith.mulf %mul3A_696, %get3A_118 : vector<16xf32>
          %add3A_698 = arith.addf %mul3A_695, %mul3A_697 : vector<16xf32>
          %mul3A_699 = vector.broadcast %squeeze3A_522 : f32 to vector<16xf32>
          %mul3A_700 = arith.mulf %mul3A_699, %get3A_174 : vector<16xf32>
          %add3A_701 = arith.addf %add3A_698, %mul3A_700 : vector<16xf32>
          %mul3A_702 = vector.broadcast %squeeze3A_524 : f32 to vector<16xf32>
          %mul3A_703 = arith.mulf %mul3A_702, %get3A_230 : vector<16xf32>
          %add3A_704 = arith.addf %add3A_701, %mul3A_703 : vector<16xf32>
          %mul3A_705 = vector.broadcast %squeeze3A_526 : f32 to vector<16xf32>
          %mul3A_706 = arith.mulf %mul3A_705, %get3A_286 : vector<16xf32>
          %add3A_707 = arith.addf %add3A_704, %mul3A_706 : vector<16xf32>
          %mul3A_708 = vector.broadcast %squeeze3A_528 : f32 to vector<16xf32>
          %mul3A_709 = arith.mulf %mul3A_708, %get3A_342 : vector<16xf32>
          %add3A_710 = arith.addf %add3A_707, %mul3A_709 : vector<16xf32>
          %mul3A_711 = arith.mulf %add3A_710, %get3A_693 : vector<16xf32>
          %swap3A_712 = arith.index_cast %scan3A_513 : i32 to index
          %swap3A_713 = arith.constant 96 : index
          %swap3A_714 = tpu.vector_load %arg9[%swap3A_712, %swap3A_713] {strides = array<i32>} : memref<40x128xf32, #tpu.memory_space<vmem>>, vector<1x16xf32>,
          %swap3A_715 = vector.shape_cast %swap3A_714 : vector<1x16xf32> to vector<16xf32>
          %swap3A_716 = vector.shape_cast %mul3A_711 : vector<16xf32> to vector<1x16xf32>
          tpu.vector_store %arg9[%swap3A_712, %swap3A_713], %swap3A_716 {strides = array<i32>} : memref<40x128xf32, #tpu.memory_space<vmem>>, vector<1x16xf32>,
          %get3A_717 = arith.index_cast %scan3A_513 : i32 to index
          %get3A_718 = arith.constant 112 : index
          %get3A_719 = tpu.vector_load %arg7[%get3A_717, %get3A_718] {strides = array<i32>} : memref<40x128xf32, #tpu.memory_space<vmem>>, vector<1x16xf32>,
          %get3A_720 = vector.shape_cast %get3A_719 : vector<1x16xf32> to vector<16xf32>
          %mul3A_721 = vector.broadcast %squeeze3A : f32 to vector<16xf32>
          %mul3A_722 = arith.mulf %mul3A_721, %get3A_69 : vector<16xf32>
          %mul3A_723 = vector.broadcast %squeeze3A_520 : f32 to vector<16xf32>
          %mul3A_724 = arith.mulf %mul3A_723, %get3A_125 : vector<16xf32>
          %add3A_725 = arith.addf %mul3A_722, %mul3A_724 : vector<16xf32>
          %mul3A_726 = vector.broadcast %squeeze3A_522 : f32 to vector<16xf32>
          %mul3A_727 = arith.mulf %mul3A_726, %get3A_181 : vector<16xf32>
          %add3A_728 = arith.addf %add3A_725, %mul3A_727 : vector<16xf32>
          %mul3A_729 = vector.broadcast %squeeze3A_524 : f32 to vector<16xf32>
          %mul3A_730 = arith.mulf %mul3A_729, %get3A_237 : vector<16xf32>
          %add3A_731 = arith.addf %add3A_728, %mul3A_730 : vector<16xf32>
          %mul3A_732 = vector.broadcast %squeeze3A_526 : f32 to vector<16xf32>
          %mul3A_733 = arith.mulf %mul3A_732, %get3A_293 : vector<16xf32>
          %add3A_734 = arith.addf %add3A_731, %mul3A_733 : vector<16xf32>
          %mul3A_735 = vector.broadcast %squeeze3A_528 : f32 to vector<16xf32>
          %mul3A_736 = arith.mulf %mul3A_735, %get3A_349 : vector<16xf32>
          %add3A_737 = arith.addf %add3A_734, %mul3A_736 : vector<16xf32>
          %mul3A_738 = arith.mulf %add3A_737, %get3A_720 : vector<16xf32>
          %swap3A_739 = arith.index_cast %scan3A_513 : i32 to index
          %swap3A_740 = arith.constant 112 : index
          %swap3A_741 = tpu.vector_load %arg9[%swap3A_739, %swap3A_740] {strides = array<i32>} : memref<40x128xf32, #tpu.memory_space<vmem>>, vector<1x16xf32>,
          %swap3A_742 = vector.shape_cast %swap3A_741 : vector<1x16xf32> to vector<16xf32>
          %swap3A_743 = vector.shape_cast %mul3A_738 : vector<16xf32> to vector<1x16xf32>
          tpu.vector_store %arg9[%swap3A_739, %swap3A_740], %swap3A_743 {strides = array<i32>} : memref<40x128xf32, #tpu.memory_space<vmem>>, vector<1x16xf32>,
          %scan3A_744 = arith.constant 0 : i32
          scf.yield %scan3A_744 : i32
        }
        %scan3A_502 = arith.constant 40 : i32
        %dma_start3A_503 = arith.constant 0 : i32
        %dma_start3A_504 = arith.constant 0 : i32
        %dma_start3A_505 = tpu.memref_slice %arg19[%dma_start3A_503, %dma_start3A_504] : memref<10000x128xf32, #tpu.memory_space<vmem_shared>> -> memref<10000x128xf32, #tpu.memory_space<vmem_shared>>
        tpu.enqueue_indirect_dma source(%arg9 : memref<40x128xf32, #tpu.memory_space<vmem>>) target(%dma_start3A_505 : memref<10000x128xf32, #tpu.memory_space<vmem_shared>>) offsets(%arg15 : memref<40xi32, #tpu.memory_space<vmem>>) semaphore(%arg22 : memref<!tpu.dma_semaphore, #tpu.memory_space<semaphore_mem>>) {add = true}
        %add3A_506 = arith.constant 2 : i32
        %add3A_507 = arith.addi %scan3A_395, %add3A_506 : i32
        %lt3A_508 = arith.constant 250 : i32
        %lt3A_509 = arith.cmpi slt, %add3A_507, %lt3A_508 : i32
        %convert_element_type3A_510 = arith.extui %lt3A_509 : i1 to i32
        %cond3A_511 = arith.constant 0 : i32
        %cond3A_512 = arith.cmpi ne, %convert_element_type3A_510, %cond3A_511 : i32
        scf.if %cond3A_512 {
          %add3A_513 = arith.constant 2 : i32
          %add3A_514 = arith.addi %scan3A_395, %add3A_513 : i32
          %mul3A_515 = arith.constant 10000 : i32
          %mul3A_516 = arith.muli %arg1, %mul3A_515 : i32
          %mul3A_517 = arith.constant 40 : i32
          %mul3A_518 = arith.muli %add3A_514, %mul3A_517 : i32
          %add3A_519 = arith.addi %mul3A_516, %mul3A_518 : i32
          %dma_start3A_520 = tpu.memref_slice %arg2[%add3A_519, %mul3A_0] : memref<160000x256xf32, #tpu.memory_space<hbm>> -> memref<40x128xf32, #tpu.memory_space<hbm>>
          %dma_start3A_521 = tpu.memref_slice %arg2[%add3A_519, %mul3A_0] : memref<160000x256xf32, #tpu.memory_space<hbm>> -> memref<40x128xf32, #tpu.memory_space<hbm>>
          tpu.enqueue_dma source(%dma_start3A_521 : memref<40x128xf32, #tpu.memory_space<hbm>>) target(%arg7 : memref<40x128xf32, #tpu.memory_space<vmem>>) target_semaphore(%arg20 : memref<!tpu.dma_semaphore, #tpu.memory_space<semaphore_mem>>)
          %dma_start3A_522 = arith.constant 0 : i32
          %dma_start3A_523 = tpu.memref_slice %arg3[%add3A_519, %dma_start3A_522] : memref<160000x16xf32, #tpu.memory_space<hbm>> -> memref<40x16xf32, #tpu.memory_space<hbm>>
          %dma_start3A_524 = arith.constant 0 : i32
          %dma_start3A_525 = tpu.memref_slice %arg3[%add3A_519, %dma_start3A_524] : memref<160000x16xf32, #tpu.memory_space<hbm>> -> memref<40x16xf32, #tpu.memory_space<hbm>>
          tpu.enqueue_dma source(%dma_start3A_525 : memref<40x16xf32, #tpu.memory_space<hbm>>) target(%arg11 : memref<40x16xf32, #tpu.memory_space<vmem>>) target_semaphore(%arg20 : memref<!tpu.dma_semaphore, #tpu.memory_space<semaphore_mem>>)
          %dma_start3A_526 = tpu.memref_slice %arg4[%add3A_519] : memref<160000xi32, #tpu.memory_space<hbm>> -> memref<40xi32, #tpu.memory_space<hbm>>
          %dma_start3A_527 = tpu.memref_slice %arg4[%add3A_519] : memref<160000xi32, #tpu.memory_space<hbm>> -> memref<40xi32, #tpu.memory_space<hbm>>
          tpu.enqueue_dma source(%dma_start3A_527 : memref<40xi32, #tpu.memory_space<hbm>>) target(%arg13 : memref<40xi32, #tpu.memory_space<vmem>>) target_semaphore(%arg20 : memref<!tpu.dma_semaphore, #tpu.memory_space<semaphore_mem>>)
        } else {
        }
      } else {
      }
      %jit3A_454 = arith.constant 4 : i32
      %eq3A_455 = arith.constant 0 : i32
      %eq3A_456 = arith.cmpi eq, %jit3A_454, %eq3A_455 : i32
      %jit3A_457 = arith.constant 1 : i32
      %select_n3A_458 = arith.select %eq3A_456, %jit3A_457, %jit3A_454 : i32
      %rem3A_459 = arith.remsi %scan3A_395, %select_n3A_458 : i32
      %ne3A_460 = arith.constant 0 : i32
      %ne3A_461 = arith.cmpi ne, %rem3A_459, %ne3A_460 : i32
      %lt3A_462 = arith.constant 0 : i32
      %lt3A_463 = arith.cmpi slt, %rem3A_459, %lt3A_462 : i32
      %lt3A_464 = arith.constant 0 : i32
      %lt3A_465 = arith.cmpi slt, %select_n3A_458, %lt3A_464 : i32
      %ne3A_466 = arith.xori %lt3A_463, %lt3A_465 : i1
      %and3A_467 = arith.andi %ne3A_466, %ne3A_461 : i1
      %add3A_468 = arith.addi %rem3A_459, %select_n3A_458 : i32
      %select_n3A_469 = arith.select %and3A_467, %add3A_468, %rem3A_459 : i32
      %eq3A_470 = arith.constant 3 : i32
      %eq3A_471 = arith.cmpi eq, %select_n3A_469, %eq3A_470 : i32
      %convert_element_type3A_472 = arith.extui %eq3A_471 : i1 to i32
      %cond3A_473 = arith.constant 0 : i32
      %cond3A_474 = arith.cmpi ne, %convert_element_type3A_472, %cond3A_473 : i32
      scf.if %cond3A_474 {
        %dma_wait3A_476 = arith.constant 0 : i32
        %dma_wait3A_477 = arith.constant 0 : i32
        %dma_wait3A_478 = tpu.memref_slice %arg2[%dma_wait3A_476, %dma_wait3A_477] : memref<160000x256xf32, #tpu.memory_space<hbm>> -> memref<40x128xf32, #tpu.memory_space<hbm>>
        %dma_wait3A_479 = arith.constant 0 : i32
        %dma_wait3A_480 = arith.constant 0 : i32
        %dma_wait3A_481 = tpu.memref_slice %arg2[%dma_wait3A_479, %dma_wait3A_480] : memref<160000x256xf32, #tpu.memory_space<hbm>> -> memref<40x128xf32, #tpu.memory_space<hbm>>
        tpu.wait_dma2 semaphore(%arg21 : memref<!tpu.dma_semaphore, #tpu.memory_space<semaphore_mem>>) src(%dma_wait3A_481 : memref<40x128xf32, #tpu.memory_space<hbm>>) dst(%arg8 : memref<40x128xf32, #tpu.memory_space<vmem>>)
        %dma_wait3A_482 = arith.constant 0 : i32
        %dma_wait3A_483 = arith.constant 0 : i32
        %dma_wait3A_484 = tpu.memref_slice %arg3[%dma_wait3A_482, %dma_wait3A_483] : memref<160000x16xf32, #tpu.memory_space<hbm>> -> memref<40x16xf32, #tpu.memory_space<hbm>>
        %dma_wait3A_485 = arith.constant 0 : i32
        %dma_wait3A_486 = arith.constant 0 : i32
        %dma_wait3A_487 = tpu.memref_slice %arg3[%dma_wait3A_485, %dma_wait3A_486] : memref<160000x16xf32, #tpu.memory_space<hbm>> -> memref<40x16xf32, #tpu.memory_space<hbm>>
        tpu.wait_dma2 semaphore(%arg21 : memref<!tpu.dma_semaphore, #tpu.memory_space<semaphore_mem>>) src(%dma_wait3A_487 : memref<40x16xf32, #tpu.memory_space<hbm>>) dst(%arg12 : memref<40x16xf32, #tpu.memory_space<vmem>>)
        %dma_wait3A_488 = arith.constant 0 : i32
        %dma_wait3A_489 = tpu.memref_slice %arg4[%dma_wait3A_488] : memref<160000xi32, #tpu.memory_space<hbm>> -> memref<40xi32, #tpu.memory_space<hbm>>
        %dma_wait3A_490 = arith.constant 0 : i32
        %dma_wait3A_491 = tpu.memref_slice %arg4[%dma_wait3A_490] : memref<160000xi32, #tpu.memory_space<hbm>> -> memref<40xi32, #tpu.memory_space<hbm>>
        tpu.wait_dma2 semaphore(%arg21 : memref<!tpu.dma_semaphore, #tpu.memory_space<semaphore_mem>>) src(%dma_wait3A_491 : memref<40xi32, #tpu.memory_space<hbm>>) dst(%arg16 : memref<40xi32, #tpu.memory_space<vmem>>)
        %ge3A = arith.constant 2 : i32
        %ge3A_492 = arith.cmpi sge, %scan3A_395, %ge3A : i32
        %convert_element_type3A_493 = arith.extui %ge3A_492 : i1 to i32
        %cond3A_494 = arith.constant 0 : i32
        %cond3A_495 = arith.cmpi ne, %convert_element_type3A_493, %cond3A_494 : i32
        scf.if %cond3A_495 {
          %dma_wait3A_513 = arith.constant 0 : i32
          %dma_wait3A_514 = arith.constant 0 : i32
          %dma_wait3A_515 = tpu.memref_slice %arg19[%dma_wait3A_513, %dma_wait3A_514] : memref<10000x128xf32, #tpu.memory_space<vmem_shared>> -> memref<10000x128xf32, #tpu.memory_space<vmem_shared>>
          tpu.wait_indirect_dma semaphore(%arg23 : memref<!tpu.dma_semaphore, #tpu.memory_space<semaphore_mem>>) src(%arg10 : memref<40x128xf32, #tpu.memory_space<vmem>>) dst(%dma_wait3A_515 : memref<10000x128xf32, #tpu.memory_space<vmem_shared>>)
        } else {
        }
        %scan3A_496 = arith.constant 0 : i32
        %scan3A_497 = arith.constant 0 : i32
        %scan3A_498 = arith.constant 40 : i32
        %scan3A_499 = arith.addi %scan3A_497, %scan3A_498 : i32
        %scan3A_500 = arith.constant 1 : i32
        %scan3A_501 = scf.for %scan3A_513 = %scan3A_497 to %scan3A_499 step %scan3A_500 iter_args(%scan3A_514 = %scan3A_496) -> (i32)  : i32 {
          %get3A_515 = arith.index_cast %scan3A_513 : i32 to index
          %get3A_516 = arith.constant 0 : index
          %get3A_517 = tpu.vector_load %arg12[%get3A_515, %get3A_516] {strides = array<i32>} : memref<40x16xf32, #tpu.memory_space<vmem>>, vector<1x16xf32>,
          %get3A_518 = vector.shape_cast %get3A_517 : vector<1x16xf32> to vector<16xf32>
          %slice3A = vector.extract_strided_slice %get3A_518 {offsets = [0], sizes = [1], strides = [1]} : vector<16xf32> to vector<1xf32>
          %squeeze3A = vector.extract %slice3A[0] : f32 from vector<1xf32>
          %slice3A_519 = vector.extract_strided_slice %get3A_518 {offsets = [1], sizes = [1], strides = [1]} : vector<16xf32> to vector<1xf32>
          %squeeze3A_520 = vector.extract %slice3A_519[0] : f32 from vector<1xf32>
          %slice3A_521 = vector.extract_strided_slice %get3A_518 {offsets = [2], sizes = [1], strides = [1]} : vector<16xf32> to vector<1xf32>
          %squeeze3A_522 = vector.extract %slice3A_521[0] : f32 from vector<1xf32>
          %slice3A_523 = vector.extract_strided_slice %get3A_518 {offsets = [3], sizes = [1], strides = [1]} : vector<16xf32> to vector<1xf32>
          %squeeze3A_524 = vector.extract %slice3A_523[0] : f32 from vector<1xf32>
          %slice3A_525 = vector.extract_strided_slice %get3A_518 {offsets = [4], sizes = [1], strides = [1]} : vector<16xf32> to vector<1xf32>
          %squeeze3A_526 = vector.extract %slice3A_525[0] : f32 from vector<1xf32>
          %slice3A_527 = vector.extract_strided_slice %get3A_518 {offsets = [5], sizes = [1], strides = [1]} : vector<16xf32> to vector<1xf32>
          %squeeze3A_528 = vector.extract %slice3A_527[0] : f32 from vector<1xf32>
          %get3A_529 = arith.index_cast %scan3A_513 : i32 to index
          %get3A_530 = arith.constant 0 : index
          %get3A_531 = tpu.vector_load %arg8[%get3A_529, %get3A_530] {strides = array<i32>} : memref<40x128xf32, #tpu.memory_space<vmem>>, vector<1x16xf32>,
          %get3A_532 = vector.shape_cast %get3A_531 : vector<1x16xf32> to vector<16xf32>
          %mul3A_533 = vector.broadcast %squeeze3A : f32 to vector<16xf32>
          %mul3A_534 = arith.mulf %mul3A_533, %get3A_20 : vector<16xf32>
          %mul3A_535 = vector.broadcast %squeeze3A_520 : f32 to vector<16xf32>
          %mul3A_536 = arith.mulf %mul3A_535, %get3A_76 : vector<16xf32>
          %add3A_537 = arith.addf %mul3A_534, %mul3A_536 : vector<16xf32>
          %mul3A_538 = vector.broadcast %squeeze3A_522 : f32 to vector<16xf32>
          %mul3A_539 = arith.mulf %mul3A_538, %get3A_132 : vector<16xf32>
          %add3A_540 = arith.addf %add3A_537, %mul3A_539 : vector<16xf32>
          %mul3A_541 = vector.broadcast %squeeze3A_524 : f32 to vector<16xf32>
          %mul3A_542 = arith.mulf %mul3A_541, %get3A_188 : vector<16xf32>
          %add3A_543 = arith.addf %add3A_540, %mul3A_542 : vector<16xf32>
          %mul3A_544 = vector.broadcast %squeeze3A_526 : f32 to vector<16xf32>
          %mul3A_545 = arith.mulf %mul3A_544, %get3A_244 : vector<16xf32>
          %add3A_546 = arith.addf %add3A_543, %mul3A_545 : vector<16xf32>
          %mul3A_547 = vector.broadcast %squeeze3A_528 : f32 to vector<16xf32>
          %mul3A_548 = arith.mulf %mul3A_547, %get3A_300 : vector<16xf32>
          %add3A_549 = arith.addf %add3A_546, %mul3A_548 : vector<16xf32>
          %mul3A_550 = arith.mulf %add3A_549, %get3A_532 : vector<16xf32>
          %swap3A = arith.index_cast %scan3A_513 : i32 to index
          %swap3A_551 = arith.constant 0 : index
          %swap3A_552 = tpu.vector_load %arg10[%swap3A, %swap3A_551] {strides = array<i32>} : memref<40x128xf32, #tpu.memory_space<vmem>>, vector<1x16xf32>,
          %swap3A_553 = vector.shape_cast %swap3A_552 : vector<1x16xf32> to vector<16xf32>
          %swap3A_554 = vector.shape_cast %mul3A_550 : vector<16xf32> to vector<1x16xf32>
          tpu.vector_store %arg10[%swap3A, %swap3A_551], %swap3A_554 {strides = array<i32>} : memref<40x128xf32, #tpu.memory_space<vmem>>, vector<1x16xf32>,
          %get3A_555 = arith.index_cast %scan3A_513 : i32 to index
          %get3A_556 = arith.constant 16 : index
          %get3A_557 = tpu.vector_load %arg8[%get3A_555, %get3A_556] {strides = array<i32>} : memref<40x128xf32, #tpu.memory_space<vmem>>, vector<1x16xf32>,
          %get3A_558 = vector.shape_cast %get3A_557 : vector<1x16xf32> to vector<16xf32>
          %mul3A_559 = vector.broadcast %squeeze3A : f32 to vector<16xf32>
          %mul3A_560 = arith.mulf %mul3A_559, %get3A_27 : vector<16xf32>
          %mul3A_561 = vector.broadcast %squeeze3A_520 : f32 to vector<16xf32>
          %mul3A_562 = arith.mulf %mul3A_561, %get3A_83 : vector<16xf32>
          %add3A_563 = arith.addf %mul3A_560, %mul3A_562 : vector<16xf32>
          %mul3A_564 = vector.broadcast %squeeze3A_522 : f32 to vector<16xf32>
          %mul3A_565 = arith.mulf %mul3A_564, %get3A_139 : vector<16xf32>
          %add3A_566 = arith.addf %add3A_563, %mul3A_565 : vector<16xf32>
          %mul3A_567 = vector.broadcast %squeeze3A_524 : f32 to vector<16xf32>
          %mul3A_568 = arith.mulf %mul3A_567, %get3A_195 : vector<16xf32>
          %add3A_569 = arith.addf %add3A_566, %mul3A_568 : vector<16xf32>
          %mul3A_570 = vector.broadcast %squeeze3A_526 : f32 to vector<16xf32>
          %mul3A_571 = arith.mulf %mul3A_570, %get3A_251 : vector<16xf32>
          %add3A_572 = arith.addf %add3A_569, %mul3A_571 : vector<16xf32>
          %mul3A_573 = vector.broadcast %squeeze3A_528 : f32 to vector<16xf32>
          %mul3A_574 = arith.mulf %mul3A_573, %get3A_307 : vector<16xf32>
          %add3A_575 = arith.addf %add3A_572, %mul3A_574 : vector<16xf32>
          %mul3A_576 = arith.mulf %add3A_575, %get3A_558 : vector<16xf32>
          %swap3A_577 = arith.index_cast %scan3A_513 : i32 to index
          %swap3A_578 = arith.constant 16 : index
          %swap3A_579 = tpu.vector_load %arg10[%swap3A_577, %swap3A_578] {strides = array<i32>} : memref<40x128xf32, #tpu.memory_space<vmem>>, vector<1x16xf32>,
          %swap3A_580 = vector.shape_cast %swap3A_579 : vector<1x16xf32> to vector<16xf32>
          %swap3A_581 = vector.shape_cast %mul3A_576 : vector<16xf32> to vector<1x16xf32>
          tpu.vector_store %arg10[%swap3A_577, %swap3A_578], %swap3A_581 {strides = array<i32>} : memref<40x128xf32, #tpu.memory_space<vmem>>, vector<1x16xf32>,
          %get3A_582 = arith.index_cast %scan3A_513 : i32 to index
          %get3A_583 = arith.constant 32 : index
          %get3A_584 = tpu.vector_load %arg8[%get3A_582, %get3A_583] {strides = array<i32>} : memref<40x128xf32, #tpu.memory_space<vmem>>, vector<1x16xf32>,
          %get3A_585 = vector.shape_cast %get3A_584 : vector<1x16xf32> to vector<16xf32>
          %mul3A_586 = vector.broadcast %squeeze3A : f32 to vector<16xf32>
          %mul3A_587 = arith.mulf %mul3A_586, %get3A_34 : vector<16xf32>
          %mul3A_588 = vector.broadcast %squeeze3A_520 : f32 to vector<16xf32>
          %mul3A_589 = arith.mulf %mul3A_588, %get3A_90 : vector<16xf32>
          %add3A_590 = arith.addf %mul3A_587, %mul3A_589 : vector<16xf32>
          %mul3A_591 = vector.broadcast %squeeze3A_522 : f32 to vector<16xf32>
          %mul3A_592 = arith.mulf %mul3A_591, %get3A_146 : vector<16xf32>
          %add3A_593 = arith.addf %add3A_590, %mul3A_592 : vector<16xf32>
          %mul3A_594 = vector.broadcast %squeeze3A_524 : f32 to vector<16xf32>
          %mul3A_595 = arith.mulf %mul3A_594, %get3A_202 : vector<16xf32>
          %add3A_596 = arith.addf %add3A_593, %mul3A_595 : vector<16xf32>
          %mul3A_597 = vector.broadcast %squeeze3A_526 : f32 to vector<16xf32>
          %mul3A_598 = arith.mulf %mul3A_597, %get3A_258 : vector<16xf32>
          %add3A_599 = arith.addf %add3A_596, %mul3A_598 : vector<16xf32>
          %mul3A_600 = vector.broadcast %squeeze3A_528 : f32 to vector<16xf32>
          %mul3A_601 = arith.mulf %mul3A_600, %get3A_314 : vector<16xf32>
          %add3A_602 = arith.addf %add3A_599, %mul3A_601 : vector<16xf32>
          %mul3A_603 = arith.mulf %add3A_602, %get3A_585 : vector<16xf32>
          %swap3A_604 = arith.index_cast %scan3A_513 : i32 to index
          %swap3A_605 = arith.constant 32 : index
          %swap3A_606 = tpu.vector_load %arg10[%swap3A_604, %swap3A_605] {strides = array<i32>} : memref<40x128xf32, #tpu.memory_space<vmem>>, vector<1x16xf32>,
          %swap3A_607 = vector.shape_cast %swap3A_606 : vector<1x16xf32> to vector<16xf32>
          %swap3A_608 = vector.shape_cast %mul3A_603 : vector<16xf32> to vector<1x16xf32>
          tpu.vector_store %arg10[%swap3A_604, %swap3A_605], %swap3A_608 {strides = array<i32>} : memref<40x128xf32, #tpu.memory_space<vmem>>, vector<1x16xf32>,
          %get3A_609 = arith.index_cast %scan3A_513 : i32 to index
          %get3A_610 = arith.constant 48 : index
          %get3A_611 = tpu.vector_load %arg8[%get3A_609, %get3A_610] {strides = array<i32>} : memref<40x128xf32, #tpu.memory_space<vmem>>, vector<1x16xf32>,
          %get3A_612 = vector.shape_cast %get3A_611 : vector<1x16xf32> to vector<16xf32>
          %mul3A_613 = vector.broadcast %squeeze3A : f32 to vector<16xf32>
          %mul3A_614 = arith.mulf %mul3A_613, %get3A_41 : vector<16xf32>
          %mul3A_615 = vector.broadcast %squeeze3A_520 : f32 to vector<16xf32>
          %mul3A_616 = arith.mulf %mul3A_615, %get3A_97 : vector<16xf32>
          %add3A_617 = arith.addf %mul3A_614, %mul3A_616 : vector<16xf32>
          %mul3A_618 = vector.broadcast %squeeze3A_522 : f32 to vector<16xf32>
          %mul3A_619 = arith.mulf %mul3A_618, %get3A_153 : vector<16xf32>
          %add3A_620 = arith.addf %add3A_617, %mul3A_619 : vector<16xf32>
          %mul3A_621 = vector.broadcast %squeeze3A_524 : f32 to vector<16xf32>
          %mul3A_622 = arith.mulf %mul3A_621, %get3A_209 : vector<16xf32>
          %add3A_623 = arith.addf %add3A_620, %mul3A_622 : vector<16xf32>
          %mul3A_624 = vector.broadcast %squeeze3A_526 : f32 to vector<16xf32>
          %mul3A_625 = arith.mulf %mul3A_624, %get3A_265 : vector<16xf32>
          %add3A_626 = arith.addf %add3A_623, %mul3A_625 : vector<16xf32>
          %mul3A_627 = vector.broadcast %squeeze3A_528 : f32 to vector<16xf32>
          %mul3A_628 = arith.mulf %mul3A_627, %get3A_321 : vector<16xf32>
          %add3A_629 = arith.addf %add3A_626, %mul3A_628 : vector<16xf32>
          %mul3A_630 = arith.mulf %add3A_629, %get3A_612 : vector<16xf32>
          %swap3A_631 = arith.index_cast %scan3A_513 : i32 to index
          %swap3A_632 = arith.constant 48 : index
          %swap3A_633 = tpu.vector_load %arg10[%swap3A_631, %swap3A_632] {strides = array<i32>} : memref<40x128xf32, #tpu.memory_space<vmem>>, vector<1x16xf32>,
          %swap3A_634 = vector.shape_cast %swap3A_633 : vector<1x16xf32> to vector<16xf32>
          %swap3A_635 = vector.shape_cast %mul3A_630 : vector<16xf32> to vector<1x16xf32>
          tpu.vector_store %arg10[%swap3A_631, %swap3A_632], %swap3A_635 {strides = array<i32>} : memref<40x128xf32, #tpu.memory_space<vmem>>, vector<1x16xf32>,
          %get3A_636 = arith.index_cast %scan3A_513 : i32 to index
          %get3A_637 = arith.constant 64 : index
          %get3A_638 = tpu.vector_load %arg8[%get3A_636, %get3A_637] {strides = array<i32>} : memref<40x128xf32, #tpu.memory_space<vmem>>, vector<1x16xf32>,
          %get3A_639 = vector.shape_cast %get3A_638 : vector<1x16xf32> to vector<16xf32>
          %mul3A_640 = vector.broadcast %squeeze3A : f32 to vector<16xf32>
          %mul3A_641 = arith.mulf %mul3A_640, %get3A_48 : vector<16xf32>
          %mul3A_642 = vector.broadcast %squeeze3A_520 : f32 to vector<16xf32>
          %mul3A_643 = arith.mulf %mul3A_642, %get3A_104 : vector<16xf32>
          %add3A_644 = arith.addf %mul3A_641, %mul3A_643 : vector<16xf32>
          %mul3A_645 = vector.broadcast %squeeze3A_522 : f32 to vector<16xf32>
          %mul3A_646 = arith.mulf %mul3A_645, %get3A_160 : vector<16xf32>
          %add3A_647 = arith.addf %add3A_644, %mul3A_646 : vector<16xf32>
          %mul3A_648 = vector.broadcast %squeeze3A_524 : f32 to vector<16xf32>
          %mul3A_649 = arith.mulf %mul3A_648, %get3A_216 : vector<16xf32>
          %add3A_650 = arith.addf %add3A_647, %mul3A_649 : vector<16xf32>
          %mul3A_651 = vector.broadcast %squeeze3A_526 : f32 to vector<16xf32>
          %mul3A_652 = arith.mulf %mul3A_651, %get3A_272 : vector<16xf32>
          %add3A_653 = arith.addf %add3A_650, %mul3A_652 : vector<16xf32>
          %mul3A_654 = vector.broadcast %squeeze3A_528 : f32 to vector<16xf32>
          %mul3A_655 = arith.mulf %mul3A_654, %get3A_328 : vector<16xf32>
          %add3A_656 = arith.addf %add3A_653, %mul3A_655 : vector<16xf32>
          %mul3A_657 = arith.mulf %add3A_656, %get3A_639 : vector<16xf32>
          %swap3A_658 = arith.index_cast %scan3A_513 : i32 to index
          %swap3A_659 = arith.constant 64 : index
          %swap3A_660 = tpu.vector_load %arg10[%swap3A_658, %swap3A_659] {strides = array<i32>} : memref<40x128xf32, #tpu.memory_space<vmem>>, vector<1x16xf32>,
          %swap3A_661 = vector.shape_cast %swap3A_660 : vector<1x16xf32> to vector<16xf32>
          %swap3A_662 = vector.shape_cast %mul3A_657 : vector<16xf32> to vector<1x16xf32>
          tpu.vector_store %arg10[%swap3A_658, %swap3A_659], %swap3A_662 {strides = array<i32>} : memref<40x128xf32, #tpu.memory_space<vmem>>, vector<1x16xf32>,
          %get3A_663 = arith.index_cast %scan3A_513 : i32 to index
          %get3A_664 = arith.constant 80 : index
          %get3A_665 = tpu.vector_load %arg8[%get3A_663, %get3A_664] {strides = array<i32>} : memref<40x128xf32, #tpu.memory_space<vmem>>, vector<1x16xf32>,
          %get3A_666 = vector.shape_cast %get3A_665 : vector<1x16xf32> to vector<16xf32>
          %mul3A_667 = vector.broadcast %squeeze3A : f32 to vector<16xf32>
          %mul3A_668 = arith.mulf %mul3A_667, %get3A_55 : vector<16xf32>
          %mul3A_669 = vector.broadcast %squeeze3A_520 : f32 to vector<16xf32>
          %mul3A_670 = arith.mulf %mul3A_669, %get3A_111 : vector<16xf32>
          %add3A_671 = arith.addf %mul3A_668, %mul3A_670 : vector<16xf32>
          %mul3A_672 = vector.broadcast %squeeze3A_522 : f32 to vector<16xf32>
          %mul3A_673 = arith.mulf %mul3A_672, %get3A_167 : vector<16xf32>
          %add3A_674 = arith.addf %add3A_671, %mul3A_673 : vector<16xf32>
          %mul3A_675 = vector.broadcast %squeeze3A_524 : f32 to vector<16xf32>
          %mul3A_676 = arith.mulf %mul3A_675, %get3A_223 : vector<16xf32>
          %add3A_677 = arith.addf %add3A_674, %mul3A_676 : vector<16xf32>
          %mul3A_678 = vector.broadcast %squeeze3A_526 : f32 to vector<16xf32>
          %mul3A_679 = arith.mulf %mul3A_678, %get3A_279 : vector<16xf32>
          %add3A_680 = arith.addf %add3A_677, %mul3A_679 : vector<16xf32>
          %mul3A_681 = vector.broadcast %squeeze3A_528 : f32 to vector<16xf32>
          %mul3A_682 = arith.mulf %mul3A_681, %get3A_335 : vector<16xf32>
          %add3A_683 = arith.addf %add3A_680, %mul3A_682 : vector<16xf32>
          %mul3A_684 = arith.mulf %add3A_683, %get3A_666 : vector<16xf32>
          %swap3A_685 = arith.index_cast %scan3A_513 : i32 to index
          %swap3A_686 = arith.constant 80 : index
          %swap3A_687 = tpu.vector_load %arg10[%swap3A_685, %swap3A_686] {strides = array<i32>} : memref<40x128xf32, #tpu.memory_space<vmem>>, vector<1x16xf32>,
          %swap3A_688 = vector.shape_cast %swap3A_687 : vector<1x16xf32> to vector<16xf32>
          %swap3A_689 = vector.shape_cast %mul3A_684 : vector<16xf32> to vector<1x16xf32>
          tpu.vector_store %arg10[%swap3A_685, %swap3A_686], %swap3A_689 {strides = array<i32>} : memref<40x128xf32, #tpu.memory_space<vmem>>, vector<1x16xf32>,
          %get3A_690 = arith.index_cast %scan3A_513 : i32 to index
          %get3A_691 = arith.constant 96 : index
          %get3A_692 = tpu.vector_load %arg8[%get3A_690, %get3A_691] {strides = array<i32>} : memref<40x128xf32, #tpu.memory_space<vmem>>, vector<1x16xf32>,
          %get3A_693 = vector.shape_cast %get3A_692 : vector<1x16xf32> to vector<16xf32>
          %mul3A_694 = vector.broadcast %squeeze3A : f32 to vector<16xf32>
          %mul3A_695 = arith.mulf %mul3A_694, %get3A_62 : vector<16xf32>
          %mul3A_696 = vector.broadcast %squeeze3A_520 : f32 to vector<16xf32>
          %mul3A_697 = arith.mulf %mul3A_696, %get3A_118 : vector<16xf32>
          %add3A_698 = arith.addf %mul3A_695, %mul3A_697 : vector<16xf32>
          %mul3A_699 = vector.broadcast %squeeze3A_522 : f32 to vector<16xf32>
          %mul3A_700 = arith.mulf %mul3A_699, %get3A_174 : vector<16xf32>
          %add3A_701 = arith.addf %add3A_698, %mul3A_700 : vector<16xf32>
          %mul3A_702 = vector.broadcast %squeeze3A_524 : f32 to vector<16xf32>
          %mul3A_703 = arith.mulf %mul3A_702, %get3A_230 : vector<16xf32>
          %add3A_704 = arith.addf %add3A_701, %mul3A_703 : vector<16xf32>
          %mul3A_705 = vector.broadcast %squeeze3A_526 : f32 to vector<16xf32>
          %mul3A_706 = arith.mulf %mul3A_705, %get3A_286 : vector<16xf32>
          %add3A_707 = arith.addf %add3A_704, %mul3A_706 : vector<16xf32>
          %mul3A_708 = vector.broadcast %squeeze3A_528 : f32 to vector<16xf32>
          %mul3A_709 = arith.mulf %mul3A_708, %get3A_342 : vector<16xf32>
          %add3A_710 = arith.addf %add3A_707, %mul3A_709 : vector<16xf32>
          %mul3A_711 = arith.mulf %add3A_710, %get3A_693 : vector<16xf32>
          %swap3A_712 = arith.index_cast %scan3A_513 : i32 to index
          %swap3A_713 = arith.constant 96 : index
          %swap3A_714 = tpu.vector_load %arg10[%swap3A_712, %swap3A_713] {strides = array<i32>} : memref<40x128xf32, #tpu.memory_space<vmem>>, vector<1x16xf32>,
          %swap3A_715 = vector.shape_cast %swap3A_714 : vector<1x16xf32> to vector<16xf32>
          %swap3A_716 = vector.shape_cast %mul3A_711 : vector<16xf32> to vector<1x16xf32>
          tpu.vector_store %arg10[%swap3A_712, %swap3A_713], %swap3A_716 {strides = array<i32>} : memref<40x128xf32, #tpu.memory_space<vmem>>, vector<1x16xf32>,
          %get3A_717 = arith.index_cast %scan3A_513 : i32 to index
          %get3A_718 = arith.constant 112 : index
          %get3A_719 = tpu.vector_load %arg8[%get3A_717, %get3A_718] {strides = array<i32>} : memref<40x128xf32, #tpu.memory_space<vmem>>, vector<1x16xf32>,
          %get3A_720 = vector.shape_cast %get3A_719 : vector<1x16xf32> to vector<16xf32>
          %mul3A_721 = vector.broadcast %squeeze3A : f32 to vector<16xf32>
          %mul3A_722 = arith.mulf %mul3A_721, %get3A_69 : vector<16xf32>
          %mul3A_723 = vector.broadcast %squeeze3A_520 : f32 to vector<16xf32>
          %mul3A_724 = arith.mulf %mul3A_723, %get3A_125 : vector<16xf32>
          %add3A_725 = arith.addf %mul3A_722, %mul3A_724 : vector<16xf32>
          %mul3A_726 = vector.broadcast %squeeze3A_522 : f32 to vector<16xf32>
          %mul3A_727 = arith.mulf %mul3A_726, %get3A_181 : vector<16xf32>
          %add3A_728 = arith.addf %add3A_725, %mul3A_727 : vector<16xf32>
          %mul3A_729 = vector.broadcast %squeeze3A_524 : f32 to vector<16xf32>
          %mul3A_730 = arith.mulf %mul3A_729, %get3A_237 : vector<16xf32>
          %add3A_731 = arith.addf %add3A_728, %mul3A_730 : vector<16xf32>
          %mul3A_732 = vector.broadcast %squeeze3A_526 : f32 to vector<16xf32>
          %mul3A_733 = arith.mulf %mul3A_732, %get3A_293 : vector<16xf32>
          %add3A_734 = arith.addf %add3A_731, %mul3A_733 : vector<16xf32>
          %mul3A_735 = vector.broadcast %squeeze3A_528 : f32 to vector<16xf32>
          %mul3A_736 = arith.mulf %mul3A_735, %get3A_349 : vector<16xf32>
          %add3A_737 = arith.addf %add3A_734, %mul3A_736 : vector<16xf32>
          %mul3A_738 = arith.mulf %add3A_737, %get3A_720 : vector<16xf32>
          %swap3A_739 = arith.index_cast %scan3A_513 : i32 to index
          %swap3A_740 = arith.constant 112 : index
          %swap3A_741 = tpu.vector_load %arg10[%swap3A_739, %swap3A_740] {strides = array<i32>} : memref<40x128xf32, #tpu.memory_space<vmem>>, vector<1x16xf32>,
          %swap3A_742 = vector.shape_cast %swap3A_741 : vector<1x16xf32> to vector<16xf32>
          %swap3A_743 = vector.shape_cast %mul3A_738 : vector<16xf32> to vector<1x16xf32>
          tpu.vector_store %arg10[%swap3A_739, %swap3A_740], %swap3A_743 {strides = array<i32>} : memref<40x128xf32, #tpu.memory_space<vmem>>, vector<1x16xf32>,
          %scan3A_744 = arith.constant 0 : i32
          scf.yield %scan3A_744 : i32
        }
        %scan3A_502 = arith.constant 40 : i32
        %dma_start3A_503 = arith.constant 0 : i32
        %dma_start3A_504 = arith.constant 0 : i32
        %dma_start3A_505 = tpu.memref_slice %arg19[%dma_start3A_503, %dma_start3A_504] : memref<10000x128xf32, #tpu.memory_space<vmem_shared>> -> memref<10000x128xf32, #tpu.memory_space<vmem_shared>>
        tpu.enqueue_indirect_dma source(%arg10 : memref<40x128xf32, #tpu.memory_space<vmem>>) target(%dma_start3A_505 : memref<10000x128xf32, #tpu.memory_space<vmem_shared>>) offsets(%arg16 : memref<40xi32, #tpu.memory_space<vmem>>) semaphore(%arg23 : memref<!tpu.dma_semaphore, #tpu.memory_space<semaphore_mem>>) {add = true}
        %add3A_506 = arith.constant 2 : i32
        %add3A_507 = arith.addi %scan3A_395, %add3A_506 : i32
        %lt3A_508 = arith.constant 250 : i32
        %lt3A_509 = arith.cmpi slt, %add3A_507, %lt3A_508 : i32
        %convert_element_type3A_510 = arith.extui %lt3A_509 : i1 to i32
        %cond3A_511 = arith.constant 0 : i32
        %cond3A_512 = arith.cmpi ne, %convert_element_type3A_510, %cond3A_511 : i32
        scf.if %cond3A_512 {
          %add3A_513 = arith.constant 2 : i32
          %add3A_514 = arith.addi %scan3A_395, %add3A_513 : i32
          %mul3A_515 = arith.constant 10000 : i32
          %mul3A_516 = arith.muli %arg1, %mul3A_515 : i32
          %mul3A_517 = arith.constant 40 : i32
          %mul3A_518 = arith.muli %add3A_514, %mul3A_517 : i32
          %add3A_519 = arith.addi %mul3A_516, %mul3A_518 : i32
          %dma_start3A_520 = tpu.memref_slice %arg2[%add3A_519, %mul3A_0] : memref<160000x256xf32, #tpu.memory_space<hbm>> -> memref<40x128xf32, #tpu.memory_space<hbm>>
          %dma_start3A_521 = tpu.memref_slice %arg2[%add3A_519, %mul3A_0] : memref<160000x256xf32, #tpu.memory_space<hbm>> -> memref<40x128xf32, #tpu.memory_space<hbm>>
          tpu.enqueue_dma source(%dma_start3A_521 : memref<40x128xf32, #tpu.memory_space<hbm>>) target(%arg8 : memref<40x128xf32, #tpu.memory_space<vmem>>) target_semaphore(%arg21 : memref<!tpu.dma_semaphore, #tpu.memory_space<semaphore_mem>>)
          %dma_start3A_522 = arith.constant 0 : i32
          %dma_start3A_523 = tpu.memref_slice %arg3[%add3A_519, %dma_start3A_522] : memref<160000x16xf32, #tpu.memory_space<hbm>> -> memref<40x16xf32, #tpu.memory_space<hbm>>
          %dma_start3A_524 = arith.constant 0 : i32
          %dma_start3A_525 = tpu.memref_slice %arg3[%add3A_519, %dma_start3A_524] : memref<160000x16xf32, #tpu.memory_space<hbm>> -> memref<40x16xf32, #tpu.memory_space<hbm>>
          tpu.enqueue_dma source(%dma_start3A_525 : memref<40x16xf32, #tpu.memory_space<hbm>>) target(%arg12 : memref<40x16xf32, #tpu.memory_space<vmem>>) target_semaphore(%arg21 : memref<!tpu.dma_semaphore, #tpu.memory_space<semaphore_mem>>)
          %dma_start3A_526 = tpu.memref_slice %arg4[%add3A_519] : memref<160000xi32, #tpu.memory_space<hbm>> -> memref<40xi32, #tpu.memory_space<hbm>>
          %dma_start3A_527 = tpu.memref_slice %arg4[%add3A_519] : memref<160000xi32, #tpu.memory_space<hbm>> -> memref<40xi32, #tpu.memory_space<hbm>>
          tpu.enqueue_dma source(%dma_start3A_527 : memref<40xi32, #tpu.memory_space<hbm>>) target(%arg14 : memref<40xi32, #tpu.memory_space<vmem>>) target_semaphore(%arg21 : memref<!tpu.dma_semaphore, #tpu.memory_space<semaphore_mem>>)
        } else {
        }
      } else {
      }
      %scan3A_475 = arith.constant 0 : i32
      scf.yield %scan3A_475 : i32
    }
    %scan3A_379 = arith.constant 250 : i32
    %dma_wait3A = arith.constant 0 : i32
    %dma_wait3A_380 = arith.constant 0 : i32
    %dma_wait3A_381 = tpu.memref_slice %arg19[%dma_wait3A, %dma_wait3A_380] : memref<10000x128xf32, #tpu.memory_space<vmem_shared>> -> memref<10000x128xf32, #tpu.memory_space<vmem_shared>>
    tpu.wait_indirect_dma semaphore(%arg22 : memref<!tpu.dma_semaphore, #tpu.memory_space<semaphore_mem>>) src(%arg9 : memref<40x128xf32, #tpu.memory_space<vmem>>) dst(%dma_wait3A_381 : memref<10000x128xf32, #tpu.memory_space<vmem_shared>>)
    %dma_wait3A_382 = arith.constant 0 : i32
    %dma_wait3A_383 = arith.constant 0 : i32
    %dma_wait3A_384 = tpu.memref_slice %arg19[%dma_wait3A_382, %dma_wait3A_383] : memref<10000x128xf32, #tpu.memory_space<vmem_shared>> -> memref<10000x128xf32, #tpu.memory_space<vmem_shared>>
    tpu.wait_indirect_dma semaphore(%arg23 : memref<!tpu.dma_semaphore, #tpu.memory_space<semaphore_mem>>) src(%arg10 : memref<40x128xf32, #tpu.memory_space<vmem>>) dst(%dma_wait3A_384 : memref<10000x128xf32, #tpu.memory_space<vmem_shared>>)
    %barrier3A_385 = arith.constant 0 : index
    tpu.barrier barrier_id(%barrier3A_385)
    %mul3A_386 = arith.constant 624 : i32
    %mul3A_387 = arith.muli %arg1, %mul3A_386 : i32
    %mul3A_388 = arith.constant 624 : i32
    %mul3A_389 = arith.muli %arg1, %mul3A_388 : i32
    "tpu.region"() ({
      %run_scoped3A = tpu.sem_alloc : memref<!tpu.dma_semaphore, #tpu.memory_space<semaphore_mem>>
      %dma_start3A_395 = tpu.memref_slice %arg6[%mul3A_389, %mul3A_0] : memref<10000x256xf32, #tpu.memory_space<hbm>> -> memref<624x128xf32, #tpu.memory_space<hbm>>
      %dma_start3A_396 = arith.constant 0 : i32
      %dma_start3A_397 = tpu.memref_slice %arg19[%mul3A_387, %dma_start3A_396] : memref<10000x128xf32, #tpu.memory_space<vmem_shared>> -> memref<624x128xf32, #tpu.memory_space<vmem_shared>>
      tpu.enqueue_dma source(%dma_start3A_397 : memref<624x128xf32, #tpu.memory_space<vmem_shared>>) target(%dma_start3A_395 : memref<624x128xf32, #tpu.memory_space<hbm>>) target_semaphore(%run_scoped3A : memref<!tpu.dma_semaphore, #tpu.memory_space<semaphore_mem>>)
      %dma_wait3A_398 = tpu.memref_slice %arg6[%mul3A_389, %mul3A_0] : memref<10000x256xf32, #tpu.memory_space<hbm>> -> memref<624x128xf32, #tpu.memory_space<hbm>>
      %dma_wait3A_399 = arith.constant 0 : i32
      %dma_wait3A_400 = tpu.memref_slice %arg19[%mul3A_387, %dma_wait3A_399] : memref<10000x128xf32, #tpu.memory_space<vmem_shared>> -> memref<624x128xf32, #tpu.memory_space<vmem_shared>>
      tpu.wait_dma2 semaphore(%run_scoped3A : memref<!tpu.dma_semaphore, #tpu.memory_space<semaphore_mem>>) src(%dma_wait3A_400 : memref<624x128xf32, #tpu.memory_space<vmem_shared>>) dst(%dma_wait3A_398 : memref<624x128xf32, #tpu.memory_space<hbm>>)
      tpu.yield
    }) : () -> ()
    %eq3A_390 = arith.constant 15 : i32
    %eq3A_391 = arith.cmpi eq, %arg1, %eq3A_390 : i32
    %convert_element_type3A_392 = arith.extui %eq3A_391 : i1 to i32
    %cond3A_393 = arith.constant 0 : i32
    %cond3A_394 = arith.cmpi ne, %convert_element_type3A_392, %cond3A_393 : i32
    scf.if %cond3A_394 {
      "tpu.region"() ({
        %run_scoped3A = tpu.sem_alloc : memref<!tpu.dma_semaphore, #tpu.memory_space<semaphore_mem>>
        %dma_start3A_395 = arith.constant 9984 : i32
        %dma_start3A_396 = tpu.memref_slice %arg6[%dma_start3A_395, %mul3A_0] : memref<10000x256xf32, #tpu.memory_space<hbm>> -> memref<16x128xf32, #tpu.memory_space<hbm>>
        %dma_start3A_397 = arith.constant 9984 : i32
        %dma_start3A_398 = arith.constant 0 : i32
        %dma_start3A_399 = tpu.memref_slice %arg19[%dma_start3A_397, %dma_start3A_398] : memref<10000x128xf32, #tpu.memory_space<vmem_shared>> -> memref<16x128xf32, #tpu.memory_space<vmem_shared>>
        tpu.enqueue_dma source(%dma_start3A_399 : memref<16x128xf32, #tpu.memory_space<vmem_shared>>) target(%dma_start3A_396 : memref<16x128xf32, #tpu.memory_space<hbm>>) target_semaphore(%run_scoped3A : memref<!tpu.dma_semaphore, #tpu.memory_space<semaphore_mem>>)
        %dma_wait3A_400 = arith.constant 9984 : i32
        %dma_wait3A_401 = tpu.memref_slice %arg6[%dma_wait3A_400, %mul3A_0] : memref<10000x256xf32, #tpu.memory_space<hbm>> -> memref<16x128xf32, #tpu.memory_space<hbm>>
        %dma_wait3A_402 = arith.constant 9984 : i32
        %dma_wait3A_403 = arith.constant 0 : i32
        %dma_wait3A_404 = tpu.memref_slice %arg19[%dma_wait3A_402, %dma_wait3A_403] : memref<10000x128xf32, #tpu.memory_space<vmem_shared>> -> memref<16x128xf32, #tpu.memory_space<vmem_shared>>
        tpu.wait_dma2 semaphore(%run_scoped3A : memref<!tpu.dma_semaphore, #tpu.memory_space<semaphore_mem>>) src(%dma_wait3A_404 : memref<16x128xf32, #tpu.memory_space<vmem_shared>>) dst(%dma_wait3A_401 : memref<16x128xf32, #tpu.memory_space<hbm>>)
        tpu.yield
      }) : () -> ()
    } else {
    }
    return
  }
}

module attributes {stable_mosaic.version = 14 : i64} {
  func.func @_mlp_body(%arg0: i32, %arg1: memref<1xf32, #tpu.memory_space<smem>>, %arg2: memref<1000x256xf32, #tpu.memory_space<vmem>>, %arg3: memref<256x1xf32, #tpu.memory_space<vmem>>, %arg4: memref<1xf32, #tpu.memory_space<smem>>, %arg5: memref<256x256xf32, #tpu.memory_space<vmem>>, %arg6: memref<1x256xf32, #tpu.memory_space<vmem>>, %arg7: memref<256x256xf32, #tpu.memory_space<vmem>>, %arg8: memref<1x256xf32, #tpu.memory_space<vmem>>, %arg9: memref<256x256xf32, #tpu.memory_space<vmem>>, %arg10: memref<1x256xf32, #tpu.memory_space<vmem>>, %arg11: memref<256x256xf32, #tpu.memory_space<vmem>>, %arg12: memref<1x256xf32, #tpu.memory_space<vmem>>, %arg13: memref<256x1xf32, #tpu.memory_space<vmem>>, %arg14: memref<1000x1xf32, #tpu.memory_space<vmem>>) attributes {dimension_semantics = [#tpu.dimension_semantics<arbitrary>], iteration_bounds = array<i64: 10>, scalar_prefetch = 0 : i64, scratch_operands = 0 : i64, tpu.core_type = #tpu.core_type<tc>, window_params = [{transform_indices = @transform_0, window_bounds = array<i64: 1>}, {transform_indices = @transform_1, window_bounds = array<i64: 1000, 256>}, {pipeline_mode = #tpu.pipeline_mode<synchronous>, transform_indices = @transform_2, window_bounds = array<i64: 256, 1>}, {transform_indices = @transform_3, window_bounds = array<i64: 1>}, {pipeline_mode = #tpu.pipeline_mode<synchronous>, transform_indices = @transform_4, window_bounds = array<i64: 256, 256>}, {pipeline_mode = #tpu.pipeline_mode<synchronous>, transform_indices = @transform_5, window_bounds = array<i64: 1, 256>}, {pipeline_mode = #tpu.pipeline_mode<synchronous>, transform_indices = @transform_6, window_bounds = array<i64: 256, 256>}, {pipeline_mode = #tpu.pipeline_mode<synchronous>, transform_indices = @transform_7, window_bounds = array<i64: 1, 256>}, {pipeline_mode = #tpu.pipeline_mode<synchronous>, transform_indices = @transform_8, window_bounds = array<i64: 256, 256>}, {pipeline_mode = #tpu.pipeline_mode<synchronous>, transform_indices = @transform_9, window_bounds = array<i64: 1, 256>}, {pipeline_mode = #tpu.pipeline_mode<synchronous>, transform_indices = @transform_10, window_bounds = array<i64: 256, 256>}, {pipeline_mode = #tpu.pipeline_mode<synchronous>, transform_indices = @transform_11, window_bounds = array<i64: 1, 256>}, {pipeline_mode = #tpu.pipeline_mode<synchronous>, transform_indices = @transform_12, window_bounds = array<i64: 256, 1>}, {transform_indices = @transform_13, window_bounds = array<i64: 1000, 1>}]} {
    %get3A = arith.constant 0 : index
    %get3A_0 = arith.constant 0 : index
    %get3A_1 = vector.load %arg2[%get3A, %get3A_0] : memref<1000x256xf32, #tpu.memory_space<vmem>>, vector<1000x256xf32>
    %get3A_2 = arith.constant 0 : index
    %get3A_3 = memref.load %arg1[%get3A_2] : memref<1xf32, #tpu.memory_space<smem>>
    %add3A = vector.broadcast %get3A_3 : f32 to vector<1000x256xf32>
    %add3A_4 = arith.addf %get3A_1, %add3A : vector<1000x256xf32>
    %get3A_5 = arith.constant 0 : index
    %get3A_6 = arith.constant 0 : index
    %get3A_7 = vector.load %arg3[%get3A_5, %get3A_6] : memref<256x1xf32, #tpu.memory_space<vmem>>, vector<256x1xf32>
    %convert_element_type3A = arith.truncf %add3A_4 : vector<1000x256xf32> to vector<1000x256xbf16>
    %convert_element_type3A_8 = arith.truncf %get3A_7 : vector<256x1xf32> to vector<256x1xbf16>
    %dot_general3A = arith.constant dense<0.000000e+00> : vector<1000x1xf32>
    %dot_general3A_9 = tpu.matmul %convert_element_type3A, %convert_element_type3A_8, %dot_general3A {dimension_numbers = #tpu.dot_dimension_numbers<[1], [0], [0], [1], [0, 0, 1, 1], [], []>, transpose_lhs_hint = false} : vector<1000x256xbf16>, vector<256x1xbf16>, vector<1000x1xf32> -> vector<1000x1xf32>
    %get3A_10 = arith.constant 0 : index
    %get3A_11 = memref.load %arg4[%get3A_10] : memref<1xf32, #tpu.memory_space<smem>>
    %add3A_12 = vector.broadcast %get3A_11 : f32 to vector<1000x1xf32>
    %add3A_13 = arith.addf %dot_general3A_9, %add3A_12 : vector<1000x1xf32>
    %get3A_14 = arith.constant 0 : index
    %get3A_15 = arith.constant 0 : index
    %get3A_16 = vector.load %arg5[%get3A_14, %get3A_15] : memref<256x256xf32, #tpu.memory_space<vmem>>, vector<256x256xf32>
    %convert_element_type3A_17 = arith.truncf %add3A_4 : vector<1000x256xf32> to vector<1000x256xbf16>
    %convert_element_type3A_18 = arith.truncf %get3A_16 : vector<256x256xf32> to vector<256x256xbf16>
    %dot_general3A_19 = arith.constant dense<0.000000e+00> : vector<1000x256xf32>
    %dot_general3A_20 = tpu.matmul %convert_element_type3A_17, %convert_element_type3A_18, %dot_general3A_19 {dimension_numbers = #tpu.dot_dimension_numbers<[1], [0], [0], [1], [0, 0, 1, 1], [], []>, transpose_lhs_hint = false} : vector<1000x256xbf16>, vector<256x256xbf16>, vector<1000x256xf32> -> vector<1000x256xf32>
    %get3A_21 = arith.constant 0 : index
    %get3A_22 = arith.constant 0 : index
    %get3A_23 = vector.load %arg6[%get3A_21, %get3A_22] : memref<1x256xf32, #tpu.memory_space<vmem>>, vector<1x256xf32>
    %add3A_24 = vector.broadcast %get3A_23 : vector<1x256xf32> to vector<1000x256xf32>
    %add3A_25 = arith.addf %dot_general3A_20, %add3A_24 : vector<1000x256xf32>
    %get3A_26 = arith.constant 0 : index
    %get3A_27 = arith.constant 0 : index
    %get3A_28 = vector.load %arg7[%get3A_26, %get3A_27] : memref<256x256xf32, #tpu.memory_space<vmem>>, vector<256x256xf32>
    %convert_element_type3A_29 = arith.truncf %add3A_25 : vector<1000x256xf32> to vector<1000x256xbf16>
    %convert_element_type3A_30 = arith.truncf %get3A_28 : vector<256x256xf32> to vector<256x256xbf16>
    %dot_general3A_31 = arith.constant dense<0.000000e+00> : vector<1000x256xf32>
    %dot_general3A_32 = tpu.matmul %convert_element_type3A_29, %convert_element_type3A_30, %dot_general3A_31 {dimension_numbers = #tpu.dot_dimension_numbers<[1], [0], [0], [1], [0, 0, 1, 1], [], []>, transpose_lhs_hint = false} : vector<1000x256xbf16>, vector<256x256xbf16>, vector<1000x256xf32> -> vector<1000x256xf32>
    %get3A_33 = arith.constant 0 : index
    %get3A_34 = arith.constant 0 : index
    %get3A_35 = vector.load %arg8[%get3A_33, %get3A_34] : memref<1x256xf32, #tpu.memory_space<vmem>>, vector<1x256xf32>
    %add3A_36 = vector.broadcast %get3A_35 : vector<1x256xf32> to vector<1000x256xf32>
    %add3A_37 = arith.addf %dot_general3A_32, %add3A_36 : vector<1000x256xf32>
    %logistic3A = arith.negf %add3A_37 : vector<1000x256xf32>
    %logistic3A_38 = math.exp %logistic3A : vector<1000x256xf32>
    %logistic3A_39 = arith.constant 1.000000e+00 : f32
    %logistic3A_40 = vector.broadcast %logistic3A_39 : f32 to vector<1000x256xf32>
    %logistic3A_41 = arith.addf %logistic3A_40, %logistic3A_38 : vector<1000x256xf32>
    %logistic3A_42 = arith.divf %logistic3A_40, %logistic3A_41 : vector<1000x256xf32>
    %mul3A = arith.mulf %add3A_37, %logistic3A_42 : vector<1000x256xf32>
    %get3A_43 = arith.constant 0 : index
    %get3A_44 = arith.constant 0 : index
    %get3A_45 = vector.load %arg9[%get3A_43, %get3A_44] : memref<256x256xf32, #tpu.memory_space<vmem>>, vector<256x256xf32>
    %convert_element_type3A_46 = arith.truncf %mul3A : vector<1000x256xf32> to vector<1000x256xbf16>
    %convert_element_type3A_47 = arith.truncf %get3A_45 : vector<256x256xf32> to vector<256x256xbf16>
    %dot_general3A_48 = arith.constant dense<0.000000e+00> : vector<1000x256xf32>
    %dot_general3A_49 = tpu.matmul %convert_element_type3A_46, %convert_element_type3A_47, %dot_general3A_48 {dimension_numbers = #tpu.dot_dimension_numbers<[1], [0], [0], [1], [0, 0, 1, 1], [], []>, transpose_lhs_hint = false} : vector<1000x256xbf16>, vector<256x256xbf16>, vector<1000x256xf32> -> vector<1000x256xf32>
    %get3A_50 = arith.constant 0 : index
    %get3A_51 = arith.constant 0 : index
    %get3A_52 = vector.load %arg10[%get3A_50, %get3A_51] : memref<1x256xf32, #tpu.memory_space<vmem>>, vector<1x256xf32>
    %add3A_53 = vector.broadcast %get3A_52 : vector<1x256xf32> to vector<1000x256xf32>
    %add3A_54 = arith.addf %dot_general3A_49, %add3A_53 : vector<1000x256xf32>
    %logistic3A_55 = arith.negf %add3A_54 : vector<1000x256xf32>
    %logistic3A_56 = math.exp %logistic3A_55 : vector<1000x256xf32>
    %logistic3A_57 = arith.constant 1.000000e+00 : f32
    %logistic3A_58 = vector.broadcast %logistic3A_57 : f32 to vector<1000x256xf32>
    %logistic3A_59 = arith.addf %logistic3A_58, %logistic3A_56 : vector<1000x256xf32>
    %logistic3A_60 = arith.divf %logistic3A_58, %logistic3A_59 : vector<1000x256xf32>
    %mul3A_61 = arith.mulf %add3A_54, %logistic3A_60 : vector<1000x256xf32>
    %get3A_62 = arith.constant 0 : index
    %get3A_63 = arith.constant 0 : index
    %get3A_64 = vector.load %arg11[%get3A_62, %get3A_63] : memref<256x256xf32, #tpu.memory_space<vmem>>, vector<256x256xf32>
    %convert_element_type3A_65 = arith.truncf %mul3A_61 : vector<1000x256xf32> to vector<1000x256xbf16>
    %convert_element_type3A_66 = arith.truncf %get3A_64 : vector<256x256xf32> to vector<256x256xbf16>
    %dot_general3A_67 = arith.constant dense<0.000000e+00> : vector<1000x256xf32>
    %dot_general3A_68 = tpu.matmul %convert_element_type3A_65, %convert_element_type3A_66, %dot_general3A_67 {dimension_numbers = #tpu.dot_dimension_numbers<[1], [0], [0], [1], [0, 0, 1, 1], [], []>, transpose_lhs_hint = false} : vector<1000x256xbf16>, vector<256x256xbf16>, vector<1000x256xf32> -> vector<1000x256xf32>
    %get3A_69 = arith.constant 0 : index
    %get3A_70 = arith.constant 0 : index
    %get3A_71 = vector.load %arg12[%get3A_69, %get3A_70] : memref<1x256xf32, #tpu.memory_space<vmem>>, vector<1x256xf32>
    %add3A_72 = vector.broadcast %get3A_71 : vector<1x256xf32> to vector<1000x256xf32>
    %add3A_73 = arith.addf %dot_general3A_68, %add3A_72 : vector<1000x256xf32>
    %logistic3A_74 = arith.negf %add3A_73 : vector<1000x256xf32>
    %logistic3A_75 = math.exp %logistic3A_74 : vector<1000x256xf32>
    %logistic3A_76 = arith.constant 1.000000e+00 : f32
    %logistic3A_77 = vector.broadcast %logistic3A_76 : f32 to vector<1000x256xf32>
    %logistic3A_78 = arith.addf %logistic3A_77, %logistic3A_75 : vector<1000x256xf32>
    %logistic3A_79 = arith.divf %logistic3A_77, %logistic3A_78 : vector<1000x256xf32>
    %mul3A_80 = arith.mulf %add3A_73, %logistic3A_79 : vector<1000x256xf32>
    %get3A_81 = arith.constant 0 : index
    %get3A_82 = arith.constant 0 : index
    %get3A_83 = vector.load %arg13[%get3A_81, %get3A_82] : memref<256x1xf32, #tpu.memory_space<vmem>>, vector<256x1xf32>
    %convert_element_type3A_84 = arith.truncf %mul3A_80 : vector<1000x256xf32> to vector<1000x256xbf16>
    %convert_element_type3A_85 = arith.truncf %get3A_83 : vector<256x1xf32> to vector<256x1xbf16>
    %dot_general3A_86 = arith.constant dense<0.000000e+00> : vector<1000x1xf32>
    %dot_general3A_87 = tpu.matmul %convert_element_type3A_84, %convert_element_type3A_85, %dot_general3A_86 {dimension_numbers = #tpu.dot_dimension_numbers<[1], [0], [0], [1], [0, 0, 1, 1], [], []>, transpose_lhs_hint = false} : vector<1000x256xbf16>, vector<256x1xbf16>, vector<1000x1xf32> -> vector<1000x1xf32>
    %mul3A_88 = arith.mulf %dot_general3A_87, %add3A_13 : vector<1000x1xf32>
    %swap3A = arith.constant 0 : index
    %swap3A_89 = arith.constant 0 : index
    %swap3A_90 = vector.load %arg14[%swap3A, %swap3A_89] : memref<1000x1xf32, #tpu.memory_space<vmem>>, vector<1000x1xf32>
    tpu.vector_store %arg14[%swap3A, %swap3A_89], %mul3A_88 {strides = array<i32>} : memref<1000x1xf32, #tpu.memory_space<vmem>>, vector<1000x1xf32>,
    return
  }
  func.func @transform_0(%arg0: i32) -> i32 {
    %c0_i32 = arith.constant 0 : i32
    %c0_i32_0 = arith.constant 0 : i32
    return %c0_i32 : i32
  }
  func.func @transform_1(%arg0: i32) -> (i32, i32) {
    %c0_i32 = arith.constant 0 : i32
    %c0_i32_0 = arith.constant 0 : i32
    return %arg0, %c0_i32 : i32, i32
  }
  func.func @transform_2(%arg0: i32) -> (i32, i32) {
    %c0_i32 = arith.constant 0 : i32
    %c0_i32_0 = arith.constant 0 : i32
    %c0_i32_1 = arith.constant 0 : i32
    return %c0_i32, %c0_i32_0 : i32, i32
  }
  func.func @transform_3(%arg0: i32) -> i32 {
    %c0_i32 = arith.constant 0 : i32
    %c0_i32_0 = arith.constant 0 : i32
    return %c0_i32 : i32
  }
  func.func @transform_4(%arg0: i32) -> (i32, i32) {
    %c0_i32 = arith.constant 0 : i32
    %c0_i32_0 = arith.constant 0 : i32
    %c0_i32_1 = arith.constant 0 : i32
    return %c0_i32, %c0_i32_0 : i32, i32
  }
  func.func @transform_5(%arg0: i32) -> (i32, i32) {
    %c0_i32 = arith.constant 0 : i32
    %c0_i32_0 = arith.constant 0 : i32
    %c0_i32_1 = arith.constant 0 : i32
    return %c0_i32, %c0_i32_0 : i32, i32
  }
  func.func @transform_6(%arg0: i32) -> (i32, i32) {
    %c0_i32 = arith.constant 0 : i32
    %c0_i32_0 = arith.constant 0 : i32
    %c0_i32_1 = arith.constant 0 : i32
    return %c0_i32, %c0_i32_0 : i32, i32
  }
  func.func @transform_7(%arg0: i32) -> (i32, i32) {
    %c0_i32 = arith.constant 0 : i32
    %c0_i32_0 = arith.constant 0 : i32
    %c0_i32_1 = arith.constant 0 : i32
    return %c0_i32, %c0_i32_0 : i32, i32
  }
  func.func @transform_8(%arg0: i32) -> (i32, i32) {
    %c0_i32 = arith.constant 0 : i32
    %c0_i32_0 = arith.constant 0 : i32
    %c0_i32_1 = arith.constant 0 : i32
    return %c0_i32, %c0_i32_0 : i32, i32
  }
  func.func @transform_9(%arg0: i32) -> (i32, i32) {
    %c0_i32 = arith.constant 0 : i32
    %c0_i32_0 = arith.constant 0 : i32
    %c0_i32_1 = arith.constant 0 : i32
    return %c0_i32, %c0_i32_0 : i32, i32
  }
  func.func @transform_10(%arg0: i32) -> (i32, i32) {
    %c0_i32 = arith.constant 0 : i32
    %c0_i32_0 = arith.constant 0 : i32
    %c0_i32_1 = arith.constant 0 : i32
    return %c0_i32, %c0_i32_0 : i32, i32
  }
  func.func @transform_11(%arg0: i32) -> (i32, i32) {
    %c0_i32 = arith.constant 0 : i32
    %c0_i32_0 = arith.constant 0 : i32
    %c0_i32_1 = arith.constant 0 : i32
    return %c0_i32, %c0_i32_0 : i32, i32
  }
  func.func @transform_12(%arg0: i32) -> (i32, i32) {
    %c0_i32 = arith.constant 0 : i32
    %c0_i32_0 = arith.constant 0 : i32
    %c0_i32_1 = arith.constant 0 : i32
    return %c0_i32, %c0_i32_0 : i32, i32
  }
  func.func @transform_13(%arg0: i32) -> (i32, i32) {
    %c0_i32 = arith.constant 0 : i32
    %c0_i32_0 = arith.constant 0 : i32
    return %arg0, %c0_i32 : i32, i32
  }
}

</mosaic_0001>

<sc_bundles>
// kernel: kernel.4.cloned.1.call-start
scs
__scs_entry_jumppad:
0x0: {  	(pc) =	sbr.rel $0x88, $3  }
0x1: {  	(tag) =	ssettag $0x0;
	lr =	simm.s32 $0x1  }
0x2: {  	[smem:$0x3F90] =	sst lr;
	_ =	strace $0xD0000000  }
0x3: {  	_ = 	snop  }
0x4: {  	_ = 	snop  }
0x5: {  	_ = 	snop  }
0x6: {  	_ = 	snop  }
0x7: {  	_ = 	snop  }
__scs_overlays_trampoline_lowered:
0x8: {  	[smem:$0x3F9F] =	sst s0  }
0x9: {  	[smem:$0x3FA0] =	sst s1  }
0xa: {  	[smem:$0x3FA1] =	sst s2  }
0xb: {  	[smem:$0x3FA2] =	sst s3  }
0xc: {  	[smem:$0x3FA3] =	sst s4  }
0xd: {  	[smem:$0x3FA4] =	sst s5  }
0xe: {  	[smem:$0x3FA5] =	sst s6  }
0xf: {  	[smem:$0x3FA6] =	sst s7  }
0x10: {  	[smem:$0x3FA7] =	sst s8  }
0x11: {  	[smem:$0x3FA8] =	sst s9;
	s0 =	simm.s32 @!p0 $0x0  }
0x12: {  	s1 =	sld [smem:$0x3F8E];
	s0 =	simm.s32 @p0 $0x1  }
0x13: {  	[smem:$0x3FA9] =	sst s0;
	s0 =	simm.s32 @!p1 $0x0  }
0x14: {  	s2 =	sld [smem:$0x3F8D];
	s0 =	simm.s32 @p1 $0x1  }
0x15: {  	[smem:$0x3FAA] =	sst s0;
	s0 =	simm.s32 @!p2 $0x0  }
0x16: {  	s3 =	sld [smem:$0x3FDB];
	s0 =	simm.s32 @p2 $0x1  }
0x17: {  	s4 =	simm.s32 $0x1BF5;
	[smem:$0x3FAC] =	sst s0  }
0x18: {  	s0 =	sld [smem:$0x3F8F];
	_ =	swait.ge [sflag:s4], $0x0  }
0x19: {  	s7 =	sld [smem:$0x3F90]  }
0x1a: {  	s8 =	sadd.s32 $0xFFFFE003, lr  }
0x1b: {  	s9 =	sadd.s32 $0xFFFFFEF7, lr;
	s5 =	simm.s32 $0xFFFFFFFF;
	p2 =	slt.u32 s8, $0xFFFFF086  }
0x1c: {  	p1 =	slt.u32 s9, $0xF7A;
	s5 =	simm.s32 @!p2 $0x0  }
0x1d: {  	s5 =	simm.s32 @p1 $0x1;
	p0 =	seq.s32 s7, s2  }
0x1e: {  	s7 =	smul.u32 @!p0 $0xF7A, s2;
	p2 =	seq.s32 @!p0 s5, $0x0  }
0x1f: {  	s9 =	smul.u32 $0xF7A, s1;
	s8 =	simm.s32 @!p0 $0x1BF5;
	p2 =	por !p2, p0  }
0x20: {  	[sflag:s8] =	ssyncset.s32 @!p0 $0xFFFFF086;
	s6 =	sadd.s32 @!p0 s3, s7;
	s7 =	simm.s32 @!p0 $0x108  }
0x21: {  	s3 =	sadd.s32 s3, s9;
	s6 =	sadd.s32 @!p0 $0x88, s6;
	s7 =	simm.s32 @p2 $0x1082  }
0x22: {  	[simem:s7], [sflag:s8] =	dma.local @!p0 [hbm:s6], $0xF7A  }
0x23: {  	s9 =	sor.u32 $0xD0000000, s2;
	s6 =	simm.s32 $0x108;
	_ =	swait.ge @!p0 [sflag:s8], $0x0  }
0x24: {  	s3 =	sadd.s32 $0x88, s3;
	s6 =	simm.s32 @!p1 $0x1082;
	[sflag:s4] =	ssyncset.s32 $0xFFFFF086  }
0x25: {  	[simem:s6], [sflag:s4] =	dma.local [hbm:s3], $0xF7A  }
0x26: {  	[smem:$0x3F90] =	sst s1;
	(tag) =	ssettag s2;
	_ =	strace s9  }
0x27: {  	s1 =	sld [smem:$0x3FA0]  }
0x28: {  	s2 =	sld [smem:$0x3FA1]  }
0x29: {  	s4 =	sld [smem:$0x3FA3]  }
0x2a: {  	p0 =	seq.s32 s5, $0x0;
	s5 =	sld [smem:$0x3FA4]  }
0x2b: {  	s6 =	sld [smem:$0x3FA5]  }
0x2c: {  	s7 =	sld [smem:$0x3FA6]  }
0x2d: {  	s3 =	simm.s32 $0x108;
	s8 =	sld [smem:$0x3FA7]  }
0x2e: {  	s3 =	simm.s32 @!p0 $0x1082;
	s9 =	sld [smem:$0x3FA8]  }
0x2f: {  	lr =	sadd.s32 s0, s3;
	s0 =	sld [smem:$0x3F9F]  }
0x30: {  	s3 =	sld [smem:$0x3FA2]  }
0x31: {  	[smem:$0x3FAB] =	sst s10  }
0x32: {  	s10 =	sld [smem:$0x3FA9];
	_ =	sdelay $0x3  }
0x33: {  	p0 =	seq.s32 s10, $0x1;
	s10 =	sld [smem:$0x3FAB];
	_ =	sdelay $0x3  }
0x34: {  	[smem:$0x3FAB] =	sst s10  }
0x35: {  	s10 =	sld [smem:$0x3FAA];
	_ =	sdelay $0x3  }
0x36: {  	p1 =	seq.s32 s10, $0x1;
	s10 =	sld [smem:$0x3FAB];
	_ =	sdelay $0x3  }
0x37: {  	[smem:$0x3FAB] =	sst s10  }
0x38: {  	s10 =	sld [smem:$0x3FAC]  }
0x39: {  	_ = 	snop;
	(pc) =	sbr.ind lr, $3  }
0x3a: {  	_ = 	snop  }
0x3b: {  	_ = 	snop  }
0x3c: {  	p2 =	seq.s32 s10, $0x1;
	s10 =	sld [smem:$0x3FAB]  }
0x3d: {  	_ =	shalt  }
0x3e: {  	_ =	shalt  }
0x3f: {  	_ =	shalt  }
0x40: {  	_ =	shalt  }
0x41: {  	_ =	shalt  }
0x42: {  	_ =	shalt  }
0x43: {  	_ =	shalt  }
0x44: {  	_ =	shalt  }
0x45: {  	_ =	shalt  }
0x46: {  	_ =	shalt  }
0x47: {  	_ =	shalt  }
0x48: {  	_ =	shalt  }
0x49: {  	_ =	shalt  }
0x4a: {  	_ =	shalt  }
0x4b: {  	_ =	shalt  }
0x4c: {  	_ =	shalt  }
0x4d: {  	_ =	shalt  }
0x4e: {  	_ =	shalt  }
0x4f: {  	_ =	shalt  }
0x50: {  	_ =	shalt  }
0x51: {  	_ =	shalt  }
0x52: {  	_ =	shalt  }
0x53: {  	_ =	shalt  }
0x54: {  	_ =	shalt  }
0x55: {  	_ =	shalt  }
0x56: {  	_ =	shalt  }
0x57: {  	_ =	shalt  }
0x58: {  	_ =	shalt  }
0x59: {  	_ =	shalt  }
0x5a: {  	_ =	shalt  }
0x5b: {  	_ =	shalt  }
0x5c: {  	_ =	shalt  }
0x5d: {  	_ =	shalt  }
0x5e: {  	_ =	shalt  }
0x5f: {  	_ =	shalt  }
0x60: {  	_ =	shalt  }
0x61: {  	_ =	shalt  }
0x62: {  	_ =	shalt  }
0x63: {  	_ =	shalt  }
0x64: {  	_ =	shalt  }
0x65: {  	_ =	shalt  }
0x66: {  	_ =	shalt  }
0x67: {  	_ =	shalt  }
0x68: {  	_ =	shalt  }
0x69: {  	_ =	shalt  }
0x6a: {  	_ =	shalt  }
0x6b: {  	_ =	shalt  }
0x6c: {  	_ =	shalt  }
0x6d: {  	_ =	shalt  }
0x6e: {  	_ =	shalt  }
0x6f: {  	_ =	shalt  }
0x70: {  	_ =	shalt  }
0x71: {  	_ =	shalt  }
0x72: {  	_ =	shalt  }
0x73: {  	_ =	shalt  }
0x74: {  	_ =	shalt  }
0x75: {  	_ =	shalt  }
0x76: {  	_ =	shalt  }
0x77: {  	_ =	shalt  }
0x78: {  	_ =	shalt  }
0x79: {  	_ =	shalt  }
0x7a: {  	_ =	shalt  }
0x7b: {  	_ =	shalt  }
0x7c: {  	_ =	shalt  }
0x7d: {  	_ =	shalt  }
0x7e: {  	_ =	shalt  }
0x7f: {  	_ =	shalt  }
0x80: {  	_ =	shalt  }
0x81: {  	_ =	shalt  }
0x82: {  	_ =	shalt  }
0x83: {  	_ =	shalt  }
0x84: {  	_ =	shalt  }
0x85: {  	_ =	shalt  }
0x86: {  	_ =	shalt  }
0x87: {  	_ =	shalt  }
.Lfunc_end0:
.L_simem_size_0:
called_computation_lowered:
.L_overlay_start_0:
0x88: {  	s2 =	sld [smem:$0x3FD9]  }
0x89: {  	s3 =	sld [smem:$0x3FFE];
	_ =	sdelay $0x1  }
0x8a: {  	s1 =	srdreg.scid  }
0x8b: {  	s0 =	sand.u32 $0x1, s1  }
0x8c: {  	s14 =	sshll.u32 s0, $0xA;
	s2 =	sadd.s32 s3, s2  }
0x8d: {  	s2 =	sadd.s32 s2, s14  }
0x8e: {  	[smem:$0x3FB7] =	sst s2  }
0x8f: {  	_ = 	snop  }
0x90: {  	s2 =	sld [smem:$0x3FD0];
	_ =	sdelay $0x1  }
0x91: {  	s15 =	sld [smem:$0x3FC9]  }
0x92: {  	s5 =	simm.s32 $0xA;
	s6 =	simm.s32 $0x10;
	s4 =	sld [smem:$0x3FC7]  }
0x93: {  	[smem:s6], [sflag:s5] =	dma.local [hbm:s2], $0x1  }
0x94: {  	_ =	swait.eq [sflag:s5], $0x1  }
0x95: {  	[sflag:s5] =	ssyncset.done $0x0  }
0x96: {  	[sflag:s5] =	ssyncadd.s32 $0xFFFFFFFF  }
0x97: {  	s16 =	sld [smem:$0x10];
	(tm) =	ssettm $0x1  }
0x98: {  	s17 =	sld [smem:$0x3FFB];
	_ =	sdelay $0x3  }
0x99: {  	_ =	strace s17  }
0x9a: {  	s5 =	sld [smem:$0x3FFC];
	_ =	sdelay $0x3  }
0x9b: {  	_ =	strace s5  }
0x9c: {  	s5 =	sld [smem:$0x3FFD];
	_ =	sdelay $0x3  }
0x9d: {  	_ =	strace s5  }
0x9e: {  	_ =	strace $0x8FFFFFFF  }
0x9f: {  	s18 =	sld [smem:$0x3FDB];
	_ =	sdelay $0x1  }
0xa0: {  	s19 =	simm.s32 $_scs_section_size  }
0xa1: {  	s7 =	simm.s32 $_size__tile_overlayer_lowered;
	s8 =	simm.s32 $_tile_overlayer_lowered  }
0xa2: {  	s22 =	simm.s32 $0x1BFF;
	s21 =	sshll.u32 s8, $0x1;
	s5 =	sadd.s32 s19, s18  }
0xa3: {  	s9 =	simm.s32 $0x0;
	s20 =	sshll.u32 s7, $0x1;
	s7 =	sadd.s32 s21, s5  }
0xa4: {  	[timem:s9], [sflag:s22] =	dma.local [hbm:s7], s20  }
0xa5: {  	_ =	swait.ge [sflag:s22], s20  }
0xa6: {  	s6 =	ssub.s32 $0x0, s20;
	[sflag:s22] =	ssyncset.done $0x0  }
0xa7: {  	[sflag:s22] =	ssyncadd.s32 s6;
	_ =	sdelay $0x1  }
0xa8: {  	s23 =	simm.s32 $0x1B8B  }
0xa9: {  	_ =	swait.ge [sflag:s23], $0x1  }
0xaa: {  	[sflag:s23] =	ssyncset.done $0x0  }
0xab: {  	s25 =	simm.s32 $0x1B8E;
	s24 =	sld [smem:$0x3FFE];
	[sflag:s23] =	ssyncadd.s32 $0xFFFFFFFF  }
0xac: {  	s26 =	simm.s32 $execute0_lowered;
	[smem:$0x3FD2] =	sst s25  }
0xad: {  	s7 =	sshll.u32 s26, $0x1;
	_ =	strace $0x80000046;
	[dreg:$0x1] =	wrdreg $0xFFFFFFFF  }
0xae: {  	s28 =	simm.s32 $_size_execute0_lowered;
	s5 =	sadd.s32 s5, s7;
	[dreg:$0x0] =	wrdreg $0x0  }
0xaf: {  	s7 =	sshll.u32 s28, $0x1;
	[dreg:$0x2] =	wrdreg s5  }
0xb0: {  	[dreg:$0x3] =	wrdreg s7  }
0xb1: {  	[dreg:$0x4] =	wrdreg $0xC0  }
0xb2: {  	_ =	task [dreg:s9], $0x5FFFF  }
0xb3: {  	[dreg:$0x1] =	wrdreg $0xFFFFFFFF  }
0xb4: {  	[dreg:$0x0] =	wrdreg $0x60  }
0xb5: {  	[dreg:$0x2] =	wrdreg s15  }
0xb6: {  	[dreg:$0x3] =	wrdreg s24  }
0xb7: {  	[dreg:$0x4] =	wrdreg s4  }
0xb8: {  	[dreg:$0x5] =	wrdreg s16  }
0xb9: {  	[dreg:$0x6] =	wrdreg $0x8A000  }
0xba: {  	[dreg:$0x7] =	wrdreg $0x9  }
0xbb: {  	_ =	task.clear_ibuf [dreg:s9], $0x8FFFF;
	_ =	strace $0x90000046  }
0xbc: {  	s29 =	simm.s32 $0x9;
	_ =	strace $0x80000048  }
0xbd: {  	_ =	swait.ge [sflag:s29], $0x1  }
0xbe: {  	[sflag:s29] =	ssyncadd.s32 $0xFFFFFFFF  }
0xbf: {  	_ =	strace $0x90000048  }
0xc0: {  	_ =	sfence  }
0xc1: {  	s30 =	sld [smem:$0x0];
	_ =	sdelay $0x2  }
0xc2: {  	s31 =	sshll.u32 s1, $0xD;
	s1 =	sshrl.u32 s1, $0x2  }
0xc3: {  	s3 =	sand.u32 $0x4000, s31;
	s1 =	sadd.s32 s1, s30  }
0xc4: {  	s0 =	sor.u32 s3, s0;
	s1 =	sshll.u32 s1, $0x11  }
0xc5: {  	s0 =	sor.u32 s1, s0  }
0xc6: {  	s0 =	sadd.s32 $0x8F2B, s0  }
0xc7: {  	[sflag:s0] =	ssyncadd.remote.s32 $0x1  }
0xc8: {  	_ =	sfence.sel $0xFFFF  }
0xc9: {  	[dreg:$0x0] =	wrdreg $0xFFFFFFFF;
	(pc) =	sbr.abs _section_cstart, $3  }
0xca: {  	[dreg:$0x1] =	wrdreg $0xFFFFFFFF  }
0xcb: {  	_ =	task.clear_ibuf [dreg:s9], $0x2FFFF;
	_ =	strace $0x9FFFFFFF  }
0xcc: {  	(tm) =	ssettm $0x7FFFFFFF  }
0xcd: {  	_ =	shalt  }
tec
execute0_lowered:
.L_overlay_start_1:
0x0: {  	(tag) =	ssettag $0x1  }
0x1: {  	s1 =	rddreg [dreg:$0x0]  }
0x2: {  	s0 =	rddreg [dreg:$0x1]  }
0x3: {  	s2 =	rddreg [dreg:$0x2]  }
0x4: {  	s4 =	rddreg [dreg:$0x4];
	s5 =	simm.s32 $0x0;
	s15 =	stileid.u32  }
0x5: {  	s3 =	srdreg.scid;
	s28 =	simm.s32 $0x7800;
	s8 =	smul.u32 $0x4E000, s15  }
0x6: {  	s31 =	simm.s32 $0x7880;
	s29 =	simm.s32 $0x3;
	s19 =	smul.u32 $0x271000, s15  }
0x7: {  	s30 =	simm.s32 $0x4;
	[smem:$0x7FF] =	sst s5;
	s11 =	smul.u32 $0x2710, s15  }
0x8: {  	s3 =	sand.u32 $0x1, s3;
	s7 =	sadd.s32 $0x2000, s0;
	s12 =	smul.u32 $0x27100, s15  }
0x9: {  	s0 =	sadd.s32 $0x273000, s0;
	s10 =	sadd.s32 $0x138000, s4;
	s23 =	smul.u32 $0x27000, s15  }
0xa: {  	p0 =	sne.s32 s15, $0xF;
	_ =	strace $0x80000047;
	s18 =	ssub.s32 $0x2, s3  }
0xb: {  	s6 =	sshrl.u32 s18, $0x1;
	s9 =	sshrl.u32 s8, $0x2;
	s8 =	sshll.u32 s3, $0xA  }
0xc: {  	s13 =	sadd.s32 $0x28, s11;
	s20 =	sshrl.u32 s11, $0x3;
	s12 =	sadd.s32 s7, s12  }
0xd: {  	s3 =	sshll.u32 s3, $0x7;
	s17 =	sadd.s32 $0x50, s11;
	s11 =	simm.s32 $0x7980  }
0xe: {  	s5 =	ssub.s32 s18, s6;
	s9 =	sadd.s32 s9, s4;
	s6 =	sor.u32 s8, s19  }
0xf: {  	s14 =	sshll.u32 s13, $0x8;
	[dreg:$0x7] =	wrdreg s12;
	s22 =	sshll.u32 s13, $0x4  }
0x10: {  	s25 =	sshrl.u32 s13, $0x3;
	s26 =	sor.u32 s8, s23;
	s3 =	sadd.s32 s3, s0  }
0x11: {  	s23 =	simm.s32 $0x8200;
	s6 =	sshrl.u32 s6, $0x3;
	s21 =	sor.u32 s8, s14  }
0x12: {  	s24 =	sadd.s32 s7, s22;
	s19 =	sadd.s32 $0x4E000, s3;
	s22 =	simm.s32 $0x5  }
0x13: {  	s3 =	simm.s32 $0x28;
	s6 =	sadd.s32 s1, s6;
	[dreg:$0xa] =	wrdreg s24  }
0x14: {  	s24 =	simm.s32 $0x0;
	[dreg:$0x6] =	wrdreg s6;
	s6 =	sadd.s32 s2, s20  }
.Ltmp0:
0x15: {  	[dreg:$0x8] =	wrdreg s6;
	s6 =	sshrl.u32 s21, $0x3;
	(pc) =	sbr.rel .LBB2_1-.Ltmp0, $4  }
0x16: {  	s20 =	smax.u32 s5, $0x1;
	s5 =	simm.s32 $0x2;
	s6 =	sadd.s32 s1, s6  }
0x17: {  	s21 =	simm.s32 $0x2800;
	[dreg:$0x9] =	wrdreg s6;
	s6 =	sadd.s32 s2, s25  }
0x18: {  	[dreg:$0xb] =	wrdreg s6;
	s6 =	sshrl.u32 s26, $0x3;
	s26 =	simm.s32 $0x3C00  }
0x19: {  	v0 =	vimm.f32 $0.0e+00;
	s18 =	sadd.s32 s0, s6;
	s0 =	simm.s32 $0x1;
	s6 =	simm.s32 $0x7900  }
.LBB2_22:
0x1a: {  	_ =	swait.ge [sflag:s29], $0x1400  }
0x1b: {  	[sflag:s29] =	ssyncset.done $0x0  }
0x1c: {  	[sflag:s29] =	ssyncadd.s32 $0xFFFFEC00  }
0x1d: {  	s12 =	stileid.u32;
	s13 =	sshrl.u32 s9, $0x3;
	_ =	swait.ge [sflag:s30], $0x1400  }
0x1e: {  	s14 =	simm.s32 $0x8;
	s15 =	simm.s32 $0x100;
	[sflag:s30] =	ssyncset.done $0x0  }
0x1f: {  	s16 =	simm.s32 $0x80;
	s12 =	sshll.u32 s12, $0x6;
	[sflag:s30] =	ssyncadd.s32 $0xFFFFEC00  }
0x20: {  	s24 =	sadd.s32 $0x1, s24;
	s12 =	sor.u32 $0x1C05, s12;
	[bflag:$0x0] =	sbarrier.arrive $0xFFFF  }
0x21: {  	[hbm:s18@s15], [sflag:s12] =	dma.strided [spmem:s13@s16], $0x2700, s14, $0x10   }
0x22: {  	p1 =	sne.s32 s24, s20;
	_ =	swait.ge [sflag:s22], $0x2700  }
0x23: {  	s13 =	sshrl.u32 @!p0 s10, $0x3;
	s14 =	simm.s32 @!p0 $0x8;
	[sflag:s22] =	ssyncset.done $0x0  }
0x24: {  	s15 =	simm.s32 @!p0 $0x100;
	s16 =	simm.s32 @!p0 $0x80;
	[sflag:s22] =	ssyncadd.s32 $0xFFFFD900  }
0x25: {  	[hbm:s19@s15], [sflag:s12] =	dma.strided @!p0 [spmem:s13@s16], $0x100, s14, $0x10   }
.Ltmp1:
0x26: {  	_ = 	snop;
	(pc) =	sbr.rel @!p1 .LBB2_23-.Ltmp1, $4  }
0x27: {  	s12 =	simm.s32 @!p0 $0x5  }
0x28: {  	_ =	swait.ge @!p0 [sflag:s12], $0x100  }
0x29: {  	[sflag:s12] =	ssyncset.done @!p0 $0x0  }
0x2a: {  	v0 =	vimm.f32 $0.0e+00;
	[sflag:s12] =	ssyncadd.s32 @!p0 $0xFFFFFF00  }
.LBB2_1:
0x2b: {  	s12 =	rddreg [dreg:$0x3];
	s13 =	simm.s32 $0x0;
	s14 =	simm.s32 $0x7A00  }
0x2c: {  	[tilespmem:s14], [sflag:$0x5] =	stream.linear.gather [hbm4b:s12+s13], $0x800, $0x38;
	[tilespmem:$0x1C280] =	vst v63  }
0x2d: {  	_ =	swait.ge [sflag:s22], $0x800  }
0x2e: {  	[sflag:s22] =	ssyncset.done $0x0  }
0x2f: {  	s12 =	simm.s32 $0x0;
	s13 =	simm.s32 $0x200;
	[sflag:s22] =	ssyncadd.s32 $0xFFFFF800  }
.LBB2_2:
0x30: {  	p1 =	sne.s32 s13, $0x1E00;
	[tilespmem:s12+$0x8270] =	vst v0  }
0x31: {  	[tilespmem:s12+$0x8200] =	vst v0  }
0x32: {  	[tilespmem:s12+$0x8210] =	vst v0  }
.Ltmp2:
0x33: {  	[tilespmem:s12+$0x8220] =	vst v0;
	(pc) =	sbr.rel @p1 .LBB2_2-.Ltmp2, $4  }
0x34: {  	[tilespmem:s12+$0x8230] =	vst v0  }
0x35: {  	[tilespmem:s12+$0x8240] =	vst v0  }
0x36: {  	[tilespmem:s12+$0x8250] =	vst v0  }
0x37: {  	[tilespmem:s12+$0x8260] =	vst v0;
	s12 =	sshra.s32 s13, $0x2;
	s13 =	sadd.s32 $0x200, s13  }
0x38: {  	[tilespmem:s12+$0x8270] =	vst v0  }
0x39: {  	[tilespmem:s12+$0x8200] =	vst v0  }
0x3a: {  	[tilespmem:s12+$0x8210] =	vst v0  }
0x3b: {  	[tilespmem:s12+$0x8220] =	vst v0  }
0x3c: {  	[tilespmem:s12+$0x8230] =	vst v0  }
0x3d: {  	[tilespmem:s12+$0x8240] =	vst v0  }
0x3e: {  	[tilespmem:s12+$0x8250] =	vst v0  }
0x3f: {  	[tilespmem:s12+$0x8260] =	vst v0;
	s25 =	sadd.s32 $0x0, s9  }
0x40: {  	[spmem:s25] =	stream.linear.scatter [tilespmem:s23], [sflag:$0x5], $0x800, $0x38;
	[tilespmem:$0x1C280] =	vst v63  }
0x41: {  	s12 =	simm.s32 $0x2000;
	_ =	swait.ge [sflag:s22], $0x800  }
.LBB2_4:
0x42: {  	s13 =	sshra.s32 s12, $0x2;
	[sflag:s22] =	ssyncset.done $0x0;
	p1 =	sne.s32 s12, $0x4C000  }
.Ltmp3:
0x43: {  	s13 =	sadd.s32 s13, s9;
	[sflag:s22] =	ssyncadd.s32 $0xFFFFF800;
	(pc) =	sbr.rel @p1 .LBB2_4-.Ltmp3, $3  }
0x44: {  	[spmem:s13] =	stream.linear.scatter [tilespmem:s23], [sflag:$0x5], $0x800, $0x38;
	[tilespmem:$0x1C280] =	vst v63  }
0x45: {  	s12 =	sadd.s32 $0x2000, s12;
	_ =	sdelay $0x1  }
0x46: {  	_ =	swait.ge [sflag:s22], $0x800  }
0x47: {  	[sflag:s22] =	ssyncset.done $0x0  }
0x48: {  	s12 =	simm.s32 @!p0 $0x8200;
	[sflag:s22] =	ssyncadd.s32 $0xFFFFF800  }
0x49: {  	[spmem:s10] =	stream.linear.scatter @!p0 [tilespmem:s12], [sflag:$0x5], $0x800, $0x38;
	[tilespmem:$0x1C280] =	vst v63  }
0x4a: {  	s12 =	simm.s32 @!p0 $0x5  }
0x4b: {  	_ =	swait.ge @!p0 [sflag:s12], $0x800  }
0x4c: {  	[sflag:s12] =	ssyncset.done @!p0 $0x0  }
0x4d: {  	[sflag:s12] =	ssyncadd.s32 @!p0 $0xFFFFF800  }
0x4e: {  	[bflag:$0x0] =	sbarrier.arrive $0xFFFF  }
0x4f: {  	v19 =	vld [tilespmem:s8+$0x7A00]  }
0x50: {  	v20 =	vld [tilespmem:s8+$0x7A10]  }
0x51: {  	v21 =	vld [tilespmem:s8+$0x7A20]  }
0x52: {  	v22 =	vld [tilespmem:s8+$0x7A30]  }
0x53: {  	v27 =	vld [tilespmem:s8+$0x7A40]  }
0x54: {  	v28 =	vld [tilespmem:s8+$0x7A50]  }
0x55: {  	v29 =	vld [tilespmem:s8+$0x7A60]  }
0x56: {  	v30 =	vld [tilespmem:s8+$0x7A70]  }
0x57: {  	v8 =	vld [tilespmem:s8+$0x7A80]  }
0x58: {  	v15 =	vld [tilespmem:s8+$0x7A90]  }
0x59: {  	v14 =	vld [tilespmem:s8+$0x7AA0]  }
0x5a: {  	v34 =	vld [tilespmem:s8+$0x7AB0]  }
0x5b: {  	v17 =	vld [tilespmem:s8+$0x7AC0]  }
0x5c: {  	v0 =	vld [tilespmem:s8+$0x7AD0]  }
0x5d: {  	v18 =	vld [tilespmem:s8+$0x7AE0]  }
0x5e: {  	v36 =	vld [tilespmem:s8+$0x7AF0]  }
0x5f: {  	v13 =	vld [tilespmem:s8+$0x7B00]  }
0x60: {  	v40 =	vld [tilespmem:s8+$0x7B10]  }
0x61: {  	v41 =	vld [tilespmem:s8+$0x7B20]  }
0x62: {  	v42 =	vld [tilespmem:s8+$0x7B30]  }
0x63: {  	v32 =	vld [tilespmem:s8+$0x7B40]  }
0x64: {  	v44 =	vld [tilespmem:s8+$0x7B50]  }
0x65: {  	v35 =	vld [tilespmem:s8+$0x7B60]  }
0x66: {  	v33 =	vld [tilespmem:s8+$0x7B70]  }
0x67: {  	v37 =	vld [tilespmem:s8+$0x7B80]  }
0x68: {  	v38 =	vld [tilespmem:s8+$0x7B90]  }
0x69: {  	v55 =	vld [tilespmem:s8+$0x7BA0]  }
0x6a: {  	v24 =	vld [tilespmem:s8+$0x7BB0]  }
0x6b: {  	v25 =	vld [tilespmem:s8+$0x7BC0]  }
0x6c: {  	v26 =	vld [tilespmem:s8+$0x7BD0]  }
0x6d: {  	v23 =	vld [tilespmem:s8+$0x7BE0]  }
0x6e: {  	v5 =	vld [tilespmem:s8+$0x7BF0]  }
0x6f: {  	v31 =	vld [tilespmem:s8+$0x7C00]  }
0x70: {  	v45 =	vld [tilespmem:s8+$0x7C10]  }
0x71: {  	v56 =	vld [tilespmem:s8+$0x7C20]  }
0x72: {  	v57 =	vld [tilespmem:s8+$0x7C30]  }
0x73: {  	v47 =	vld [tilespmem:s8+$0x7C40]  }
0x74: {  	v58 =	vld [tilespmem:s8+$0x7C50]  }
0x75: {  	v48 =	vld [tilespmem:s8+$0x7C60]  }
0x76: {  	v59 =	vld [tilespmem:s8+$0x7C70]  }
0x77: {  	v43 =	vld [tilespmem:s8+$0x7C80]  }
0x78: {  	v4 =	vld [tilespmem:s8+$0x7C90]  }
0x79: {  	v60 =	vld [tilespmem:s8+$0x7CA0]  }
0x7a: {  	v61 =	vld [tilespmem:s8+$0x7CB0]  }
0x7b: {  	v39 =	vld [tilespmem:s8+$0x7CC0]  }
0x7c: {  	s14 =	simm.s32 $0x400;
	v46 =	vld [tilespmem:s8+$0x7CD0]  }
0x7d: {  	s15 =	simm.s32 $0x800;
	s12 =	simm.s32 $0x0;
	v62 =	vld [tilespmem:s8+$0x7CE0];
	s13 =	rddreg [dreg:$0x6]  }
0x7e: {  	v63 =	vld [tilespmem:s8+$0x7CF0];
	[tilespmem:s12], [sflag:$0x1] =	stream.strided.gather [hbm4b:s13+s14], $0x1400, s15, s14, $0x38  }
0x7f: {  	s16 =	simm.s32 $0x5000;
	s25 =	rddreg [dreg:$0x7]  }
0x80: {  	[tilespmem:s16], [sflag:$0x1] =	stream.linear.gather [hbm4b:s25+s12], $0x1400, $0x38;
	[tilespmem:$0x1C280] =	vst v63  }
0x81: {  	[tilespmem:$0x1FD00] =	vst v0  }
0x82: {  	[tilespmem:$0x1FD10] =	vst v55  }
0x83: {  	[tilespmem:$0x1FD20] =	vst v56  }
0x84: {  	[tilespmem:$0x1FD30] =	vst v57  }
0x85: {  	[tilespmem:$0x1FD40] =	vst v58  }
0x86: {  	[tilespmem:$0x1FD50] =	vst v59  }
0x87: {  	[tilespmem:$0x1FD60] =	vst v60  }
0x88: {  	[tilespmem:$0x1FD70] =	vst v61  }
0x89: {  	[tilespmem:$0x1FD80] =	vst v62  }
0x8a: {  	s25 =	rddreg [dreg:$0x8];
	[tilespmem:$0x1FD90] =	vst v63  }
0x8b: {  	[tilespmem:s28], [sflag:$0x1] =	stream.linear.gather [hbm4b:s25+s12], $0x28, $0x38;
	[tilespmem:$0x1C280] =	vst v63  }
0x8c: {  	[tilespmem:$0x1FDA0] =	vst v19  }
0x8d: {  	[tilespmem:$0x1FDB0] =	vst v20  }
0x8e: {  	[tilespmem:$0x1FDC0] =	vst v21  }
0x8f: {  	[tilespmem:$0x1FDD0] =	vst v22  }
0x90: {  	[tilespmem:$0x1FDE0] =	vst v27  }
0x91: {  	[tilespmem:$0x1FDF0] =	vst v28  }
0x92: {  	[tilespmem:$0x1FE00] =	vst v29  }
0x93: {  	[tilespmem:$0x1FE10] =	vst v30  }
0x94: {  	[tilespmem:$0x1FE20] =	vst v8  }
0x95: {  	[tilespmem:$0x1FE30] =	vst v15  }
0x96: {  	[tilespmem:$0x1FE40] =	vst v14  }
0x97: {  	[tilespmem:$0x1FE50] =	vst v34  }
0x98: {  	[tilespmem:$0x1FE60] =	vst v17  }
0x99: {  	[tilespmem:$0x1FE70] =	vst v18  }
0x9a: {  	[tilespmem:$0x1FE80] =	vst v36  }
0x9b: {  	[tilespmem:$0x1FE90] =	vst v13  }
0x9c: {  	[tilespmem:$0x1FEA0] =	vst v40  }
0x9d: {  	[tilespmem:$0x1FEB0] =	vst v41  }
0x9e: {  	[tilespmem:$0x1FEC0] =	vst v42  }
0x9f: {  	[tilespmem:$0x1FED0] =	vst v32  }
0xa0: {  	[tilespmem:$0x1FEE0] =	vst v44  }
0xa1: {  	[tilespmem:$0x1FEF0] =	vst v35  }
0xa2: {  	[tilespmem:$0x1FF00] =	vst v33  }
0xa3: {  	[tilespmem:$0x1FF10] =	vst v37  }
0xa4: {  	[tilespmem:$0x1FF20] =	vst v38  }
0xa5: {  	[tilespmem:$0x1FF30] =	vst v24  }
0xa6: {  	[tilespmem:$0x1FF40] =	vst v25  }
0xa7: {  	[tilespmem:$0x1FF50] =	vst v26  }
0xa8: {  	[tilespmem:$0x1FF60] =	vst v23  }
0xa9: {  	[tilespmem:$0x1FF70] =	vst v5  }
0xaa: {  	[tilespmem:$0x1FF80] =	vst v31  }
0xab: {  	[tilespmem:$0x1FF90] =	vst v45  }
0xac: {  	[tilespmem:$0x1FFA0] =	vst v47  }
0xad: {  	[tilespmem:$0x1FFB0] =	vst v48  }
0xae: {  	s16 =	rddreg [dreg:$0x9];
	s25 =	simm.s32 $0x1400;
	[tilespmem:$0x1FFC0] =	vst v43  }
0xaf: {  	[tilespmem:s25], [sflag:$0x2] =	stream.strided.gather [hbm4b:s16+s14], $0x1400, s15, s14, $0x38;
	[tilespmem:$0x1C280] =	vst v63  }
.Ltmp4:
0xb0: {  	[tilespmem:$0x1FFD0] =	vst v4;
	(pc) =	sbr.rel .LBB2_6-.Ltmp4, $4  }
0xb1: {  	[tilespmem:$0x1FFE0] =	vst v39;
	s15 =	rddreg [dreg:$0xa];
	s16 =	simm.s32 $0x6400  }
0xb2: {  	[tilespmem:s16], [sflag:$0x2] =	stream.linear.gather [hbm4b:s15+s12], $0x1400, $0x38;
	[tilespmem:$0x1C280] =	vst v63  }
0xb3: {  	[tilespmem:$0x1FFF0] =	vst v46;
	s25 =	rddreg [dreg:$0xb]  }
0xb4: {  	[tilespmem:s31], [sflag:$0x2] =	stream.linear.gather [hbm4b:s25+s12], $0x28, $0x38;
	[tilespmem:$0x1C280] =	vst v63  }
.LBB2_20:
0xb5: {  	v15 =	vadd.f32 v15, v16;
	v18 =	vmul.f32 v63, v36  }
0xb6: {  	v17 =	vmul.f32 v6, v29;
	v7 =	vadd.f32 v7, v57;
	v4 =	vadd.f32 v10, v4  }
0xb7: {  	v12 =	vmul.f32 v14, v12;
	v0 =	vadd.f32 v11, v0;
	v47 =	vadd.f32 v18, v60  }
0xb8: {  	v48 =	vmul.f32 v51, v44;
	v3 =	vadd.f32 v3, v50;
	v8 =	vadd.f32 v8, v17  }
0xb9: {  	v51 =	vmul.f32 v6, v28;
	v7 =	vadd.f32 v7, v61;
	v14 =	vadd.f32 v47, v53  }
0xba: {  	v16 =	vld [tilespmem:s25+$0x1430];
	v17 =	vmul.f32 v56, v24;
	v4 =	vadd.f32 v4, v52;
	v0 =	vadd.f32 v0, v55  }
0xbb: {  	v56 =	vmul.f32 v6, v30;
	v60 =	vld [tilespmem:s25+$0x1410];
	v7 =	vadd.f32 v7, v48;
	v14 =	vadd.f32 v14, v58  }
0xbc: {  	v3 =	vadd.f32 v3, v54;
	v8 =	vadd.f32 v8, v17;
	v53 =	vld [tilespmem:s25+$0x1420]  }
0xbd: {  	v7 =	vadd.f32 v7, v51;
	v58 =	vld [tilespmem:s25+$0x1440];
	v6 =	vadd.f32 v14, v56  }
0xbe: {  	v57 =	vld [tilespmem:s25+$0x1450];
	v13 =	vmul.f32 v13, v15;
	v4 =	vadd.f32 v4, v62;
	v62 =	vadd.f32 v3, v49  }
0xbf: {  	[tilespmem:s25+$0x3C00] =	vst v12;
	v8 =	vmul.f32 v16, v8;
	v7 =	vadd.f32 v7, v9;
	v6 =	vadd.f32 v6, v59;
	v59 =	vld [tilespmem:s25+$0x1470]  }
0xc0: {  	p1 =	sgt.u32 s12, $0xF7;
	[tilespmem:s25+$0x3C60] =	vst v13;
	v0 =	vadd.f32 v0, v5;
	v2 =	vadd.f32 v4, v2;
	v63 =	vmul.f32 v62, v60  }
0xc1: {  	s13 =	smul.u32 @!p1 $0x28, s12;
	[tilespmem:s25+$0x3C30] =	vst v8;
	v7 =	vmul.f32 v7, v53  }
0xc2: {  	v0 =	vadd.f32 v0, v1;
	[tilespmem:s25+$0x3C10] =	vst v63;
	v61 =	vmul.f32 v58, v2  }
0xc3: {  	s13 =	sadd.s32 @!p1 s13, s17;
	v6 =	vmul.f32 v57, v6;
	[tilespmem:s25+$0x3C20] =	vst v7  }
0xc4: {  	s14 =	sshll.u32 @!p1 s13, $0x8;
	[tilespmem:s25+$0x3C40] =	vst v61;
	v0 =	vmul.f32 v59, v0  }
0xc5: {  	s14 =	sor.u32 @!p1 s8, s14;
	[tilespmem:s25+$0x3C50] =	vst v6  }
0xc6: {  	s15 =	simm.s32 @!p1 $0x400;
	s14 =	sshrl.u32 @!p1 s14, $0x3;
	[tilespmem:s25+$0x3C70] =	vst v0  }
0xc7: {  	[spmem:s4] =	stream.indirect.scatter.add.f32 [tilespmem:s26], [sflag:$0x4], $0x80, s11, s3, $0xb8;
	[tilespmem:$0x1C280] =	vst v63  }
0xc8: {  	s16 =	simm.s32 @!p1 $0x800;
	s14 =	sadd.s32 @!p1 s1, s14;
	s25 =	simm.s32 @!p1 $0x1400  }
0xc9: {  	[tilespmem:s25], [sflag:$0x2] =	stream.strided.gather @!p1 [hbm4b:s14+s15], $0x1400, s16, s15, $0x38;
	[tilespmem:$0x1C280] =	vst v63  }
0xca: {  	s14 =	sshll.u32 @!p1 s13, $0x4;
	s15 =	simm.s32 @!p1 $0x0  }
0xcb: {  	s16 =	simm.s32 @!p1 $0x6400;
	s13 =	sshrl.u32 @!p1 s13, $0x3;
	s14 =	sadd.s32 @!p1 s7, s14  }
0xcc: {  	[tilespmem:s16], [sflag:$0x2] =	stream.linear.gather @!p1 [hbm4b:s14+s15], $0x1400, $0x38;
	[tilespmem:$0x1C280] =	vst v63  }
0xcd: {  	s13 =	sadd.s32 @!p1 s2, s13;
	s14 =	simm.s32 @!p1 $0x7880  }
0xce: {  	[tilespmem:s14], [sflag:$0x2] =	stream.linear.gather @!p1 [hbm4b:s13+s15], $0x28, $0x38;
	[tilespmem:$0x1C280] =	vst v63  }
.LBB2_21:
0xcf: {  	v27 =	vld [tilespmem:$0x1FDE0]  }
0xd0: {  	v28 =	vld [tilespmem:$0x1FDF0]  }
0xd1: {  	v29 =	vld [tilespmem:$0x1FE00]  }
0xd2: {  	v30 =	vld [tilespmem:$0x1FE10]  }
0xd3: {  	v8 =	vld [tilespmem:$0x1FE20]  }
0xd4: {  	v15 =	vld [tilespmem:$0x1FE30]  }
0xd5: {  	v14 =	vld [tilespmem:$0x1FE40]  }
0xd6: {  	v34 =	vld [tilespmem:$0x1FE50]  }
0xd7: {  	v17 =	vld [tilespmem:$0x1FE60]  }
0xd8: {  	v18 =	vld [tilespmem:$0x1FE70]  }
0xd9: {  	v36 =	vld [tilespmem:$0x1FE80]  }
0xda: {  	v13 =	vld [tilespmem:$0x1FE90]  }
0xdb: {  	v40 =	vld [tilespmem:$0x1FEA0]  }
0xdc: {  	v41 =	vld [tilespmem:$0x1FEB0]  }
0xdd: {  	v42 =	vld [tilespmem:$0x1FEC0]  }
0xde: {  	v32 =	vld [tilespmem:$0x1FED0]  }
0xdf: {  	v44 =	vld [tilespmem:$0x1FEE0]  }
0xe0: {  	v35 =	vld [tilespmem:$0x1FEF0]  }
0xe1: {  	v33 =	vld [tilespmem:$0x1FF00]  }
0xe2: {  	v37 =	vld [tilespmem:$0x1FF10]  }
0xe3: {  	v38 =	vld [tilespmem:$0x1FF20]  }
0xe4: {  	v24 =	vld [tilespmem:$0x1FF30]  }
0xe5: {  	v25 =	vld [tilespmem:$0x1FF40]  }
0xe6: {  	v26 =	vld [tilespmem:$0x1FF50]  }
0xe7: {  	v23 =	vld [tilespmem:$0x1FF60]  }
0xe8: {  	v5 =	vld [tilespmem:$0x1FF70]  }
0xe9: {  	v31 =	vld [tilespmem:$0x1FF80]  }
0xea: {  	s12 =	sadd.s32 $0x1, s12;
	v45 =	vld [tilespmem:$0x1FF90]  }
0xeb: {  	v47 =	vld [tilespmem:$0x1FFA0];
	p1 =	sne.s32 s12, $0xFA  }
.Ltmp5:
0xec: {  	v48 =	vld [tilespmem:$0x1FFB0];
	(pc) =	sbr.rel @!p1 .LBB2_22-.Ltmp5, $4  }
0xed: {  	v43 =	vld [tilespmem:$0x1FFC0]  }
0xee: {  	v4 =	vld [tilespmem:$0x1FFD0]  }
0xef: {  	v39 =	vld [tilespmem:$0x1FFE0]  }
0xf0: {  	v46 =	vld [tilespmem:$0x1FFF0]  }
.LBB2_6:
0xf1: {  	s13 =	sand.u32 $0x3, s12  }
0xf2: {  	p1 =	sgt.s32 s13, $0x1  }
.Ltmp6:
0xf3: {  	_ = 	snop;
	(pc) =	sbr.rel @p1 .LBB2_17-.Ltmp6, $1  }
0xf4: {  	_ =	sdelay $0x3  }
0xf5: {  	p1 =	seq.s32 s13, $0x0  }
.Ltmp7:
0xf6: {  	_ = 	snop;
	(pc) =	sbr.rel @!p1 .LBB2_11-.Ltmp7, $1  }
0xf7: {  	_ =	sdelay $0x3  }
0xf8: {  	_ =	swait.ge [sflag:s0], $0x1400  }
0xf9: {  	[sflag:s0] =	ssyncset.done $0x0  }
0xfa: {  	[sflag:s0] =	ssyncadd.s32 $0xFFFFEC00  }
0xfb: {  	_ =	swait.ge [sflag:s0], $0x1400  }
0xfc: {  	[sflag:s0] =	ssyncset.done $0x0  }
0xfd: {  	[sflag:s0] =	ssyncadd.s32 $0xFFFFEC00  }
0xfe: {  	_ =	swait.ge [sflag:s0], $0x28  }
0xff: {  	p1 =	slt.u32 s12, $0x2;
	[sflag:s0] =	ssyncset.done $0x0  }
0x100: {  	s13 =	simm.s32 @!p1 $0x3;
	[sflag:s0] =	ssyncadd.s32 $0xFFFFFFD8  }
0x101: {  	_ =	swait.ge @!p1 [sflag:s13], $0x1400  }
0x102: {  	[sflag:s13] =	ssyncset.done @!p1 $0x0  }
0x103: {  	s25 =	simm.s32 $0x0;
	[sflag:s13] =	ssyncadd.s32 @!p1 $0xFFFFEC00  }
0x104: {  	v1 =	vld [tilespmem:s25+$0x5000];
	_ =	sdelay $0x4  }
0x105: {  	v0 =	vbroadcast v1, $0x0  }
0x106: {  	v2 =	vbroadcast v1, $0x2;
	v51 =	vbroadcast v1, $0x3  }
0x107: {  	v56 =	vbroadcast v1, $0x5;
	v63 =	vbroadcast v1, $0x1  }
0x108: {  	v3 =	vmul.f32 v0, v19;
	v9 =	vmul.f32 v0, v20  }
0x109: {  	v53 =	vmul.f32 v2, v44;
	v6 =	vmul.f32 v2, v40  }
0x10a: {  	v57 =	vmul.f32 v0, v21;
	v49 =	vmul.f32 v56, v4  }
0x10b: {  	v4 =	vmul.f32 v0, v22;
	v10 =	vmul.f32 v0, v27  }
0x10c: {  	v60 =	vmul.f32 v0, v28;
	v55 =	vmul.f32 v51, v5  }
0x10d: {  	v5 =	vmul.f32 v0, v29;
	[tilespmem:$0x1FCF0] =	vst v6;
	v6 =	vmul.f32 v63, v34  }
0x10e: {  	v61 =	vmul.f32 v2, v41;
	v8 =	vmul.f32 v63, v8  }
0x10f: {  	v16 =	vmul.f32 v0, v30;
	v7 =	vmul.f32 v2, v42;
	v6 =	vadd.f32 v6, v4  }
0x110: {  	v0 =	vmul.f32 v2, v33;
	v3 =	vadd.f32 v8, v3;
	v8 =	vmul.f32 v2, v13  }
0x111: {  	v13 =	vadd.f32 v6, v7;
	v7 =	vmul.f32 v63, v14;
	v14 =	vmul.f32 v63, v18  }
0x112: {  	v33 =	vld [tilespmem:$0x1FD90];
	v6 =	vbroadcast v1, $0x4;
	v1 =	vadd.f32 v3, v8;
	v3 =	vmul.f32 v51, v37  }
0x113: {  	v41 =	vld [tilespmem:$0x1FD50];
	v4 =	vmul.f32 v2, v32;
	v2 =	vmul.f32 v2, v35;
	v5 =	vadd.f32 v14, v5  }
0x114: {  	v58 =	vmul.f32 v51, v26;
	v12 =	vmul.f32 v51, v24;
	v26 =	vld [tilespmem:$0x1FD80];
	v3 =	vadd.f32 v1, v3  }
0x115: {  	v44 =	vld [tilespmem:$0x1FD10];
	v1 =	vadd.f32 v5, v2;
	v2 =	vmul.f32 v51, v23;
	v5 =	vmul.f32 v6, v31  }
0x116: {  	v11 =	vmul.f32 v63, v15;
	v28 =	vld [tilespmem:$0x1FD20];
	v8 =	vadd.f32 v13, v12;
	v12 =	vmul.f32 v56, v43  }
0x117: {  	v42 =	vmovc v43;
	v29 =	vld [tilespmem:$0x1FD30];
	v43 =	vmovc v32;
	v32 =	vmov v15;
	v15 =	vadd.f32 v1, v2;
	v2 =	vadd.f32 v3, v5  }
0x118: {  	v52 =	vmul.f32 v51, v25;
	v50 =	vmul.f32 v51, v38;
	v3 =	vadd.f32 v11, v9;
	v9 =	vld [tilespmem:$0x1FCF0]  }
0x119: {  	v25 =	vmovc v39;
	v13 =	vmul.f32 v63, v17;
	v14 =	vadd.f32 v2, v12;
	v2 =	vmul.f32 v56, v39;
	v39 =	vld [tilespmem:$0x1FD60]  }
0x11a: {  	v59 =	vmul.f32 v56, v46;
	v30 =	vld [tilespmem:$0x1FD40];
	v54 =	vmul.f32 v6, v45  }
0x11b: {  	v24 =	vld [tilespmem:$0x1FD70];
	v10 =	vadd.f32 v13, v10;
	v13 =	vmul.f32 v6, v48;
	v11 =	vmul.f32 v63, v36  }
0x11c: {  	v27 =	vmovc v35;
	v34 =	vmovc v38;
	v38 =	vmov v36;
	v62 =	vmul.f32 v6, v47;
	v1 =	vmul.f32 v56, v33;
	v36 =	vld [tilespmem:$0x1FD00]  }
0x11d: {  	v40 =	vmovc v18;
	v5 =	vmul.f32 v6, v41;
	v15 =	vadd.f32 v15, v13;
	v13 =	vld [tilespmem:s25+$0x60];
	v11 =	vadd.f32 v11, v16  }
0x11e: {  	s13 =	simm.s32 $0x200;
	v35 =	vmovc v17;
	v12 =	vld [tilespmem:s25+$0x0];
	v16 =	vmul.f32 v56, v26;
	v3 =	vadd.f32 v3, v9;
	v9 =	vmul.f32 v56, v39  }
.LBB2_9:
0x11f: {  	v17 =	vmul.f32 v6, v29  }
0x120: {  	v7 =	vadd.f32 v7, v57;
	v15 =	vadd.f32 v15, v16  }
0x121: {  	v0 =	vadd.f32 v11, v0;
	v11 =	vmul.f32 v56, v24;
	v8 =	vadd.f32 v8, v17  }
0x122: {  	v7 =	vadd.f32 v7, v61;
	v13 =	vmul.f32 v13, v15;
	v15 =	vmul.f32 v51, v44;
	_ =	sdelay $0x1  }
0x123: {  	v8 =	vadd.f32 v8, v11;
	v11 =	vmul.f32 v6, v28;
	v7 =	vadd.f32 v7, v15  }
0x124: {  	v15 =	vld [tilespmem:s25+$0x20]  }
0x125: {  	s14 =	sshra.s32 s13, $0x2;
	v0 =	vadd.f32 v0, v55;
	v7 =	vadd.f32 v7, v11  }
0x126: {  	v4 =	vadd.f32 v10, v4;
	v10 =	vld [tilespmem:s14+$0x5000]  }
0x127: {  	v12 =	vmul.f32 v14, v12;
	v14 =	vld [tilespmem:s25+$0x30];
	v0 =	vadd.f32 v0, v5;
	v7 =	vadd.f32 v7, v9;
	_ =	sdelay $0x1  }
0x128: {  	v63 =	vmul.f32 v63, v36;
	v7 =	vmul.f32 v7, v15;
	v15 =	vadd.f32 v0, v1;
	v0 =	vld [tilespmem:$0x1FEB0];
	_ =	sdelay $0x1  }
0x129: {  	[tilespmem:s25+$0x2800] =	vst v12;
	v12 =	vadd.f32 v63, v60  }
0x12a: {  	v8 =	vmul.f32 v14, v8;
	v14 =	vbroadcast v10, $0x2  }
0x12b: {  	v5 =	vld [tilespmem:$0x1FDF0];
	v12 =	vadd.f32 v12, v53  }
0x12c: {  	v61 =	vmul.f32 v14, v0;
	v0 =	vld [tilespmem:$0x1FE10]  }
0x12d: {  	v6 =	vmul.f32 v6, v30;
	v12 =	vadd.f32 v12, v58  }
0x12e: {  	[tilespmem:s25+$0x2860] =	vst v13;
	v13 =	vbroadcast v10, $0x0  }
0x12f: {  	v4 =	vadd.f32 v4, v52;
	v6 =	vadd.f32 v12, v6;
	v12 =	vld [tilespmem:$0x1FDE0]  }
0x130: {  	v16 =	vmul.f32 v13, v19;
	[tilespmem:s25+$0x2830] =	vst v8;
	v8 =	vld [tilespmem:$0x1FEE0]  }
0x131: {  	v60 =	vmul.f32 v13, v5;
	v5 =	vld [tilespmem:$0x1FF70];
	v19 =	vmul.f32 v13, v0;
	v0 =	vadd.f32 v4, v62  }
0x132: {  	[tilespmem:s25+$0x2820] =	vst v7;
	v7 =	vld [tilespmem:$0x1FF50]  }
0x133: {  	v2 =	vadd.f32 v0, v2;
	v0 =	vld [tilespmem:$0x1FE20]  }
0x134: {  	v18 =	vmul.f32 v13, v12;
	v12 =	vld [tilespmem:s25+$0x50]  }
0x135: {  	v51 =	vbroadcast v10, $0x3;
	v53 =	vmul.f32 v14, v8;
	v8 =	vld [tilespmem:$0x1FEA0]  }
0x136: {  	v63 =	vbroadcast v10, $0x1;
	v11 =	vmul.f32 v13, v20;
	v20 =	vld [tilespmem:s25+$0x70]  }
0x137: {  	v1 =	vld [tilespmem:$0x1FE50];
	v6 =	vadd.f32 v6, v59  }
0x138: {  	v58 =	vmul.f32 v51, v7;
	v7 =	vmul.f32 v63, v0;
	v0 =	vld [tilespmem:$0x1FF40]  }
0x139: {  	v55 =	vmul.f32 v51, v5;
	v5 =	vld [tilespmem:$0x1FE00];
	v6 =	vmul.f32 v12, v6  }
0x13a: {  	v17 =	vmul.f32 v14, v8;
	v8 =	vld [tilespmem:$0x1FFD0]  }
0x13b: {  	[tilespmem:s25+$0x2850] =	vst v6;
	v6 =	vld [tilespmem:$0x1FE90]  }
0x13c: {  	v56 =	vbroadcast v10, $0x5;
	v4 =	vld [tilespmem:$0x1FEC0]  }
0x13d: {  	v57 =	vmul.f32 v13, v21;
	v52 =	vmul.f32 v51, v0;
	v0 =	vld [tilespmem:$0x1FF30]  }
0x13e: {  	v3 =	vadd.f32 v3, v50;
	v50 =	vmul.f32 v51, v34;
	v1 =	vmul.f32 v63, v1;
	v12 =	vld [tilespmem:s25+$0x40]  }
0x13f: {  	v9 =	vmul.f32 v56, v8;
	v8 =	vmul.f32 v13, v22  }
0x140: {  	v5 =	vmul.f32 v13, v5;
	v13 =	vadd.f32 v7, v16;
	v16 =	vmul.f32 v14, v6;
	v6 =	vld [tilespmem:$0x1FE40]  }
0x141: {  	v59 =	vmul.f32 v56, v46;
	v4 =	vmul.f32 v14, v4;
	v1 =	vadd.f32 v1, v8  }
0x142: {  	v3 =	vadd.f32 v3, v54;
	v15 =	vmul.f32 v20, v15;
	v8 =	vmul.f32 v51, v0;
	v0 =	vld [tilespmem:$0x1FF00]  }
0x143: {  	v20 =	vmul.f32 v63, v38;
	v2 =	vmul.f32 v12, v2;
	v1 =	vadd.f32 v1, v4  }
0x144: {  	v3 =	vadd.f32 v3, v49;
	v49 =	vmovc v9;
	v9 =	vmul.f32 v56, v42;
	v4 =	vmul.f32 v14, v43  }
0x145: {  	v7 =	vmul.f32 v63, v6;
	v8 =	vadd.f32 v1, v8;
	v1 =	vmul.f32 v63, v40  }
0x146: {  	v6 =	vbroadcast v10, $0x4;
	v10 =	vadd.f32 v13, v16;
	v13 =	vmul.f32 v51, v37  }
0x147: {  	v1 =	vadd.f32 v1, v5;
	v5 =	vmul.f32 v14, v27;
	v0 =	vmul.f32 v14, v0;
	v14 =	vld [tilespmem:s25+$0x10]  }
0x148: {  	[tilespmem:s25+$0x2840] =	vst v2;
	v16 =	vmul.f32 v63, v32;
	v10 =	vadd.f32 v10, v13;
	v2 =	vmul.f32 v6, v31  }
0x149: {  	v13 =	vmul.f32 v63, v35;
	v1 =	vadd.f32 v1, v5;
	v5 =	vmul.f32 v51, v23  }
0x14a: {  	p1 =	sne.s32 s13, $0x4E00;
	v12 =	vld [tilespmem:s14+$0x0];
	[tilespmem:s25+$0x2870] =	vst v15;
	v54 =	vmul.f32 v6, v45;
	v62 =	vmul.f32 v6, v47;
	v22 =	vadd.f32 v10, v2  }
.Ltmp8:
0x14b: {  	v10 =	vadd.f32 v13, v18;
	v18 =	vmul.f32 v6, v48;
	v13 =	vld [tilespmem:s14+$0x60];
	v21 =	vadd.f32 v1, v5;
	(pc) =	sbr.rel @p1 .LBB2_9-.Ltmp8, $4  }
0x14c: {  	v11 =	vadd.f32 v16, v11;
	v16 =	vmul.f32 v3, v14;
	v14 =	vadd.f32 v22, v9;
	v22 =	vld [tilespmem:$0x1FDD0]  }
0x14d: {  	v2 =	vmul.f32 v56, v25;
	v1 =	vmul.f32 v56, v33;
	v15 =	vadd.f32 v21, v18;
	v21 =	vld [tilespmem:$0x1FDC0]  }
0x14e: {  	v5 =	vmul.f32 v6, v41;
	v3 =	vadd.f32 v11, v17;
	v11 =	vadd.f32 v20, v19;
	v20 =	vld [tilespmem:$0x1FDB0]  }
0x14f: {  	s13 =	sadd.s32 $0x200, s13;
	v9 =	vmul.f32 v56, v39;
	v19 =	vld [tilespmem:$0x1FDA0];
	[tilespmem:s25+$0x2810] =	vst v16;
	s25 =	smov.u32 s14;
	v16 =	vmul.f32 v56, v26  }
0x150: {  	v18 =	vmul.f32 v63, v36;
	v7 =	vadd.f32 v7, v57  }
0x151: {  	v17 =	vmul.f32 v6, v29;
	v4 =	vadd.f32 v10, v4;
	v0 =	vadd.f32 v11, v0  }
0x152: {  	v12 =	vmul.f32 v14, v12;
	v3 =	vadd.f32 v3, v50;
	v47 =	vadd.f32 v18, v60  }
0x153: {  	v48 =	vmul.f32 v51, v44;
	v15 =	vadd.f32 v15, v16;
	v8 =	vadd.f32 v8, v17  }
0x154: {  	v51 =	vmul.f32 v6, v28;
	v7 =	vadd.f32 v7, v61;
	v14 =	vadd.f32 v47, v53  }
0x155: {  	v16 =	vld [tilespmem:s25+$0x30];
	v17 =	vmul.f32 v56, v24;
	v4 =	vadd.f32 v4, v52;
	v0 =	vadd.f32 v0, v55  }
0x156: {  	v56 =	vmul.f32 v6, v30;
	v60 =	vld [tilespmem:s25+$0x10];
	v7 =	vadd.f32 v7, v48;
	v14 =	vadd.f32 v14, v58  }
0x157: {  	v3 =	vadd.f32 v3, v54;
	v8 =	vadd.f32 v8, v17;
	v53 =	vld [tilespmem:s25+$0x20]  }
0x158: {  	v7 =	vadd.f32 v7, v51;
	v58 =	vld [tilespmem:s25+$0x40];
	v6 =	vadd.f32 v14, v56  }
0x159: {  	v57 =	vld [tilespmem:s25+$0x50];
	v13 =	vmul.f32 v13, v15;
	v4 =	vadd.f32 v4, v62;
	v62 =	vadd.f32 v3, v49  }
0x15a: {  	[tilespmem:s25+$0x2800] =	vst v12;
	v8 =	vmul.f32 v16, v8;
	v7 =	vadd.f32 v7, v9;
	v6 =	vadd.f32 v6, v59;
	v59 =	vld [tilespmem:s25+$0x70]  }
0x15b: {  	p1 =	sgt.u32 s12, $0xF7;
	v0 =	vadd.f32 v0, v5;
	[tilespmem:s25+$0x2860] =	vst v13;
	v2 =	vadd.f32 v4, v2;
	v63 =	vmul.f32 v62, v60  }
0x15c: {  	s13 =	smul.u32 @!p1 $0x28, s12;
	[tilespmem:s25+$0x2830] =	vst v8;
	v7 =	vmul.f32 v7, v53  }
0x15d: {  	v0 =	vadd.f32 v0, v1;
	[tilespmem:s25+$0x2810] =	vst v63;
	v61 =	vmul.f32 v58, v2  }
0x15e: {  	s13 =	sadd.s32 @!p1 s13, s17;
	v6 =	vmul.f32 v57, v6;
	[tilespmem:s25+$0x2820] =	vst v7  }
0x15f: {  	s14 =	sshll.u32 @!p1 s13, $0x8;
	[tilespmem:s25+$0x2840] =	vst v61;
	v0 =	vmul.f32 v59, v0  }
0x160: {  	s14 =	sor.u32 @!p1 s8, s14;
	[tilespmem:s25+$0x2850] =	vst v6  }
0x161: {  	s15 =	simm.s32 @!p1 $0x800;
	s14 =	sshrl.u32 @!p1 s14, $0x3;
	[tilespmem:s25+$0x2870] =	vst v0  }
0x162: {  	[spmem:s4] =	stream.indirect.scatter.add.f32 [tilespmem:s21], [sflag:$0x3], $0x80, s28, s3, $0xb8;
	[tilespmem:$0x1C280] =	vst v63  }
0x163: {  	s16 =	simm.s32 @!p1 $0x0;
	s14 =	sadd.s32 @!p1 s1, s14;
	s25 =	simm.s32 @!p1 $0x400  }
0x164: {  	[tilespmem:s16], [sflag:$0x1] =	stream.strided.gather @!p1 [hbm4b:s14+s25], $0x1400, s15, s25, $0x38;
	[tilespmem:$0x1C280] =	vst v63  }
.Ltmp9:
0x165: {  	s14 =	sshll.u32 @!p1 s13, $0x4;
	(pc) =	sbr.rel .LBB2_21-.Ltmp9, $4  }
0x166: {  	s15 =	simm.s32 @!p1 $0x5000;
	s13 =	sshrl.u32 @!p1 s13, $0x3;
	s14 =	sadd.s32 @!p1 s7, s14  }
0x167: {  	[tilespmem:s15], [sflag:$0x1] =	stream.linear.gather @!p1 [hbm4b:s14+s16], $0x1400, $0x38;
	[tilespmem:$0x1C280] =	vst v63  }
0x168: {  	s13 =	sadd.s32 @!p1 s2, s13;
	s14 =	simm.s32 @!p1 $0x7900  }
0x169: {  	[tilespmem:s14], [sflag:$0x1] =	stream.linear.gather @!p1 [hbm4b:s13+s16], $0x28, $0x38;
	[tilespmem:$0x1C280] =	vst v63  }
.LBB2_17:
0x16a: {  	p2 =	seq.s32 s13, $0x2  }
.Ltmp10:
0x16b: {  	_ = 	snop;
	(pc) =	sbr.rel @!p2 .LBB2_18-.Ltmp10, $2  }
0x16c: {  	_ =	sdelay $0x2  }
0x16d: {  	p1 =	slt.u32 s12, $0x2  }
0x16e: {  	_ =	swait.ge [sflag:s0], $0x1400  }
0x16f: {  	[sflag:s0] =	ssyncset.done $0x0  }
0x170: {  	[sflag:s0] =	ssyncadd.s32 $0xFFFFEC00  }
0x171: {  	_ =	swait.ge [sflag:s0], $0x1400  }
0x172: {  	[sflag:s0] =	ssyncset.done $0x0  }
0x173: {  	[sflag:s0] =	ssyncadd.s32 $0xFFFFEC00  }
0x174: {  	_ =	swait.ge [sflag:s0], $0x28  }
0x175: {  	[sflag:s0] =	ssyncset.done $0x0  }
0x176: {  	s13 =	simm.s32 @!p1 $0x3;
	[sflag:s0] =	ssyncadd.s32 $0xFFFFFFD8  }
0x177: {  	_ =	swait.ge @!p1 [sflag:s13], $0x1400  }
0x178: {  	[sflag:s13] =	ssyncset.done @!p1 $0x0  }
0x179: {  	s25 =	simm.s32 $0x0;
	[sflag:s13] =	ssyncadd.s32 @!p1 $0xFFFFEC00  }
0x17a: {  	v1 =	vld [tilespmem:s25+$0x5000];
	_ =	sdelay $0x4  }
0x17b: {  	v0 =	vbroadcast v1, $0x0  }
0x17c: {  	v2 =	vbroadcast v1, $0x2;
	v51 =	vbroadcast v1, $0x3  }
0x17d: {  	v56 =	vbroadcast v1, $0x5;
	v63 =	vbroadcast v1, $0x1  }
0x17e: {  	v3 =	vmul.f32 v0, v19;
	v9 =	vmul.f32 v0, v20  }
0x17f: {  	v53 =	vmul.f32 v2, v44;
	v11 =	vmul.f32 v2, v40  }
0x180: {  	v57 =	vmul.f32 v0, v21;
	v49 =	vmul.f32 v56, v4  }
0x181: {  	v4 =	vmul.f32 v0, v22;
	v10 =	vmul.f32 v0, v27  }
0x182: {  	v60 =	vmul.f32 v0, v28;
	v55 =	vmul.f32 v51, v5  }
0x183: {  	v5 =	vmul.f32 v0, v29;
	v6 =	vmul.f32 v63, v34  }
0x184: {  	v61 =	vmul.f32 v2, v41;
	v8 =	vmul.f32 v63, v8  }
0x185: {  	v16 =	vmul.f32 v0, v30;
	v7 =	vmul.f32 v2, v42;
	v6 =	vadd.f32 v6, v4  }
0x186: {  	v0 =	vmul.f32 v2, v33;
	v3 =	vadd.f32 v8, v3;
	v8 =	vmul.f32 v2, v13  }
0x187: {  	v42 =	vld [tilespmem:$0x1FFC0];
	v13 =	vadd.f32 v6, v7;
	v7 =	vmul.f32 v63, v14;
	v14 =	vmul.f32 v63, v18  }
0x188: {  	v6 =	vbroadcast v1, $0x4;
	v1 =	vadd.f32 v3, v8;
	v3 =	vmul.f32 v51, v37  }
0x189: {  	v33 =	vld [tilespmem:$0x1FD90];
	v4 =	vmul.f32 v2, v32;
	v2 =	vmul.f32 v2, v35;
	v5 =	vadd.f32 v14, v5  }
0x18a: {  	v58 =	vmul.f32 v51, v26;
	v12 =	vmul.f32 v51, v24;
	v41 =	vld [tilespmem:$0x1FD50];
	v3 =	vadd.f32 v1, v3  }
0x18b: {  	v26 =	vld [tilespmem:$0x1FD80];
	v1 =	vadd.f32 v5, v2;
	v2 =	vmul.f32 v51, v23;
	v5 =	vmul.f32 v6, v31  }
0x18c: {  	v52 =	vmul.f32 v51, v25;
	v27 =	vmovc v35;
	v34 =	vld [tilespmem:$0x1FD00];
	v8 =	vadd.f32 v13, v12;
	v12 =	vmul.f32 v56, v42  }
0x18d: {  	v44 =	vld [tilespmem:$0x1FD10];
	v35 =	vmovc v17;
	v13 =	vmul.f32 v63, v17;
	v17 =	vadd.f32 v1, v2;
	v2 =	vadd.f32 v3, v5  }
0x18e: {  	v43 =	vmovc v32;
	v50 =	vmul.f32 v51, v38;
	v59 =	vmul.f32 v56, v46;
	v25 =	vmov v39;
	v28 =	vld [tilespmem:$0x1FD20]  }
0x18f: {  	v32 =	vmovc v15;
	v15 =	vmul.f32 v63, v15;
	v14 =	vadd.f32 v2, v12;
	v2 =	vmul.f32 v56, v39;
	v39 =	vld [tilespmem:$0x1FD60]  }
0x190: {  	v40 =	vmovc v37;
	v29 =	vld [tilespmem:$0x1FD30];
	v37 =	vmov v18;
	v18 =	vmul.f32 v63, v36;
	v54 =	vmul.f32 v6, v45  }
0x191: {  	v30 =	vld [tilespmem:$0x1FD40];
	v10 =	vadd.f32 v13, v10;
	v13 =	vmul.f32 v6, v48;
	v3 =	vadd.f32 v15, v9  }
0x192: {  	v24 =	vld [tilespmem:$0x1FD70];
	v62 =	vmul.f32 v6, v47;
	v1 =	vmul.f32 v56, v33  }
0x193: {  	v5 =	vmul.f32 v6, v41;
	v3 =	vadd.f32 v3, v11;
	v15 =	vadd.f32 v17, v13;
	v13 =	vld [tilespmem:s25+$0x60]  }
0x194: {  	s13 =	simm.s32 $0x200;
	v12 =	vld [tilespmem:s25+$0x0];
	v11 =	vadd.f32 v18, v16;
	v16 =	vmul.f32 v56, v26;
	v9 =	vmul.f32 v56, v39  }
.LBB2_15:
0x195: {  	v17 =	vmul.f32 v6, v29  }
0x196: {  	v7 =	vadd.f32 v7, v57;
	v15 =	vadd.f32 v15, v16  }
0x197: {  	v0 =	vadd.f32 v11, v0;
	v11 =	vmul.f32 v56, v24;
	v8 =	vadd.f32 v8, v17  }
0x198: {  	v7 =	vadd.f32 v7, v61;
	v13 =	vmul.f32 v13, v15;
	v15 =	vmul.f32 v51, v44;
	_ =	sdelay $0x1  }
0x199: {  	v8 =	vadd.f32 v8, v11;
	v11 =	vmul.f32 v6, v28;
	v7 =	vadd.f32 v7, v15  }
0x19a: {  	v15 =	vld [tilespmem:s25+$0x20]  }
0x19b: {  	s14 =	sshra.s32 s13, $0x2;
	v0 =	vadd.f32 v0, v55;
	v7 =	vadd.f32 v7, v11  }
0x19c: {  	v4 =	vadd.f32 v10, v4;
	v10 =	vld [tilespmem:s14+$0x5000]  }
0x19d: {  	v12 =	vmul.f32 v14, v12;
	v14 =	vld [tilespmem:s25+$0x30];
	v0 =	vadd.f32 v0, v5;
	v7 =	vadd.f32 v7, v9;
	_ =	sdelay $0x1  }
0x19e: {  	v18 =	vmul.f32 v63, v34;
	v7 =	vmul.f32 v7, v15;
	v15 =	vadd.f32 v0, v1;
	v0 =	vld [tilespmem:$0x1FEB0];
	_ =	sdelay $0x1  }
0x19f: {  	[tilespmem:s25+$0x2800] =	vst v12;
	v12 =	vadd.f32 v18, v60  }
0x1a0: {  	v8 =	vmul.f32 v14, v8;
	v14 =	vbroadcast v10, $0x2  }
0x1a1: {  	v5 =	vld [tilespmem:$0x1FDF0];
	v12 =	vadd.f32 v12, v53  }
0x1a2: {  	v61 =	vmul.f32 v14, v0;
	v0 =	vld [tilespmem:$0x1FE10]  }
0x1a3: {  	v6 =	vmul.f32 v6, v30;
	v12 =	vadd.f32 v12, v58  }
0x1a4: {  	[tilespmem:s25+$0x2860] =	vst v13;
	v13 =	vbroadcast v10, $0x0  }
0x1a5: {  	v4 =	vadd.f32 v4, v52;
	v6 =	vadd.f32 v12, v6;
	v12 =	vld [tilespmem:$0x1FDE0]  }
0x1a6: {  	v16 =	vmul.f32 v13, v19;
	[tilespmem:s25+$0x2830] =	vst v8;
	v8 =	vld [tilespmem:$0x1FEE0]  }
0x1a7: {  	v60 =	vmul.f32 v13, v5;
	v5 =	vld [tilespmem:$0x1FF70];
	v19 =	vmul.f32 v13, v0;
	v0 =	vadd.f32 v4, v62  }
0x1a8: {  	[tilespmem:s25+$0x2820] =	vst v7;
	v7 =	vld [tilespmem:$0x1FF50]  }
0x1a9: {  	v2 =	vadd.f32 v0, v2;
	v0 =	vld [tilespmem:$0x1FE20]  }
0x1aa: {  	v18 =	vmul.f32 v13, v12;
	v12 =	vld [tilespmem:s25+$0x50]  }
0x1ab: {  	v51 =	vbroadcast v10, $0x3;
	v53 =	vmul.f32 v14, v8;
	v8 =	vld [tilespmem:$0x1FEA0]  }
0x1ac: {  	v63 =	vbroadcast v10, $0x1;
	v11 =	vmul.f32 v13, v20;
	v20 =	vld [tilespmem:s25+$0x70]  }
0x1ad: {  	v1 =	vld [tilespmem:$0x1FE50];
	v6 =	vadd.f32 v6, v59  }
0x1ae: {  	v58 =	vmul.f32 v51, v7;
	v7 =	vmul.f32 v63, v0;
	v0 =	vld [tilespmem:$0x1FF40]  }
0x1af: {  	v55 =	vmul.f32 v51, v5;
	v5 =	vld [tilespmem:$0x1FE00];
	v6 =	vmul.f32 v12, v6  }
0x1b0: {  	v17 =	vmul.f32 v14, v8;
	v8 =	vld [tilespmem:$0x1FFD0]  }
0x1b1: {  	[tilespmem:s25+$0x2850] =	vst v6;
	v6 =	vld [tilespmem:$0x1FE90]  }
0x1b2: {  	v56 =	vbroadcast v10, $0x5;
	v4 =	vld [tilespmem:$0x1FEC0]  }
0x1b3: {  	v57 =	vmul.f32 v13, v21;
	v52 =	vmul.f32 v51, v0;
	v0 =	vld [tilespmem:$0x1FF30]  }
0x1b4: {  	v3 =	vadd.f32 v3, v50;
	v50 =	vmul.f32 v51, v38;
	v1 =	vmul.f32 v63, v1;
	v12 =	vld [tilespmem:s25+$0x40]  }
0x1b5: {  	v9 =	vmul.f32 v56, v8;
	v8 =	vmul.f32 v13, v22  }
0x1b6: {  	v5 =	vmul.f32 v13, v5;
	v13 =	vadd.f32 v7, v16;
	v16 =	vmul.f32 v14, v6;
	v6 =	vld [tilespmem:$0x1FE40]  }
0x1b7: {  	v59 =	vmul.f32 v56, v46;
	v4 =	vmul.f32 v14, v4;
	v1 =	vadd.f32 v1, v8  }
0x1b8: {  	v3 =	vadd.f32 v3, v54;
	v15 =	vmul.f32 v20, v15;
	v8 =	vmul.f32 v51, v0;
	v0 =	vld [tilespmem:$0x1FF00]  }
0x1b9: {  	v20 =	vmul.f32 v63, v36;
	v2 =	vmul.f32 v12, v2;
	v1 =	vadd.f32 v1, v4  }
0x1ba: {  	v3 =	vadd.f32 v3, v49;
	v49 =	vmovc v9;
	v9 =	vmul.f32 v56, v42;
	v4 =	vmul.f32 v14, v43  }
0x1bb: {  	v7 =	vmul.f32 v63, v6;
	v8 =	vadd.f32 v1, v8;
	v1 =	vmul.f32 v63, v37  }
0x1bc: {  	v6 =	vbroadcast v10, $0x4;
	v10 =	vadd.f32 v13, v16;
	v13 =	vmul.f32 v51, v40  }
0x1bd: {  	v1 =	vadd.f32 v1, v5;
	v5 =	vmul.f32 v14, v27;
	v0 =	vmul.f32 v14, v0;
	v14 =	vld [tilespmem:s25+$0x10]  }
0x1be: {  	[tilespmem:s25+$0x2840] =	vst v2;
	v16 =	vmul.f32 v63, v32;
	v10 =	vadd.f32 v10, v13;
	v2 =	vmul.f32 v6, v31  }
0x1bf: {  	v13 =	vmul.f32 v63, v35;
	v1 =	vadd.f32 v1, v5;
	v5 =	vmul.f32 v51, v23  }
0x1c0: {  	p1 =	sne.s32 s13, $0x4E00;
	v12 =	vld [tilespmem:s14+$0x0];
	[tilespmem:s25+$0x2870] =	vst v15;
	v54 =	vmul.f32 v6, v45;
	v62 =	vmul.f32 v6, v47;
	v22 =	vadd.f32 v10, v2  }
.Ltmp11:
0x1c1: {  	v10 =	vadd.f32 v13, v18;
	v18 =	vmul.f32 v6, v48;
	v13 =	vld [tilespmem:s14+$0x60];
	v21 =	vadd.f32 v1, v5;
	(pc) =	sbr.rel @p1 .LBB2_15-.Ltmp11, $4  }
0x1c2: {  	v11 =	vadd.f32 v16, v11;
	v16 =	vmul.f32 v3, v14;
	v14 =	vadd.f32 v22, v9;
	v22 =	vld [tilespmem:$0x1FDD0]  }
0x1c3: {  	v2 =	vmul.f32 v56, v25;
	v1 =	vmul.f32 v56, v33;
	v15 =	vadd.f32 v21, v18;
	v21 =	vld [tilespmem:$0x1FDC0]  }
0x1c4: {  	v5 =	vmul.f32 v6, v41;
	v3 =	vadd.f32 v11, v17;
	v11 =	vadd.f32 v20, v19;
	v20 =	vld [tilespmem:$0x1FDB0]  }
0x1c5: {  	s13 =	sadd.s32 $0x200, s13;
	v9 =	vmul.f32 v56, v39;
	v19 =	vld [tilespmem:$0x1FDA0];
	[tilespmem:s25+$0x2810] =	vst v16;
	s25 =	smov.u32 s14;
	v16 =	vmul.f32 v56, v26  }
0x1c6: {  	v18 =	vmul.f32 v63, v34;
	v7 =	vadd.f32 v7, v57  }
0x1c7: {  	v17 =	vmul.f32 v6, v29;
	v4 =	vadd.f32 v10, v4;
	v0 =	vadd.f32 v11, v0  }
0x1c8: {  	v12 =	vmul.f32 v14, v12;
	v3 =	vadd.f32 v3, v50;
	v47 =	vadd.f32 v18, v60  }
0x1c9: {  	v48 =	vmul.f32 v51, v44;
	v15 =	vadd.f32 v15, v16;
	v8 =	vadd.f32 v8, v17  }
0x1ca: {  	v51 =	vmul.f32 v6, v28;
	v7 =	vadd.f32 v7, v61;
	v14 =	vadd.f32 v47, v53  }
0x1cb: {  	v16 =	vld [tilespmem:s25+$0x30];
	v17 =	vmul.f32 v56, v24;
	v4 =	vadd.f32 v4, v52;
	v0 =	vadd.f32 v0, v55  }
0x1cc: {  	v56 =	vmul.f32 v6, v30;
	v60 =	vld [tilespmem:s25+$0x10];
	v7 =	vadd.f32 v7, v48;
	v14 =	vadd.f32 v14, v58  }
0x1cd: {  	v3 =	vadd.f32 v3, v54;
	v8 =	vadd.f32 v8, v17;
	v53 =	vld [tilespmem:s25+$0x20]  }
0x1ce: {  	v7 =	vadd.f32 v7, v51;
	v58 =	vld [tilespmem:s25+$0x40];
	v6 =	vadd.f32 v14, v56  }
0x1cf: {  	v57 =	vld [tilespmem:s25+$0x50];
	v13 =	vmul.f32 v13, v15;
	v4 =	vadd.f32 v4, v62;
	v62 =	vadd.f32 v3, v49  }
0x1d0: {  	[tilespmem:s25+$0x2800] =	vst v12;
	v8 =	vmul.f32 v16, v8;
	v7 =	vadd.f32 v7, v9;
	v6 =	vadd.f32 v6, v59;
	v59 =	vld [tilespmem:s25+$0x70]  }
0x1d1: {  	p1 =	sgt.u32 s12, $0xF7;
	v0 =	vadd.f32 v0, v5;
	[tilespmem:s25+$0x2860] =	vst v13;
	v2 =	vadd.f32 v4, v2;
	v63 =	vmul.f32 v62, v60  }
0x1d2: {  	s13 =	smul.u32 @!p1 $0x28, s12;
	[tilespmem:s25+$0x2830] =	vst v8;
	v7 =	vmul.f32 v7, v53  }
0x1d3: {  	v0 =	vadd.f32 v0, v1;
	[tilespmem:s25+$0x2810] =	vst v63;
	v61 =	vmul.f32 v58, v2  }
0x1d4: {  	s13 =	sadd.s32 @!p1 s13, s17;
	v6 =	vmul.f32 v57, v6;
	[tilespmem:s25+$0x2820] =	vst v7  }
0x1d5: {  	s14 =	sshll.u32 @!p1 s13, $0x8;
	[tilespmem:s25+$0x2840] =	vst v61;
	v0 =	vmul.f32 v59, v0  }
0x1d6: {  	s14 =	sor.u32 @!p1 s8, s14;
	[tilespmem:s25+$0x2850] =	vst v6  }
0x1d7: {  	s15 =	simm.s32 @!p1 $0x400;
	s14 =	sshrl.u32 @!p1 s14, $0x3;
	[tilespmem:s25+$0x2870] =	vst v0  }
0x1d8: {  	[spmem:s4] =	stream.indirect.scatter.add.f32 [tilespmem:s21], [sflag:$0x3], $0x80, s6, s3, $0xb8;
	[tilespmem:$0x1C280] =	vst v63  }
0x1d9: {  	s16 =	simm.s32 @!p1 $0x800;
	s14 =	sadd.s32 @!p1 s1, s14;
	s25 =	simm.s32 @!p1 $0x0  }
0x1da: {  	[tilespmem:s25], [sflag:$0x1] =	stream.strided.gather @!p1 [hbm4b:s14+s15], $0x1400, s16, s15, $0x38;
	[tilespmem:$0x1C280] =	vst v63  }
.Ltmp12:
0x1db: {  	s14 =	sshll.u32 @!p1 s13, $0x4;
	(pc) =	sbr.rel .LBB2_21-.Ltmp12, $4  }
0x1dc: {  	s15 =	simm.s32 @!p1 $0x5000;
	s13 =	sshrl.u32 @!p1 s13, $0x3;
	s14 =	sadd.s32 @!p1 s7, s14  }
0x1dd: {  	[tilespmem:s15], [sflag:$0x1] =	stream.linear.gather @!p1 [hbm4b:s14+s25], $0x1400, $0x38;
	[tilespmem:$0x1C280] =	vst v63  }
0x1de: {  	s13 =	sadd.s32 @!p1 s2, s13;
	s14 =	simm.s32 @!p1 $0x7800  }
0x1df: {  	[tilespmem:s14], [sflag:$0x1] =	stream.linear.gather @!p1 [hbm4b:s13+s25], $0x28, $0x38;
	[tilespmem:$0x1C280] =	vst v63  }
.LBB2_11:
0x1e0: {  	_ =	swait.ge [sflag:s5], $0x1400  }
0x1e1: {  	[sflag:s5] =	ssyncset.done $0x0  }
0x1e2: {  	[sflag:s5] =	ssyncadd.s32 $0xFFFFEC00  }
0x1e3: {  	_ =	swait.ge [sflag:s5], $0x1400  }
0x1e4: {  	[sflag:s5] =	ssyncset.done $0x0  }
0x1e5: {  	[sflag:s5] =	ssyncadd.s32 $0xFFFFEC00  }
0x1e6: {  	_ =	swait.ge [sflag:s5], $0x28  }
0x1e7: {  	p1 =	slt.u32 s12, $0x2;
	[sflag:s5] =	ssyncset.done $0x0  }
0x1e8: {  	s13 =	simm.s32 @!p1 $0x4;
	[sflag:s5] =	ssyncadd.s32 $0xFFFFFFD8  }
0x1e9: {  	_ =	swait.ge @!p1 [sflag:s13], $0x1400  }
0x1ea: {  	[sflag:s13] =	ssyncset.done @!p1 $0x0  }
0x1eb: {  	s25 =	simm.s32 $0x0;
	[sflag:s13] =	ssyncadd.s32 @!p1 $0xFFFFEC00  }
0x1ec: {  	v1 =	vld [tilespmem:s25+$0x6400];
	_ =	sdelay $0x4  }
0x1ed: {  	v0 =	vbroadcast v1, $0x0  }
0x1ee: {  	v2 =	vbroadcast v1, $0x2;
	v51 =	vbroadcast v1, $0x3  }
0x1ef: {  	v56 =	vbroadcast v1, $0x5;
	v63 =	vbroadcast v1, $0x1  }
0x1f0: {  	v3 =	vmul.f32 v0, v19;
	v9 =	vmul.f32 v0, v20  }
0x1f1: {  	v53 =	vmul.f32 v2, v44;
	v11 =	vmul.f32 v2, v40  }
0x1f2: {  	v57 =	vmul.f32 v0, v21;
	v49 =	vmul.f32 v56, v4  }
0x1f3: {  	v4 =	vmul.f32 v0, v22;
	v10 =	vmul.f32 v0, v27  }
0x1f4: {  	v60 =	vmul.f32 v0, v28;
	v55 =	vmul.f32 v51, v5  }
0x1f5: {  	v5 =	vmul.f32 v0, v29;
	v6 =	vmul.f32 v63, v34  }
0x1f6: {  	v61 =	vmul.f32 v2, v41;
	v8 =	vmul.f32 v63, v8  }
0x1f7: {  	v16 =	vmul.f32 v0, v30;
	v7 =	vmul.f32 v2, v42;
	v6 =	vadd.f32 v6, v4  }
0x1f8: {  	v0 =	vmul.f32 v2, v33;
	v3 =	vadd.f32 v8, v3;
	v8 =	vmul.f32 v2, v13  }
0x1f9: {  	v13 =	vadd.f32 v6, v7;
	v7 =	vmul.f32 v63, v14;
	v14 =	vmul.f32 v63, v18  }
0x1fa: {  	v6 =	vbroadcast v1, $0x4;
	v1 =	vadd.f32 v3, v8;
	v3 =	vmul.f32 v51, v37  }
0x1fb: {  	v33 =	vld [tilespmem:$0x1FD90];
	v4 =	vmul.f32 v2, v32;
	v2 =	vmul.f32 v2, v35;
	v5 =	vadd.f32 v14, v5  }
0x1fc: {  	v58 =	vmul.f32 v51, v26;
	v12 =	vmul.f32 v51, v24;
	v41 =	vld [tilespmem:$0x1FD50];
	v3 =	vadd.f32 v1, v3  }
0x1fd: {  	v42 =	vmovc v43;
	v26 =	vld [tilespmem:$0x1FD80];
	v1 =	vadd.f32 v5, v2;
	v2 =	vmul.f32 v51, v23;
	v5 =	vmul.f32 v6, v31  }
0x1fe: {  	v52 =	vmul.f32 v51, v25;
	v27 =	vmovc v35;
	v44 =	vld [tilespmem:$0x1FD10];
	v8 =	vadd.f32 v13, v12;
	v12 =	vmul.f32 v56, v42  }
0x1ff: {  	v28 =	vld [tilespmem:$0x1FD20];
	v35 =	vmovc v17;
	v13 =	vmul.f32 v63, v17;
	v17 =	vadd.f32 v1, v2;
	v2 =	vadd.f32 v3, v5  }
0x200: {  	v50 =	vmul.f32 v51, v38;
	v59 =	vmul.f32 v56, v46;
	v43 =	vmovc v32;
	v25 =	vmov v39;
	v29 =	vld [tilespmem:$0x1FD30]  }
0x201: {  	v32 =	vmovc v15;
	v15 =	vmul.f32 v63, v15;
	v14 =	vadd.f32 v2, v12;
	v2 =	vmul.f32 v56, v39;
	v39 =	vld [tilespmem:$0x1FD60]  }
0x202: {  	v40 =	vmovc v37;
	v30 =	vld [tilespmem:$0x1FD40];
	v37 =	vmov v18;
	v18 =	vmul.f32 v63, v36;
	v54 =	vmul.f32 v6, v45  }
0x203: {  	v24 =	vld [tilespmem:$0x1FD70];
	v10 =	vadd.f32 v13, v10;
	v13 =	vmul.f32 v6, v48;
	v3 =	vadd.f32 v15, v9  }
0x204: {  	v34 =	vmovc v48;
	v62 =	vmul.f32 v6, v47;
	v48 =	vmov v38;
	v38 =	vld [tilespmem:$0x1FD00];
	v1 =	vmul.f32 v56, v33  }
0x205: {  	v5 =	vmul.f32 v6, v41;
	v3 =	vadd.f32 v3, v11;
	v15 =	vadd.f32 v17, v13;
	v13 =	vld [tilespmem:s25+$0x1460]  }
0x206: {  	s13 =	simm.s32 $0x200;
	v12 =	vld [tilespmem:s25+$0x1400];
	v11 =	vadd.f32 v18, v16;
	v16 =	vmul.f32 v56, v26;
	v9 =	vmul.f32 v56, v39  }
.LBB2_12:
0x207: {  	v17 =	vmul.f32 v6, v29  }
0x208: {  	v7 =	vadd.f32 v7, v57;
	v15 =	vadd.f32 v15, v16  }
0x209: {  	v0 =	vadd.f32 v11, v0;
	v11 =	vmul.f32 v56, v24;
	v8 =	vadd.f32 v8, v17  }
0x20a: {  	v7 =	vadd.f32 v7, v61;
	v13 =	vmul.f32 v13, v15;
	v15 =	vmul.f32 v51, v44;
	_ =	sdelay $0x1  }
0x20b: {  	v8 =	vadd.f32 v8, v11;
	v11 =	vmul.f32 v6, v28;
	v7 =	vadd.f32 v7, v15  }
0x20c: {  	v15 =	vld [tilespmem:s25+$0x1420]  }
0x20d: {  	s14 =	sshra.s32 s13, $0x2;
	v0 =	vadd.f32 v0, v55;
	v7 =	vadd.f32 v7, v11  }
0x20e: {  	v4 =	vadd.f32 v10, v4;
	v10 =	vld [tilespmem:s14+$0x6400]  }
0x20f: {  	v12 =	vmul.f32 v14, v12;
	v14 =	vld [tilespmem:s25+$0x1430];
	v0 =	vadd.f32 v0, v5;
	v7 =	vadd.f32 v7, v9;
	_ =	sdelay $0x1  }
0x210: {  	v18 =	vmul.f32 v63, v38;
	v7 =	vmul.f32 v7, v15;
	v15 =	vadd.f32 v0, v1;
	v0 =	vld [tilespmem:$0x1FEB0];
	_ =	sdelay $0x1  }
0x211: {  	[tilespmem:s25+$0x3C00] =	vst v12;
	v12 =	vadd.f32 v18, v60  }
0x212: {  	v8 =	vmul.f32 v14, v8;
	v14 =	vbroadcast v10, $0x2  }
0x213: {  	v5 =	vld [tilespmem:$0x1FDF0];
	v12 =	vadd.f32 v12, v53  }
0x214: {  	v61 =	vmul.f32 v14, v0;
	v0 =	vld [tilespmem:$0x1FE10]  }
0x215: {  	v6 =	vmul.f32 v6, v30;
	v12 =	vadd.f32 v12, v58  }
0x216: {  	[tilespmem:s25+$0x3C60] =	vst v13;
	v13 =	vbroadcast v10, $0x0  }
0x217: {  	v4 =	vadd.f32 v4, v52;
	v6 =	vadd.f32 v12, v6;
	v12 =	vld [tilespmem:$0x1FDE0]  }
0x218: {  	v16 =	vmul.f32 v13, v19;
	[tilespmem:s25+$0x3C30] =	vst v8;
	v8 =	vld [tilespmem:$0x1FEE0]  }
0x219: {  	v60 =	vmul.f32 v13, v5;
	v5 =	vld [tilespmem:$0x1FF70];
	v19 =	vmul.f32 v13, v0;
	v0 =	vadd.f32 v4, v62  }
0x21a: {  	[tilespmem:s25+$0x3C20] =	vst v7;
	v7 =	vld [tilespmem:$0x1FF50]  }
0x21b: {  	v2 =	vadd.f32 v0, v2;
	v0 =	vld [tilespmem:$0x1FE20]  }
0x21c: {  	v18 =	vmul.f32 v13, v12;
	v12 =	vld [tilespmem:s25+$0x1450]  }
0x21d: {  	v51 =	vbroadcast v10, $0x3;
	v53 =	vmul.f32 v14, v8;
	v8 =	vld [tilespmem:$0x1FEA0]  }
0x21e: {  	v63 =	vbroadcast v10, $0x1;
	v11 =	vmul.f32 v13, v20;
	v20 =	vld [tilespmem:s25+$0x1470]  }
0x21f: {  	v1 =	vld [tilespmem:$0x1FE50];
	v6 =	vadd.f32 v6, v59  }
0x220: {  	v58 =	vmul.f32 v51, v7;
	v7 =	vmul.f32 v63, v0;
	v0 =	vld [tilespmem:$0x1FF40]  }
0x221: {  	v55 =	vmul.f32 v51, v5;
	v5 =	vld [tilespmem:$0x1FE00];
	v6 =	vmul.f32 v12, v6  }
0x222: {  	v17 =	vmul.f32 v14, v8;
	v8 =	vld [tilespmem:$0x1FFD0]  }
0x223: {  	[tilespmem:s25+$0x3C50] =	vst v6;
	v6 =	vld [tilespmem:$0x1FE90]  }
0x224: {  	v56 =	vbroadcast v10, $0x5;
	v4 =	vld [tilespmem:$0x1FEC0]  }
0x225: {  	v57 =	vmul.f32 v13, v21;
	v52 =	vmul.f32 v51, v0;
	v0 =	vld [tilespmem:$0x1FF30]  }
0x226: {  	v3 =	vadd.f32 v3, v50;
	v50 =	vmul.f32 v51, v48;
	v1 =	vmul.f32 v63, v1;
	v12 =	vld [tilespmem:s25+$0x1440]  }
0x227: {  	v9 =	vmul.f32 v56, v8;
	v8 =	vmul.f32 v13, v22  }
0x228: {  	v5 =	vmul.f32 v13, v5;
	v13 =	vadd.f32 v7, v16;
	v16 =	vmul.f32 v14, v6;
	v6 =	vld [tilespmem:$0x1FE40]  }
0x229: {  	v59 =	vmul.f32 v56, v46;
	v4 =	vmul.f32 v14, v4;
	v1 =	vadd.f32 v1, v8  }
0x22a: {  	v3 =	vadd.f32 v3, v54;
	v15 =	vmul.f32 v20, v15;
	v8 =	vmul.f32 v51, v0;
	v0 =	vld [tilespmem:$0x1FF00]  }
0x22b: {  	v20 =	vmul.f32 v63, v36;
	v2 =	vmul.f32 v12, v2;
	v1 =	vadd.f32 v1, v4  }
0x22c: {  	v3 =	vadd.f32 v3, v49;
	v49 =	vmovc v9;
	v9 =	vmul.f32 v56, v42;
	v4 =	vmul.f32 v14, v43  }
0x22d: {  	v7 =	vmul.f32 v63, v6;
	v8 =	vadd.f32 v1, v8;
	v1 =	vmul.f32 v63, v37  }
0x22e: {  	v6 =	vbroadcast v10, $0x4;
	v10 =	vadd.f32 v13, v16;
	v13 =	vmul.f32 v51, v40  }
0x22f: {  	v1 =	vadd.f32 v1, v5;
	v5 =	vmul.f32 v14, v27;
	v0 =	vmul.f32 v14, v0;
	v14 =	vld [tilespmem:s25+$0x1410]  }
0x230: {  	[tilespmem:s25+$0x3C40] =	vst v2;
	v16 =	vmul.f32 v63, v32;
	v10 =	vadd.f32 v10, v13;
	v2 =	vmul.f32 v6, v31  }
0x231: {  	v13 =	vmul.f32 v63, v35;
	v1 =	vadd.f32 v1, v5;
	v5 =	vmul.f32 v51, v23  }
0x232: {  	p1 =	sne.s32 s13, $0x4E00;
	v12 =	vld [tilespmem:s14+$0x1400];
	[tilespmem:s25+$0x3C70] =	vst v15;
	v54 =	vmul.f32 v6, v45;
	v62 =	vmul.f32 v6, v47;
	v22 =	vadd.f32 v10, v2  }
.Ltmp13:
0x233: {  	v10 =	vadd.f32 v13, v18;
	v18 =	vmul.f32 v6, v34;
	v13 =	vld [tilespmem:s14+$0x1460];
	v21 =	vadd.f32 v1, v5;
	(pc) =	sbr.rel @p1 .LBB2_12-.Ltmp13, $4  }
0x234: {  	v11 =	vadd.f32 v16, v11;
	v16 =	vmul.f32 v3, v14;
	v14 =	vadd.f32 v22, v9;
	v22 =	vld [tilespmem:$0x1FDD0]  }
0x235: {  	v2 =	vmul.f32 v56, v25;
	v1 =	vmul.f32 v56, v33;
	v15 =	vadd.f32 v21, v18;
	v21 =	vld [tilespmem:$0x1FDC0]  }
0x236: {  	v5 =	vmul.f32 v6, v41;
	v3 =	vadd.f32 v11, v17;
	v11 =	vadd.f32 v20, v19;
	v20 =	vld [tilespmem:$0x1FDB0]  }
0x237: {  	s13 =	sadd.s32 $0x200, s13;
	v9 =	vmul.f32 v56, v39;
	v19 =	vld [tilespmem:$0x1FDA0];
	[tilespmem:s25+$0x3C10] =	vst v16;
	s25 =	smov.u32 s14;
	v16 =	vmul.f32 v56, v26  }
0x238: {  	v18 =	vmul.f32 v63, v38;
	v7 =	vadd.f32 v7, v57  }
0x239: {  	v17 =	vmul.f32 v6, v29;
	v4 =	vadd.f32 v10, v4;
	v0 =	vadd.f32 v11, v0  }
0x23a: {  	v12 =	vmul.f32 v14, v12;
	v3 =	vadd.f32 v3, v50;
	v47 =	vadd.f32 v18, v60  }
0x23b: {  	v48 =	vmul.f32 v51, v44;
	v15 =	vadd.f32 v15, v16;
	v8 =	vadd.f32 v8, v17  }
0x23c: {  	v51 =	vmul.f32 v6, v28;
	v7 =	vadd.f32 v7, v61;
	v14 =	vadd.f32 v47, v53  }
0x23d: {  	v16 =	vld [tilespmem:s25+$0x1430];
	v17 =	vmul.f32 v56, v24;
	v4 =	vadd.f32 v4, v52;
	v0 =	vadd.f32 v0, v55  }
0x23e: {  	v56 =	vmul.f32 v6, v30;
	v60 =	vld [tilespmem:s25+$0x1410];
	v7 =	vadd.f32 v7, v48;
	v14 =	vadd.f32 v14, v58  }
0x23f: {  	v3 =	vadd.f32 v3, v54;
	v8 =	vadd.f32 v8, v17;
	v53 =	vld [tilespmem:s25+$0x1420]  }
0x240: {  	v7 =	vadd.f32 v7, v51;
	v58 =	vld [tilespmem:s25+$0x1440];
	v6 =	vadd.f32 v14, v56  }
0x241: {  	v57 =	vld [tilespmem:s25+$0x1450];
	v13 =	vmul.f32 v13, v15;
	v4 =	vadd.f32 v4, v62;
	v62 =	vadd.f32 v3, v49  }
0x242: {  	[tilespmem:s25+$0x3C00] =	vst v12;
	v8 =	vmul.f32 v16, v8;
	v7 =	vadd.f32 v7, v9;
	v6 =	vadd.f32 v6, v59;
	v59 =	vld [tilespmem:s25+$0x1470]  }
0x243: {  	p1 =	sgt.u32 s12, $0xF7;
	v0 =	vadd.f32 v0, v5;
	[tilespmem:s25+$0x3C60] =	vst v13;
	v2 =	vadd.f32 v4, v2;
	v63 =	vmul.f32 v62, v60  }
0x244: {  	s13 =	smul.u32 @!p1 $0x28, s12;
	[tilespmem:s25+$0x3C30] =	vst v8;
	v7 =	vmul.f32 v7, v53  }
0x245: {  	v0 =	vadd.f32 v0, v1;
	[tilespmem:s25+$0x3C10] =	vst v63;
	v61 =	vmul.f32 v58, v2  }
0x246: {  	s13 =	sadd.s32 @!p1 s13, s17;
	v6 =	vmul.f32 v57, v6;
	[tilespmem:s25+$0x3C20] =	vst v7  }
0x247: {  	s14 =	sshll.u32 @!p1 s13, $0x8;
	[tilespmem:s25+$0x3C40] =	vst v61;
	v0 =	vmul.f32 v59, v0  }
0x248: {  	s14 =	sor.u32 @!p1 s8, s14;
	[tilespmem:s25+$0x3C50] =	vst v6  }
0x249: {  	s15 =	simm.s32 @!p1 $0x400;
	s14 =	sshrl.u32 @!p1 s14, $0x3;
	[tilespmem:s25+$0x3C70] =	vst v0  }
0x24a: {  	[spmem:s4] =	stream.indirect.scatter.add.f32 [tilespmem:s26], [sflag:$0x4], $0x80, s31, s3, $0xb8;
	[tilespmem:$0x1C280] =	vst v63  }
0x24b: {  	s16 =	simm.s32 @!p1 $0x800;
	s14 =	sadd.s32 @!p1 s1, s14;
	s25 =	simm.s32 @!p1 $0x1400  }
0x24c: {  	[tilespmem:s25], [sflag:$0x2] =	stream.strided.gather @!p1 [hbm4b:s14+s15], $0x1400, s16, s15, $0x38;
	[tilespmem:$0x1C280] =	vst v63  }
.Ltmp14:
0x24d: {  	s14 =	sshll.u32 @!p1 s13, $0x4;
	s15 =	simm.s32 @!p1 $0x0;
	(pc) =	sbr.rel .LBB2_21-.Ltmp14, $4  }
0x24e: {  	s16 =	simm.s32 @!p1 $0x6400;
	s13 =	sshrl.u32 @!p1 s13, $0x3;
	s14 =	sadd.s32 @!p1 s7, s14  }
0x24f: {  	[tilespmem:s16], [sflag:$0x2] =	stream.linear.gather @!p1 [hbm4b:s14+s15], $0x1400, $0x38;
	[tilespmem:$0x1C280] =	vst v63  }
0x250: {  	s13 =	sadd.s32 @!p1 s2, s13;
	s14 =	simm.s32 @!p1 $0x7980  }
0x251: {  	[tilespmem:s14], [sflag:$0x2] =	stream.linear.gather @!p1 [hbm4b:s13+s15], $0x28, $0x38;
	[tilespmem:$0x1C280] =	vst v63  }
.LBB2_18:
0x252: {  	_ =	swait.ge [sflag:s5], $0x1400  }
0x253: {  	[sflag:s5] =	ssyncset.done $0x0  }
0x254: {  	[sflag:s5] =	ssyncadd.s32 $0xFFFFEC00  }
0x255: {  	_ =	swait.ge [sflag:s5], $0x1400  }
0x256: {  	[sflag:s5] =	ssyncset.done $0x0  }
0x257: {  	[sflag:s5] =	ssyncadd.s32 $0xFFFFEC00  }
0x258: {  	_ =	swait.ge [sflag:s5], $0x28  }
0x259: {  	[sflag:s5] =	ssyncset.done $0x0  }
0x25a: {  	s13 =	simm.s32 @!p1 $0x4;
	[sflag:s5] =	ssyncadd.s32 $0xFFFFFFD8  }
0x25b: {  	_ =	swait.ge @!p1 [sflag:s13], $0x1400  }
0x25c: {  	[sflag:s13] =	ssyncset.done @!p1 $0x0  }
0x25d: {  	s25 =	simm.s32 $0x0;
	[sflag:s13] =	ssyncadd.s32 @!p1 $0xFFFFEC00  }
0x25e: {  	v1 =	vld [tilespmem:s25+$0x6400];
	_ =	sdelay $0x4  }
0x25f: {  	v0 =	vbroadcast v1, $0x0  }
0x260: {  	v2 =	vbroadcast v1, $0x2;
	v51 =	vbroadcast v1, $0x3  }
0x261: {  	v56 =	vbroadcast v1, $0x5;
	v63 =	vbroadcast v1, $0x1  }
0x262: {  	v3 =	vmul.f32 v0, v19;
	v9 =	vmul.f32 v0, v20  }
0x263: {  	v53 =	vmul.f32 v2, v44;
	v11 =	vmul.f32 v2, v40  }
0x264: {  	v57 =	vmul.f32 v0, v21;
	v49 =	vmul.f32 v56, v4  }
0x265: {  	v4 =	vmul.f32 v0, v22;
	v10 =	vmul.f32 v0, v27  }
0x266: {  	v60 =	vmul.f32 v0, v28;
	v55 =	vmul.f32 v51, v5  }
0x267: {  	v5 =	vmul.f32 v0, v29;
	v6 =	vmul.f32 v63, v34  }
0x268: {  	v61 =	vmul.f32 v2, v41;
	v8 =	vmul.f32 v63, v8  }
0x269: {  	v16 =	vmul.f32 v0, v30;
	v7 =	vmul.f32 v2, v42;
	v6 =	vadd.f32 v6, v4  }
0x26a: {  	v0 =	vmul.f32 v2, v33;
	v3 =	vadd.f32 v8, v3;
	v8 =	vmul.f32 v2, v13  }
0x26b: {  	v42 =	vld [tilespmem:$0x1FFC0];
	v13 =	vadd.f32 v6, v7;
	v7 =	vmul.f32 v63, v14;
	v14 =	vmul.f32 v63, v18  }
0x26c: {  	v6 =	vbroadcast v1, $0x4;
	v1 =	vadd.f32 v3, v8;
	v3 =	vmul.f32 v51, v37  }
0x26d: {  	v33 =	vld [tilespmem:$0x1FD90];
	v4 =	vmul.f32 v2, v32;
	v2 =	vmul.f32 v2, v35;
	v5 =	vadd.f32 v14, v5  }
0x26e: {  	v58 =	vmul.f32 v51, v26;
	v12 =	vmul.f32 v51, v24;
	v41 =	vld [tilespmem:$0x1FD50];
	v3 =	vadd.f32 v1, v3  }
0x26f: {  	v26 =	vld [tilespmem:$0x1FD80];
	v1 =	vadd.f32 v5, v2;
	v2 =	vmul.f32 v51, v23;
	v5 =	vmul.f32 v6, v31  }
0x270: {  	v52 =	vmul.f32 v51, v25;
	v27 =	vmovc v35;
	v44 =	vld [tilespmem:$0x1FD10];
	v8 =	vadd.f32 v13, v12;
	v12 =	vmul.f32 v56, v42  }
0x271: {  	v28 =	vld [tilespmem:$0x1FD20];
	v35 =	vmovc v17;
	v13 =	vmul.f32 v63, v17;
	v17 =	vadd.f32 v1, v2;
	v2 =	vadd.f32 v3, v5  }
0x272: {  	v43 =	vmovc v32;
	v50 =	vmul.f32 v51, v38;
	v59 =	vmul.f32 v56, v46;
	v25 =	vmov v39;
	v29 =	vld [tilespmem:$0x1FD30]  }
0x273: {  	v32 =	vmovc v15;
	v15 =	vmul.f32 v63, v15;
	v14 =	vadd.f32 v2, v12;
	v2 =	vmul.f32 v56, v39;
	v39 =	vld [tilespmem:$0x1FD60]  }
0x274: {  	v40 =	vmovc v37;
	v30 =	vld [tilespmem:$0x1FD40];
	v37 =	vmov v18;
	v18 =	vmul.f32 v63, v36;
	v54 =	vmul.f32 v6, v45  }
0x275: {  	v24 =	vld [tilespmem:$0x1FD70];
	v10 =	vadd.f32 v13, v10;
	v13 =	vmul.f32 v6, v48;
	v3 =	vadd.f32 v15, v9  }
0x276: {  	v34 =	vmovc v48;
	v62 =	vmul.f32 v6, v47;
	v48 =	vmovc v38;
	v38 =	vmov v36;
	v36 =	vld [tilespmem:$0x1FD00];
	v1 =	vmul.f32 v56, v33  }
0x277: {  	v5 =	vmul.f32 v6, v41;
	v3 =	vadd.f32 v3, v11;
	v15 =	vadd.f32 v17, v13;
	v13 =	vld [tilespmem:s25+$0x1460]  }
0x278: {  	s13 =	simm.s32 $0x200;
	v12 =	vld [tilespmem:s25+$0x1400];
	v11 =	vadd.f32 v18, v16;
	v16 =	vmul.f32 v56, v26;
	v9 =	vmul.f32 v56, v39  }
.LBB2_19:
0x279: {  	v17 =	vmul.f32 v6, v29  }
0x27a: {  	v15 =	vadd.f32 v15, v16;
	v7 =	vadd.f32 v7, v57  }
0x27b: {  	v0 =	vadd.f32 v11, v0;
	v11 =	vmul.f32 v56, v24;
	v8 =	vadd.f32 v8, v17  }
0x27c: {  	v13 =	vmul.f32 v13, v15;
	v7 =	vadd.f32 v7, v61;
	v15 =	vmul.f32 v51, v44;
	_ =	sdelay $0x1  }
0x27d: {  	v8 =	vadd.f32 v8, v11;
	v11 =	vmul.f32 v6, v28;
	v7 =	vadd.f32 v7, v15  }
0x27e: {  	v15 =	vld [tilespmem:s25+$0x1420]  }
0x27f: {  	v0 =	vadd.f32 v0, v55;
	v7 =	vadd.f32 v7, v11  }
0x280: {  	s14 =	sshra.s32 s13, $0x2;
	v12 =	vmul.f32 v14, v12;
	v14 =	vld [tilespmem:s25+$0x1430];
	v4 =	vadd.f32 v10, v4  }
0x281: {  	v10 =	vld [tilespmem:s14+$0x6400];
	v0 =	vadd.f32 v0, v5;
	v7 =	vadd.f32 v7, v9;
	_ =	sdelay $0x1  }
0x282: {  	v18 =	vmul.f32 v63, v36;
	v7 =	vmul.f32 v7, v15;
	v15 =	vadd.f32 v0, v1;
	v0 =	vld [tilespmem:$0x1FEB0];
	_ =	sdelay $0x1  }
0x283: {  	[tilespmem:s25+$0x3C00] =	vst v12;
	v12 =	vadd.f32 v18, v60  }
0x284: {  	v8 =	vmul.f32 v14, v8;
	v14 =	vbroadcast v10, $0x2  }
0x285: {  	v12 =	vadd.f32 v12, v53;
	v5 =	vld [tilespmem:$0x1FDF0]  }
0x286: {  	v61 =	vmul.f32 v14, v0;
	v0 =	vld [tilespmem:$0x1FE10]  }
0x287: {  	v6 =	vmul.f32 v6, v30;
	v12 =	vadd.f32 v12, v58  }
0x288: {  	[tilespmem:s25+$0x3C60] =	vst v13;
	v13 =	vbroadcast v10, $0x0  }
0x289: {  	v4 =	vadd.f32 v4, v52;
	v6 =	vadd.f32 v12, v6;
	v12 =	vld [tilespmem:$0x1FDE0]  }
0x28a: {  	v16 =	vmul.f32 v13, v19;
	[tilespmem:s25+$0x3C30] =	vst v8;
	v8 =	vld [tilespmem:$0x1FEE0]  }
0x28b: {  	v60 =	vmul.f32 v13, v5;
	v5 =	vld [tilespmem:$0x1FF70];
	v19 =	vmul.f32 v13, v0;
	v0 =	vadd.f32 v4, v62  }
0x28c: {  	[tilespmem:s25+$0x3C20] =	vst v7;
	v7 =	vld [tilespmem:$0x1FF50]  }
0x28d: {  	v2 =	vadd.f32 v0, v2;
	v0 =	vld [tilespmem:$0x1FE20]  }
0x28e: {  	v18 =	vmul.f32 v13, v12;
	v12 =	vld [tilespmem:s25+$0x1450]  }
0x28f: {  	v51 =	vbroadcast v10, $0x3;
	v53 =	vmul.f32 v14, v8;
	v8 =	vld [tilespmem:$0x1FEA0]  }
0x290: {  	v63 =	vbroadcast v10, $0x1;
	v11 =	vmul.f32 v13, v20;
	v20 =	vld [tilespmem:s25+$0x1470]  }
0x291: {  	v6 =	vadd.f32 v6, v59;
	v1 =	vld [tilespmem:$0x1FE50]  }
0x292: {  	v58 =	vmul.f32 v51, v7;
	v7 =	vmul.f32 v63, v0;
	v0 =	vld [tilespmem:$0x1FF40]  }
0x293: {  	v55 =	vmul.f32 v51, v5;
	v5 =	vld [tilespmem:$0x1FE00];
	v6 =	vmul.f32 v12, v6  }
0x294: {  	v17 =	vmul.f32 v14, v8;
	v8 =	vld [tilespmem:$0x1FFD0]  }
0x295: {  	[tilespmem:s25+$0x3C50] =	vst v6;
	v6 =	vld [tilespmem:$0x1FE90]  }
0x296: {  	v56 =	vbroadcast v10, $0x5;
	v4 =	vld [tilespmem:$0x1FEC0]  }
0x297: {  	v57 =	vmul.f32 v13, v21;
	v52 =	vmul.f32 v51, v0;
	v0 =	vld [tilespmem:$0x1FF30]  }
0x298: {  	v3 =	vadd.f32 v3, v50;
	v50 =	vmul.f32 v51, v48;
	v1 =	vmul.f32 v63, v1;
	v12 =	vld [tilespmem:s25+$0x1440]  }
0x299: {  	v9 =	vmul.f32 v56, v8;
	v8 =	vmul.f32 v13, v22  }
0x29a: {  	v5 =	vmul.f32 v13, v5;
	v13 =	vadd.f32 v7, v16;
	v16 =	vmul.f32 v14, v6;
	v6 =	vld [tilespmem:$0x1FE40]  }
0x29b: {  	v59 =	vmul.f32 v56, v46;
	v4 =	vmul.f32 v14, v4;
	v1 =	vadd.f32 v1, v8  }
0x29c: {  	v3 =	vadd.f32 v3, v54;
	v15 =	vmul.f32 v20, v15;
	v8 =	vmul.f32 v51, v0;
	v0 =	vld [tilespmem:$0x1FF00]  }
0x29d: {  	v20 =	vmul.f32 v63, v38;
	v2 =	vmul.f32 v12, v2;
	v1 =	vadd.f32 v1, v4  }
0x29e: {  	v3 =	vadd.f32 v3, v49;
	v49 =	vmovc v9;
	v9 =	vmul.f32 v56, v42;
	v4 =	vmul.f32 v14, v43  }
0x29f: {  	v7 =	vmul.f32 v63, v6;
	v8 =	vadd.f32 v1, v8;
	v1 =	vmul.f32 v63, v37  }
0x2a0: {  	v6 =	vbroadcast v10, $0x4;
	v10 =	vadd.f32 v13, v16;
	v13 =	vmul.f32 v51, v40  }
0x2a1: {  	v1 =	vadd.f32 v1, v5;
	v5 =	vmul.f32 v14, v27;
	v0 =	vmul.f32 v14, v0;
	v14 =	vld [tilespmem:s25+$0x1410]  }
0x2a2: {  	[tilespmem:s25+$0x3C40] =	vst v2;
	v16 =	vmul.f32 v63, v32;
	v10 =	vadd.f32 v10, v13;
	v2 =	vmul.f32 v6, v31  }
0x2a3: {  	v13 =	vmul.f32 v63, v35;
	v1 =	vadd.f32 v1, v5;
	v5 =	vmul.f32 v51, v23  }
0x2a4: {  	p1 =	sne.s32 s13, $0x4E00;
	v12 =	vld [tilespmem:s14+$0x1400];
	[tilespmem:s25+$0x3C70] =	vst v15;
	v54 =	vmul.f32 v6, v45;
	v62 =	vmul.f32 v6, v47;
	v22 =	vadd.f32 v10, v2  }
.Ltmp15:
0x2a5: {  	v10 =	vadd.f32 v13, v18;
	v18 =	vmul.f32 v6, v34;
	v13 =	vld [tilespmem:s14+$0x1460];
	v21 =	vadd.f32 v1, v5;
	(pc) =	sbr.rel @p1 .LBB2_19-.Ltmp15, $4  }
0x2a6: {  	v11 =	vadd.f32 v16, v11;
	v16 =	vmul.f32 v3, v14;
	v14 =	vadd.f32 v22, v9;
	v22 =	vld [tilespmem:$0x1FDD0]  }
0x2a7: {  	v2 =	vmul.f32 v56, v25;
	v1 =	vmul.f32 v56, v33;
	v15 =	vadd.f32 v21, v18;
	v21 =	vld [tilespmem:$0x1FDC0]  }
0x2a8: {  	v5 =	vmul.f32 v6, v41;
	v3 =	vadd.f32 v11, v17;
	v11 =	vadd.f32 v20, v19;
	v20 =	vld [tilespmem:$0x1FDB0]  }
0x2a9: {  	s13 =	sadd.s32 $0x200, s13;
	v9 =	vmul.f32 v56, v39;
	v19 =	vld [tilespmem:$0x1FDA0];
	[tilespmem:s25+$0x3C10] =	vst v16;
	s25 =	smov.u32 s14;
	v16 =	vmul.f32 v56, v26  }
.Ltmp16:
0x2aa: {  	_ = 	snop;
	(pc) =	sbr.rel .LBB2_20-.Ltmp16, $1  }
0x2ab: {  	_ =	sdelay $0x3  }
.LBB2_23:
0x2ac: {  	_ =	sfence.sel $0x180000  }
0x2ad: {  	[bflag:$0x0] =	sbarrier.arrive $0xFFFF  }
0x2ae: {  	_ =	strace $0x90000047  }
0x2af: {  	s0 =	stileid.u32;
	[bflag:$0x2] =	sbarrier.arrive $0xFFFF  }
0x2b0: {  	p0 =	sne.s32 s0, $0x0;
	s0 =	rddreg [dreg:$0x5]  }
0x2b1: {  	s0 =	sadd.s32 @!p0 $0x100000, s0  }
0x2b2: {  	[sflag:s0] =	ssyncadd.tile.s32 @!p0 $0x1;
	_ =	shalt  }
.Lfunc_end2:
_tile_overlayer_lowered:
.L_overlay_start_2:
0x2b3: {  	(tag) =	ssettag $0x2  }
0x2b4: {  	s0 =	rddreg [dreg:$0x0];
	s2 =	stileid.u32  }
0x2b5: {  	s1 =	rddreg [dreg:$0x1];
	p0 =	sne.s32 s2, $0x0  }
0x2b6: {  	s3 =	rddreg [dreg:$0x2];
	[bflag:$0x3] =	sbarrier.arrive $0xFFFF;
	s2 =	simm.s32 @!p0 $0x1C05  }
0x2b7: {  	[timem:s3], [sflag:s2] =	dma.local @!p0 [hbm:s0], s1  }
0x2b8: {  	s0 =	simm.s32 @!p0 $0x5  }
0x2b9: {  	_ =	swait.ge @!p0 [sflag:s0], s1  }
0x2ba: {  	s1 =	ssub.s32 @!p0 $0x0, s1;
	[sflag:s0] =	ssyncset.done @!p0 $0x0  }
0x2bb: {  	[sflag:s0] =	ssyncadd.s32 @!p0 s1  }
0x2bc: {  	[bflag:$0x3] =	sbarrier.arrive $0xFFFF  }
0x2bd: {  	_ =	shalt  }

</sc_bundles>
